<compile_context>
chip_gen: v7x
topology: tpu7x:2x2x1
jax: 0.10.2.dev20260603
libtpu: 0.0.44.dev20260713+nightly
codegen_flags: <defaults>
</compile_context>

<pallas_src>
import jax
import jax.numpy as jnp
from jax import lax
from jax.experimental import pallas as pl
from jax.experimental.pallas import tpu as pltpu
from jax.experimental.pallas import tpu_sc as plsc

B = 1024
L = 200
EMB = 16
NC = 2
NS = 16
NW = NC * NS
ROWS_PER_W = B // NW
GATHER_PER_W = ROWS_PER_W * L
CHUNK = 128
NCHUNK = GATHER_PER_W // CHUNK
NBUF = 4
TROWS = 125000
NCHUNK_PAD = 56


def _sc_body(seq_hbm, items_hbm, t128_hbm, u_hbm, v_hbm,
             idx_v, qbuf, lanebuf, bufs, usum_v, itm_v,
             vbuf, vrows_v, sem, sem2):
    wid = lax.axis_index("s") * NC + lax.axis_index("c")
    base = wid * ROWS_PER_W
    iota = lax.iota(jnp.int32, 16)

    pltpu.sync_copy(seq_hbm.at[pl.ds(wid * NCHUNK_PAD, NCHUNK_PAD)], idx_v)

    def xform(i, c):
        for o8 in range(8):
            sl = idx_v[i, pl.ds(o8 * 16, 16)]
            qbuf[i, pl.ds(o8 * 16, 16)] = lax.shift_right_logical(sl, 3)
            lanebuf[i, pl.ds(o8 * 16, 16)] = lax.shift_left(
                lax.bitwise_and(sl, 7), 4)
        return c
    lax.fori_loop(0, NCHUNK, xform, 0)

    zero16 = jnp.zeros((EMB,), jnp.float32)
    def zinit(r, c):
        usum_v[r] = zero16
        return c
    lax.fori_loop(0, ROWS_PER_W, zinit, 0)

    for k0 in range(NBUF - 1):
        pltpu.async_copy(t128_hbm.at[qbuf.at[k0]], bufs.at[k0], sem)

    pltpu.sync_copy(items_hbm.at[wid], itm_v)
    vcps = []
    for jb in range(2):
        sl = itm_v[pl.ds(jb * 16, 16)]
        qv = lax.shift_right_logical(sl, 3)
        vcps.append(pltpu.async_copy(
            t128_hbm.at[qv], vbuf.at[pl.ds(jb * 16, 16)], sem2))
    for cp in vcps:
        cp.wait()
    for jb in range(2):
        sl = itm_v[pl.ds(jb * 16, 16)]
        off16 = lax.shift_left(lax.bitwise_and(sl, 7), 4)
        rows16 = iota + jb * 16
        for c in range(16):
            vals = plsc.load_gather(vbuf, [rows16, off16 + c])
            plsc.store_scatter(
                vrows_v, [rows16, jnp.full((16,), c, jnp.int32)], vals)

    def chunk_step(k, c):
        pltpu.make_async_copy(t128_hbm.at[qbuf.at[0]],
                              bufs.at[0], sem).wait()
        slot = lax.rem(k, NBUF)
        slotv = jnp.full((16,), slot, jnp.int32)

        def block_step(b, c2):
            jloc = b * 16
            for k2 in range(16):
                jg = k * CHUNK + jloc + k2
                r = lax.div(jg, L)
                off = plsc.load_gather(
                    lanebuf, [jnp.full((16,), k, jnp.int32),
                              jnp.full((16,), jloc + k2, jnp.int32)])
                val = plsc.load_gather(
                    bufs, [slotv, jnp.full((16,), jloc + k2, jnp.int32),
                           off + iota])
                plsc.addupdate(usum_v.at[r], val)
            return c2
        lax.fori_loop(0, CHUNK // 16, block_step, 0)

        @pl.when(k + NBUF - 1 < NCHUNK)
        def _():
            pltpu.async_copy(t128_hbm.at[qbuf.at[k + NBUF - 1]],
                             bufs.at[lax.rem(k + NBUF - 1, NBUF)], sem)
        return c
    lax.fori_loop(0, NCHUNK, chunk_step, 0)

    pltpu.sync_copy(usum_v, u_hbm.at[pl.ds(base, ROWS_PER_W)])
    pltpu.sync_copy(vrows_v, v_hbm.at[pl.ds(base, ROWS_PER_W)])


_sc_gather = pl.kernel(
    _sc_body,
    out_type=[jax.ShapeDtypeStruct((B, EMB), jnp.float32),
              jax.ShapeDtypeStruct((B, EMB), jnp.float32)],
    mesh=plsc.VectorSubcoreMesh(core_axis_name="c", subcore_axis_name="s"),
    scratch_types=[
        pltpu.VMEM((NCHUNK_PAD, CHUNK), jnp.int32),
        pltpu.VMEM((NCHUNK, CHUNK), jnp.int32),
        pltpu.VMEM((NCHUNK, CHUNK), jnp.int32),
        pltpu.VMEM((NBUF, CHUNK, 128), jnp.float32),
        pltpu.VMEM((ROWS_PER_W, EMB), jnp.float32),
        pltpu.VMEM((ROWS_PER_W,), jnp.int32),
        pltpu.VMEM((ROWS_PER_W, 128), jnp.float32),
        pltpu.VMEM((ROWS_PER_W, EMB), jnp.float32),
        pltpu.SemaphoreType.DMA,
        pltpu.SemaphoreType.DMA,
    ],
    compiler_params=pltpu.CompilerParams(needs_layout_passes=False),
)


NFULL = 7812
NRING = 3


NB512 = 1952
KPW = NB512 // NW


def _repack_body(tt_hbm, tail8_hbm, t128_hbm, ibufs, obufs, ib1, ob1, tailv,
                 semi, semo, semt):
    wid = lax.axis_index("s") * NC + lax.axis_index("c")
    iota = lax.iota(jnp.int32, 16)

    @pl.when(wid == 0)
    def _():
        pltpu.sync_copy(tail8_hbm, tailv)
        pltpu.sync_copy(tailv, t128_hbm.at[pl.ds(NFULL * 16, 8)])

    @pl.when(wid < 4)
    def _():
        c0 = NB512 * 512 + wid * 128
        pltpu.async_copy(tt_hbm.at[:, pl.ds(c0, 128)],
                         ib1.at[:, pl.ds(0, 128)], semt).wait()

        def tcol(cc8, c2):
            for a in range(8):
                cc = cc8 * 8 + a
                row = plsc.load_gather(
                    ib1, [iota, jnp.full((16,), cc, jnp.int32)])
                ob1[cc8, pl.ds(a * 16, 16)] = row
            return c2
        lax.fori_loop(0, 16, tcol, 0)
        pltpu.async_copy(
            ob1, t128_hbm.at[pl.ds(NB512 * 64 + wid * 16, 16)],
            semt).wait()

    def issue_in(k):
        bi = wid + NW * k
        pltpu.async_copy(tt_hbm.at[:, pl.ds(bi * 512, 512)],
                         ibufs.at[lax.rem(k, NRING), :, pl.ds(0, 512)], semi)

    issue_in(0)
    issue_in(1)

    def step(k, c):
        bi = wid + NW * k
        slot = lax.rem(k, NRING)
        pltpu.make_async_copy(tt_hbm.at[:, pl.ds(0, 512)],
                              ibufs.at[0, :, pl.ds(0, 512)], semi).wait()

        @pl.when(k >= NRING)
        def _():
            pltpu.make_async_copy(obufs.at[0],
                                  t128_hbm.at[pl.ds(0, 64)], semo).wait()
        slotv = jnp.full((16,), slot, jnp.int32)

        def col_step(cc8, c2):
            for a in range(8):
                cc = cc8 * 8 + a
                row = plsc.load_gather(
                    ibufs, [slotv, iota, jnp.full((16,), cc, jnp.int32)])
                obufs[slot, cc8, pl.ds(a * 16, 16)] = row
            return c2
        lax.fori_loop(0, 64, col_step, 0)
        pltpu.async_copy(obufs.at[slot],
                         t128_hbm.at[pl.ds(bi * 64, 64)], semo)

        @pl.when(k + 2 < KPW)
        def _():
            issue_in(k + 2)
        return c
    lax.fori_loop(0, KPW, step, 0)

    for _ in range(NRING):
        pltpu.make_async_copy(obufs.at[0],
                              t128_hbm.at[pl.ds(0, 64)], semo).wait()


_sc_repack = pl.kernel(
    _repack_body,
    out_type=jax.ShapeDtypeStruct((TROWS, 128), jnp.float32),
    mesh=plsc.VectorSubcoreMesh(core_axis_name="c", subcore_axis_name="s"),
    scratch_types=[
        pltpu.VMEM((NRING, 16, 513), jnp.float32),
        pltpu.VMEM((NRING, 64, 128), jnp.float32),
        pltpu.VMEM((16, 129), jnp.float32),
        pltpu.VMEM((16, 128), jnp.float32),
        pltpu.VMEM((8, 128), jnp.float32),
        pltpu.SemaphoreType.DMA,
        pltpu.SemaphoreType.DMA,
        pltpu.SemaphoreType.DMA,
    ],
    compiler_params=pltpu.CompilerParams(needs_layout_passes=False),
)


def _tc_body(u_ref, v_ref, o_ref):
    u = u_ref[...]
    v = v_ref[...]
    un = u * lax.rsqrt(jnp.maximum(jnp.sum(u * u, axis=1, keepdims=True),
                                   1e-24))
    vn = v * lax.rsqrt(jnp.maximum(jnp.sum(v * v, axis=1, keepdims=True),
                                   1e-24))
    o_ref[...] = lax.dot_general(un, vn, (((1,), (1,)), ((), ())),
                                 preferred_element_type=jnp.float32)


_tc_score = pl.pallas_call(
    _tc_body,
    out_shape=jax.ShapeDtypeStruct((B, B), jnp.float32),
)


@jax.jit
def kernel(input_seqs, items_to_predict, table):
    tail8 = table[NFULL * 128:TROWS * 8].reshape(8, 128)
    t128 = _sc_repack(table.T, tail8)
    seq_r = jnp.pad(
        input_seqs.reshape(NW, GATHER_PER_W),
        ((0, 0), (0, NCHUNK_PAD * CHUNK - GATHER_PER_W)),
    ).reshape(NW * NCHUNK_PAD, CHUNK)
    items1 = items_to_predict[:, -1].reshape(NW, ROWS_PER_W)
    u_sum, v_rows = _sc_gather(seq_r, items1, t128)
    scores = _tc_score(u_sum, v_rows)
    return scores.reshape(B, B, 1)

# --- scband reference (transcript-rebuilt; emitter-appended) ---
"""Pipeline reference for scband-core-38860864094661 (READ-ONLY COPY).

The authoritative reference and input builder live on the scoring server;
editing this copy changes nothing except your own understanding.
"""

import jax, jax.numpy as jnp
import numpy as np

B = 1024
L = 200
P = 100
NUM_ITEMS = 1000000
EMB = 16
PAD = 0

def _normalize(x, axis=-1, eps=1e-12):
    n = jnp.linalg.norm(x, ord=2, axis=axis, keepdims=True)
    return x / jnp.maximum(n, eps)

def setup_inputs(seed: int = 0) -> dict:
    key = jax.random.key(seed)
    k1, k2, k3 = jax.random.split(key, 3)
    input_seqs = jax.random.randint(k1, (B, L), 0, NUM_ITEMS, dtype=jnp.int64 if jax.config.jax_enable_x64 else jnp.int32).astype(jnp.int32)
    items_to_predict = jax.random.randint(k2, (B, P), 0, NUM_ITEMS).astype(jnp.int32)
    table = jax.random.normal(k3, (NUM_ITEMS + 1, EMB), dtype=jnp.float32)
    table = table.at[PAD].set(0.0)  # padding_idx row zeroed
    return {"input_seqs": input_seqs, "items_to_predict": items_to_predict, "table": table}

def reference(input_seqs, items_to_predict, table):
    # item embedding lookup (dropout layers are identity in eval mode)
    item_embs = jnp.take(table, input_seqs, axis=0)  # [B, L, D]
    x = item_embs
    # compute_alpha_avg
    mask = ~jnp.isclose(input_seqs, PAD * jnp.ones_like(input_seqs))
    alpha = mask.astype(jnp.float32) / mask.sum(axis=1, keepdims=True).astype(jnp.float32)
    alpha = alpha[..., None]  # [B, L, 1]
    seq_output = (alpha * x).sum(axis=1)[:, None, :]  # [B, 1, D]
    seq_output = _normalize(seq_output, axis=-1)
    timesteps_to_use = min(items_to_predict.shape[1], seq_output.shape[1])  # = 1
    seq_output = seq_output[:, -timesteps_to_use:][:, :, None, :]  # [B, 1, 1, D]
    items = items_to_predict[:, -timesteps_to_use:]  # [B, 1]
    poss_item_embs = _normalize(jnp.take(table, items, axis=0), axis=-1)  # [B, 1, D]
    # broadcasting: [B,1,1,D] * [B,1,D] -> [B,B,1,D]
    scores = (seq_output * poss_item_embs).sum(axis=-1)  # [B, B, 1]
    return scores

if __name__ == "__main__":
    import jax
    _d = setup_inputs()
    print(jax.jit(kernel)(*tuple(_d.values())))

</pallas_src>

<mosaic_0001>
#map = affine_map<(d0, d1) -> (0, 0)>
module attributes {stable_mosaic.version = 14 : i64} {
  func.func @_repack_body(%arg0: i32, %arg1: i32, %arg2: memref<16x1000001xf32, #tpu.memory_space<hbm>>, %arg3: memref<8x128xf32, #tpu.memory_space<hbm>>, %arg4: memref<125000x128xf32, #tpu.memory_space<hbm>>, %arg5: memref<3x16x513xf32, #tpu.memory_space<vmem>>, %arg6: memref<3x64x128xf32, #tpu.memory_space<vmem>>, %arg7: memref<16x129xf32, #tpu.memory_space<vmem>>, %arg8: memref<16x128xf32, #tpu.memory_space<vmem>>, %arg9: memref<8x128xf32, #tpu.memory_space<vmem>>, %arg10: memref<!tpu.dma_semaphore, #tpu.memory_space<semaphore_mem>>, %arg11: memref<!tpu.dma_semaphore, #tpu.memory_space<semaphore_mem>>, %arg12: memref<!tpu.dma_semaphore, #tpu.memory_space<semaphore_mem>>) attributes {dimension_semantics = [#tpu.dimension_semantics<core_parallel>, #tpu.dimension_semantics<subcore_parallel>], iteration_bounds = array<i64: 2, 16>, scalar_prefetch = 0 : i64, scratch_operands = 8 : i64, tpu.core_type = #tpu.core_type<sc_vector_subcore>, window_params = [{transform_indices = #map}, {transform_indices = #map}, {transform_indices = #map}]} {
    %mul3A = arith.constant 2 : i32
    %mul3A_0 = arith.muli %arg1, %mul3A : i32
    %add3A = arith.addi %mul3A_0, %arg0 : i32
    %iota3A = tpu.iota {dimensions = array<i32: 0>} : vector<16xi32>
    %eq3A = arith.constant 0 : i32
    %eq3A_1 = arith.cmpi eq, %add3A, %eq3A : i32
    %convert_element_type3A = arith.extui %eq3A_1 : i1 to i32
    %cond3A = arith.constant 0 : i32
    %cond3A_2 = arith.cmpi ne, %convert_element_type3A, %cond3A : i32
    scf.if %cond3A_2 {
      "tpu.region"() ({
        %run_scoped3A = tpu.sem_alloc : memref<!tpu.dma_semaphore, #tpu.memory_space<semaphore_mem>>
        tpu.enqueue_dma source(%arg3 : memref<8x128xf32, #tpu.memory_space<hbm>>) target(%arg9 : memref<8x128xf32, #tpu.memory_space<vmem>>) target_semaphore(%run_scoped3A : memref<!tpu.dma_semaphore, #tpu.memory_space<semaphore_mem>>)
        tpu.wait_dma2 semaphore(%run_scoped3A : memref<!tpu.dma_semaphore, #tpu.memory_space<semaphore_mem>>) src(%arg3 : memref<8x128xf32, #tpu.memory_space<hbm>>) dst(%arg9 : memref<8x128xf32, #tpu.memory_space<vmem>>)
        tpu.yield
      }) : () -> ()
      "tpu.region"() ({
        %run_scoped3A = tpu.sem_alloc : memref<!tpu.dma_semaphore, #tpu.memory_space<semaphore_mem>>
        %dma_start3A_92 = arith.constant 124992 : i32
        %dma_start3A_93 = arith.constant 0 : i32
        %dma_start3A_94 = tpu.memref_slice %arg4[%dma_start3A_92, %dma_start3A_93] : memref<125000x128xf32, #tpu.memory_space<hbm>> -> memref<8x128xf32, #tpu.memory_space<hbm>>
        %dma_start3A_95 = arith.constant 124992 : i32
        %dma_start3A_96 = arith.constant 0 : i32
        %dma_start3A_97 = tpu.memref_slice %arg4[%dma_start3A_95, %dma_start3A_96] : memref<125000x128xf32, #tpu.memory_space<hbm>> -> memref<8x128xf32, #tpu.memory_space<hbm>>
        tpu.enqueue_dma source(%arg9 : memref<8x128xf32, #tpu.memory_space<vmem>>) target(%dma_start3A_97 : memref<8x128xf32, #tpu.memory_space<hbm>>) target_semaphore(%run_scoped3A : memref<!tpu.dma_semaphore, #tpu.memory_space<semaphore_mem>>)
        %dma_wait3A_98 = arith.constant 124992 : i32
        %dma_wait3A_99 = arith.constant 0 : i32
        %dma_wait3A_100 = tpu.memref_slice %arg4[%dma_wait3A_98, %dma_wait3A_99] : memref<125000x128xf32, #tpu.memory_space<hbm>> -> memref<8x128xf32, #tpu.memory_space<hbm>>
        %dma_wait3A_101 = arith.constant 124992 : i32
        %dma_wait3A_102 = arith.constant 0 : i32
        %dma_wait3A_103 = tpu.memref_slice %arg4[%dma_wait3A_101, %dma_wait3A_102] : memref<125000x128xf32, #tpu.memory_space<hbm>> -> memref<8x128xf32, #tpu.memory_space<hbm>>
        tpu.wait_dma2 semaphore(%run_scoped3A : memref<!tpu.dma_semaphore, #tpu.memory_space<semaphore_mem>>) src(%arg9 : memref<8x128xf32, #tpu.memory_space<vmem>>) dst(%dma_wait3A_103 : memref<8x128xf32, #tpu.memory_space<hbm>>)
        tpu.yield
      }) : () -> ()
    } else {
    }
    %lt3A = arith.constant 4 : i32
    %lt3A_3 = arith.cmpi slt, %add3A, %lt3A : i32
    %convert_element_type3A_4 = arith.extui %lt3A_3 : i1 to i32
    %cond3A_5 = arith.constant 0 : i32
    %cond3A_6 = arith.cmpi ne, %convert_element_type3A_4, %cond3A_5 : i32
    scf.if %cond3A_6 {
      %mul3A_92 = arith.constant 128 : i32
      %mul3A_93 = arith.muli %add3A, %mul3A_92 : i32
      %add3A_94 = arith.constant 999424 : i32
      %add3A_95 = arith.addi %add3A_94, %mul3A_93 : i32
      %dma_start3A_96 = arith.constant 0 : i32
      %dma_start3A_97 = arith.constant 0 : i32
      %dma_start3A_98 = tpu.memref_slice %arg7[%dma_start3A_96, %dma_start3A_97] : memref<16x129xf32, #tpu.memory_space<vmem>> -> memref<16x128xf32, #tpu.memory_space<vmem>>
      %dma_start3A_99 = arith.constant 0 : i32
      %dma_start3A_100 = tpu.memref_slice %arg2[%dma_start3A_99, %add3A_95] : memref<16x1000001xf32, #tpu.memory_space<hbm>> -> memref<16x128xf32, #tpu.memory_space<hbm>>
      %dma_start3A_101 = arith.constant 0 : i32
      %dma_start3A_102 = arith.constant 0 : i32
      %dma_start3A_103 = tpu.memref_slice %arg7[%dma_start3A_101, %dma_start3A_102] : memref<16x129xf32, #tpu.memory_space<vmem>> -> memref<16x128xf32, #tpu.memory_space<vmem>>
      %dma_start3A_104 = arith.constant 0 : i32
      %dma_start3A_105 = tpu.memref_slice %arg2[%dma_start3A_104, %add3A_95] : memref<16x1000001xf32, #tpu.memory_space<hbm>> -> memref<16x128xf32, #tpu.memory_space<hbm>>
      tpu.enqueue_dma source(%dma_start3A_105 : memref<16x128xf32, #tpu.memory_space<hbm>>) target(%dma_start3A_103 : memref<16x128xf32, #tpu.memory_space<vmem>>) target_semaphore(%arg12 : memref<!tpu.dma_semaphore, #tpu.memory_space<semaphore_mem>>)
      %dma_wait3A_106 = arith.constant 0 : i32
      %dma_wait3A_107 = arith.constant 0 : i32
      %dma_wait3A_108 = tpu.memref_slice %arg7[%dma_wait3A_106, %dma_wait3A_107] : memref<16x129xf32, #tpu.memory_space<vmem>> -> memref<16x128xf32, #tpu.memory_space<vmem>>
      %dma_wait3A_109 = arith.constant 0 : i32
      %dma_wait3A_110 = tpu.memref_slice %arg2[%dma_wait3A_109, %add3A_95] : memref<16x1000001xf32, #tpu.memory_space<hbm>> -> memref<16x128xf32, #tpu.memory_space<hbm>>
      %dma_wait3A_111 = arith.constant 0 : i32
      %dma_wait3A_112 = arith.constant 0 : i32
      %dma_wait3A_113 = tpu.memref_slice %arg7[%dma_wait3A_111, %dma_wait3A_112] : memref<16x129xf32, #tpu.memory_space<vmem>> -> memref<16x128xf32, #tpu.memory_space<vmem>>
      %dma_wait3A_114 = arith.constant 0 : i32
      %dma_wait3A_115 = tpu.memref_slice %arg2[%dma_wait3A_114, %add3A_95] : memref<16x1000001xf32, #tpu.memory_space<hbm>> -> memref<16x128xf32, #tpu.memory_space<hbm>>
      tpu.wait_dma2 semaphore(%arg12 : memref<!tpu.dma_semaphore, #tpu.memory_space<semaphore_mem>>) src(%dma_wait3A_115 : memref<16x128xf32, #tpu.memory_space<hbm>>) dst(%dma_wait3A_113 : memref<16x128xf32, #tpu.memory_space<vmem>>)
      %scan3A_116 = arith.constant 0 : i32
      %scan3A_117 = arith.constant 0 : i32
      %scan3A_118 = arith.constant 16 : i32
      %scan3A_119 = arith.addi %scan3A_117, %scan3A_118 : i32
      %scan3A_120 = arith.constant 1 : i32
      scf.for %scan3A_134 = %scan3A_117 to %scan3A_119 step %scan3A_120  : i32 {
        %mul3A_135 = arith.constant 8 : i32
        %mul3A_136 = arith.muli %scan3A_134, %mul3A_135 : i32
        %add3A_137 = arith.constant 0 : i32
        %add3A_138 = arith.addi %mul3A_136, %add3A_137 : i32
        %broadcast_in_dim3A = vector.broadcast %add3A_138 : i32 to vector<16xi32>
        %gather3A = tpu.vector_load_idx %arg7[%iota3A, %broadcast_in_dim3A] : memref<16x129xf32, #tpu.memory_space<vmem>>[vector<16xi32>, vector<16xi32>], vector<16xf32>,
        %swap3A = arith.index_cast %scan3A_134 : i32 to index
        %swap3A_139 = arith.constant 0 : index
        %swap3A_140 = tpu.vector_load %arg8[%swap3A, %swap3A_139] {strides = array<i32>} : memref<16x128xf32, #tpu.memory_space<vmem>>, vector<16xf32>,
        tpu.vector_store %arg8[%swap3A, %swap3A_139], %gather3A {strides = array<i32>} : memref<16x128xf32, #tpu.memory_space<vmem>>, vector<16xf32>,
        %mul3A_141 = arith.constant 8 : i32
        %mul3A_142 = arith.muli %scan3A_134, %mul3A_141 : i32
        %add3A_143 = arith.constant 1 : i32
        %add3A_144 = arith.addi %mul3A_142, %add3A_143 : i32
        %broadcast_in_dim3A_145 = vector.broadcast %add3A_144 : i32 to vector<16xi32>
        %gather3A_146 = tpu.vector_load_idx %arg7[%iota3A, %broadcast_in_dim3A_145] : memref<16x129xf32, #tpu.memory_space<vmem>>[vector<16xi32>, vector<16xi32>], vector<16xf32>,
        %swap3A_147 = arith.index_cast %scan3A_134 : i32 to index
        %swap3A_148 = arith.constant 16 : index
        %swap3A_149 = tpu.vector_load %arg8[%swap3A_147, %swap3A_148] {strides = array<i32>} : memref<16x128xf32, #tpu.memory_space<vmem>>, vector<16xf32>,
        tpu.vector_store %arg8[%swap3A_147, %swap3A_148], %gather3A_146 {strides = array<i32>} : memref<16x128xf32, #tpu.memory_space<vmem>>, vector<16xf32>,
        %mul3A_150 = arith.constant 8 : i32
        %mul3A_151 = arith.muli %scan3A_134, %mul3A_150 : i32
        %add3A_152 = arith.constant 2 : i32
        %add3A_153 = arith.addi %mul3A_151, %add3A_152 : i32
        %broadcast_in_dim3A_154 = vector.broadcast %add3A_153 : i32 to vector<16xi32>
        %gather3A_155 = tpu.vector_load_idx %arg7[%iota3A, %broadcast_in_dim3A_154] : memref<16x129xf32, #tpu.memory_space<vmem>>[vector<16xi32>, vector<16xi32>], vector<16xf32>,
        %swap3A_156 = arith.index_cast %scan3A_134 : i32 to index
        %swap3A_157 = arith.constant 32 : index
        %swap3A_158 = tpu.vector_load %arg8[%swap3A_156, %swap3A_157] {strides = array<i32>} : memref<16x128xf32, #tpu.memory_space<vmem>>, vector<16xf32>,
        tpu.vector_store %arg8[%swap3A_156, %swap3A_157], %gather3A_155 {strides = array<i32>} : memref<16x128xf32, #tpu.memory_space<vmem>>, vector<16xf32>,
        %mul3A_159 = arith.constant 8 : i32
        %mul3A_160 = arith.muli %scan3A_134, %mul3A_159 : i32
        %add3A_161 = arith.constant 3 : i32
        %add3A_162 = arith.addi %mul3A_160, %add3A_161 : i32
        %broadcast_in_dim3A_163 = vector.broadcast %add3A_162 : i32 to vector<16xi32>
        %gather3A_164 = tpu.vector_load_idx %arg7[%iota3A, %broadcast_in_dim3A_163] : memref<16x129xf32, #tpu.memory_space<vmem>>[vector<16xi32>, vector<16xi32>], vector<16xf32>,
        %swap3A_165 = arith.index_cast %scan3A_134 : i32 to index
        %swap3A_166 = arith.constant 48 : index
        %swap3A_167 = tpu.vector_load %arg8[%swap3A_165, %swap3A_166] {strides = array<i32>} : memref<16x128xf32, #tpu.memory_space<vmem>>, vector<16xf32>,
        tpu.vector_store %arg8[%swap3A_165, %swap3A_166], %gather3A_164 {strides = array<i32>} : memref<16x128xf32, #tpu.memory_space<vmem>>, vector<16xf32>,
        %mul3A_168 = arith.constant 8 : i32
        %mul3A_169 = arith.muli %scan3A_134, %mul3A_168 : i32
        %add3A_170 = arith.constant 4 : i32
        %add3A_171 = arith.addi %mul3A_169, %add3A_170 : i32
        %broadcast_in_dim3A_172 = vector.broadcast %add3A_171 : i32 to vector<16xi32>
        %gather3A_173 = tpu.vector_load_idx %arg7[%iota3A, %broadcast_in_dim3A_172] : memref<16x129xf32, #tpu.memory_space<vmem>>[vector<16xi32>, vector<16xi32>], vector<16xf32>,
        %swap3A_174 = arith.index_cast %scan3A_134 : i32 to index
        %swap3A_175 = arith.constant 64 : index
        %swap3A_176 = tpu.vector_load %arg8[%swap3A_174, %swap3A_175] {strides = array<i32>} : memref<16x128xf32, #tpu.memory_space<vmem>>, vector<16xf32>,
        tpu.vector_store %arg8[%swap3A_174, %swap3A_175], %gather3A_173 {strides = array<i32>} : memref<16x128xf32, #tpu.memory_space<vmem>>, vector<16xf32>,
        %mul3A_177 = arith.constant 8 : i32
        %mul3A_178 = arith.muli %scan3A_134, %mul3A_177 : i32
        %add3A_179 = arith.constant 5 : i32
        %add3A_180 = arith.addi %mul3A_178, %add3A_179 : i32
        %broadcast_in_dim3A_181 = vector.broadcast %add3A_180 : i32 to vector<16xi32>
        %gather3A_182 = tpu.vector_load_idx %arg7[%iota3A, %broadcast_in_dim3A_181] : memref<16x129xf32, #tpu.memory_space<vmem>>[vector<16xi32>, vector<16xi32>], vector<16xf32>,
        %swap3A_183 = arith.index_cast %scan3A_134 : i32 to index
        %swap3A_184 = arith.constant 80 : index
        %swap3A_185 = tpu.vector_load %arg8[%swap3A_183, %swap3A_184] {strides = array<i32>} : memref<16x128xf32, #tpu.memory_space<vmem>>, vector<16xf32>,
        tpu.vector_store %arg8[%swap3A_183, %swap3A_184], %gather3A_182 {strides = array<i32>} : memref<16x128xf32, #tpu.memory_space<vmem>>, vector<16xf32>,
        %mul3A_186 = arith.constant 8 : i32
        %mul3A_187 = arith.muli %scan3A_134, %mul3A_186 : i32
        %add3A_188 = arith.constant 6 : i32
        %add3A_189 = arith.addi %mul3A_187, %add3A_188 : i32
        %broadcast_in_dim3A_190 = vector.broadcast %add3A_189 : i32 to vector<16xi32>
        %gather3A_191 = tpu.vector_load_idx %arg7[%iota3A, %broadcast_in_dim3A_190] : memref<16x129xf32, #tpu.memory_space<vmem>>[vector<16xi32>, vector<16xi32>], vector<16xf32>,
        %swap3A_192 = arith.index_cast %scan3A_134 : i32 to index
        %swap3A_193 = arith.constant 96 : index
        %swap3A_194 = tpu.vector_load %arg8[%swap3A_192, %swap3A_193] {strides = array<i32>} : memref<16x128xf32, #tpu.memory_space<vmem>>, vector<16xf32>,
        tpu.vector_store %arg8[%swap3A_192, %swap3A_193], %gather3A_191 {strides = array<i32>} : memref<16x128xf32, #tpu.memory_space<vmem>>, vector<16xf32>,
        %mul3A_195 = arith.constant 8 : i32
        %mul3A_196 = arith.muli %scan3A_134, %mul3A_195 : i32
        %add3A_197 = arith.constant 7 : i32
        %add3A_198 = arith.addi %mul3A_196, %add3A_197 : i32
        %broadcast_in_dim3A_199 = vector.broadcast %add3A_198 : i32 to vector<16xi32>
        %gather3A_200 = tpu.vector_load_idx %arg7[%iota3A, %broadcast_in_dim3A_199] : memref<16x129xf32, #tpu.memory_space<vmem>>[vector<16xi32>, vector<16xi32>], vector<16xf32>,
        %swap3A_201 = arith.index_cast %scan3A_134 : i32 to index
        %swap3A_202 = arith.constant 112 : index
        %swap3A_203 = tpu.vector_load %arg8[%swap3A_201, %swap3A_202] {strides = array<i32>} : memref<16x128xf32, #tpu.memory_space<vmem>>, vector<16xf32>,
        tpu.vector_store %arg8[%swap3A_201, %swap3A_202], %gather3A_200 {strides = array<i32>} : memref<16x128xf32, #tpu.memory_space<vmem>>, vector<16xf32>,
      }
      %scan3A_121 = arith.constant 16 : i32
      %mul3A_122 = arith.constant 16 : i32
      %mul3A_123 = arith.muli %add3A, %mul3A_122 : i32
      %add3A_124 = arith.constant 124928 : i32
      %add3A_125 = arith.addi %add3A_124, %mul3A_123 : i32
      %dma_start3A_126 = arith.constant 0 : i32
      %dma_start3A_127 = tpu.memref_slice %arg4[%add3A_125, %dma_start3A_126] : memref<125000x128xf32, #tpu.memory_space<hbm>> -> memref<16x128xf32, #tpu.memory_space<hbm>>
      %dma_start3A_128 = arith.constant 0 : i32
      %dma_start3A_129 = tpu.memref_slice %arg4[%add3A_125, %dma_start3A_128] : memref<125000x128xf32, #tpu.memory_space<hbm>> -> memref<16x128xf32, #tpu.memory_space<hbm>>
      tpu.enqueue_dma source(%arg8 : memref<16x128xf32, #tpu.memory_space<vmem>>) target(%dma_start3A_129 : memref<16x128xf32, #tpu.memory_space<hbm>>) target_semaphore(%arg12 : memref<!tpu.dma_semaphore, #tpu.memory_space<semaphore_mem>>)
      %dma_wait3A_130 = arith.constant 0 : i32
      %dma_wait3A_131 = tpu.memref_slice %arg4[%add3A_125, %dma_wait3A_130] : memref<125000x128xf32, #tpu.memory_space<hbm>> -> memref<16x128xf32, #tpu.memory_space<hbm>>
      %dma_wait3A_132 = arith.constant 0 : i32
      %dma_wait3A_133 = tpu.memref_slice %arg4[%add3A_125, %dma_wait3A_132] : memref<125000x128xf32, #tpu.memory_space<hbm>> -> memref<16x128xf32, #tpu.memory_space<hbm>>
      tpu.wait_dma2 semaphore(%arg12 : memref<!tpu.dma_semaphore, #tpu.memory_space<semaphore_mem>>) src(%arg8 : memref<16x128xf32, #tpu.memory_space<vmem>>) dst(%dma_wait3A_133 : memref<16x128xf32, #tpu.memory_space<hbm>>)
    } else {
    }
    %add3A_7 = arith.constant 0 : i32
    %add3A_8 = arith.addi %add3A, %add3A_7 : i32
    %mul3A_9 = arith.constant 512 : i32
    %mul3A_10 = arith.muli %add3A_8, %mul3A_9 : i32
    %rem3A = arith.constant 0 : i32
    %rem3A_11 = arith.constant 3 : i32
    %rem3A_12 = arith.remsi %rem3A, %rem3A_11 : i32
    %dma_start3A = arith.constant 0 : i32
    %dma_start3A_13 = arith.constant 0 : i32
    %dma_start3A_14 = tpu.memref_slice %arg5[%rem3A_12, %dma_start3A, %dma_start3A_13] : memref<3x16x513xf32, #tpu.memory_space<vmem>> -> memref<1x16x512xf32, #tpu.memory_space<vmem>>
    %dma_start3A_15 = tpu.memref_squeeze %dma_start3A_14 : memref<1x16x512xf32, #tpu.memory_space<vmem>> -> memref<16x512xf32, #tpu.memory_space<vmem>>
    %dma_start3A_16 = arith.constant 0 : i32
    %dma_start3A_17 = tpu.memref_slice %arg2[%dma_start3A_16, %mul3A_10] : memref<16x1000001xf32, #tpu.memory_space<hbm>> -> memref<16x512xf32, #tpu.memory_space<hbm>>
    %dma_start3A_18 = arith.constant 0 : i32
    %dma_start3A_19 = arith.constant 0 : i32
    %dma_start3A_20 = tpu.memref_slice %arg5[%rem3A_12, %dma_start3A_18, %dma_start3A_19] : memref<3x16x513xf32, #tpu.memory_space<vmem>> -> memref<1x16x512xf32, #tpu.memory_space<vmem>>
    %dma_start3A_21 = tpu.memref_squeeze %dma_start3A_20 : memref<1x16x512xf32, #tpu.memory_space<vmem>> -> memref<16x512xf32, #tpu.memory_space<vmem>>
    %dma_start3A_22 = arith.constant 0 : i32
    %dma_start3A_23 = tpu.memref_slice %arg2[%dma_start3A_22, %mul3A_10] : memref<16x1000001xf32, #tpu.memory_space<hbm>> -> memref<16x512xf32, #tpu.memory_space<hbm>>
    tpu.enqueue_dma source(%dma_start3A_23 : memref<16x512xf32, #tpu.memory_space<hbm>>) target(%dma_start3A_21 : memref<16x512xf32, #tpu.memory_space<vmem>>) target_semaphore(%arg10 : memref<!tpu.dma_semaphore, #tpu.memory_space<semaphore_mem>>)
    %add3A_24 = arith.constant 32 : i32
    %add3A_25 = arith.addi %add3A, %add3A_24 : i32
    %mul3A_26 = arith.constant 512 : i32
    %mul3A_27 = arith.muli %add3A_25, %mul3A_26 : i32
    %rem3A_28 = arith.constant 1 : i32
    %rem3A_29 = arith.constant 3 : i32
    %rem3A_30 = arith.remsi %rem3A_28, %rem3A_29 : i32
    %dma_start3A_31 = arith.constant 0 : i32
    %dma_start3A_32 = arith.constant 0 : i32
    %dma_start3A_33 = tpu.memref_slice %arg5[%rem3A_30, %dma_start3A_31, %dma_start3A_32] : memref<3x16x513xf32, #tpu.memory_space<vmem>> -> memref<1x16x512xf32, #tpu.memory_space<vmem>>
    %dma_start3A_34 = tpu.memref_squeeze %dma_start3A_33 : memref<1x16x512xf32, #tpu.memory_space<vmem>> -> memref<16x512xf32, #tpu.memory_space<vmem>>
    %dma_start3A_35 = arith.constant 0 : i32
    %dma_start3A_36 = tpu.memref_slice %arg2[%dma_start3A_35, %mul3A_27] : memref<16x1000001xf32, #tpu.memory_space<hbm>> -> memref<16x512xf32, #tpu.memory_space<hbm>>
    %dma_start3A_37 = arith.constant 0 : i32
    %dma_start3A_38 = arith.constant 0 : i32
    %dma_start3A_39 = tpu.memref_slice %arg5[%rem3A_30, %dma_start3A_37, %dma_start3A_38] : memref<3x16x513xf32, #tpu.memory_space<vmem>> -> memref<1x16x512xf32, #tpu.memory_space<vmem>>
    %dma_start3A_40 = tpu.memref_squeeze %dma_start3A_39 : memref<1x16x512xf32, #tpu.memory_space<vmem>> -> memref<16x512xf32, #tpu.memory_space<vmem>>
    %dma_start3A_41 = arith.constant 0 : i32
    %dma_start3A_42 = tpu.memref_slice %arg2[%dma_start3A_41, %mul3A_27] : memref<16x1000001xf32, #tpu.memory_space<hbm>> -> memref<16x512xf32, #tpu.memory_space<hbm>>
    tpu.enqueue_dma source(%dma_start3A_42 : memref<16x512xf32, #tpu.memory_space<hbm>>) target(%dma_start3A_40 : memref<16x512xf32, #tpu.memory_space<vmem>>) target_semaphore(%arg10 : memref<!tpu.dma_semaphore, #tpu.memory_space<semaphore_mem>>)
    %scan3A = arith.constant 0 : i32
    %scan3A_43 = arith.constant 0 : i32
    %scan3A_44 = arith.constant 61 : i32
    %scan3A_45 = arith.addi %scan3A_43, %scan3A_44 : i32
    %scan3A_46 = arith.constant 1 : i32
    scf.for %scan3A_92 = %scan3A_43 to %scan3A_45 step %scan3A_46  : i32 {
      %mul3A_93 = arith.constant 32 : i32
      %mul3A_94 = arith.muli %mul3A_93, %scan3A_92 : i32
      %add3A_95 = arith.addi %add3A, %mul3A_94 : i32
      %rem3A_96 = arith.constant 3 : i32
      %rem3A_97 = arith.remsi %scan3A_92, %rem3A_96 : i32
      %dma_wait3A_98 = arith.constant 0 : i32
      %dma_wait3A_99 = arith.constant 0 : i32
      %dma_wait3A_100 = arith.constant 0 : i32
      %dma_wait3A_101 = tpu.memref_slice %arg5[%dma_wait3A_98, %dma_wait3A_99, %dma_wait3A_100] : memref<3x16x513xf32, #tpu.memory_space<vmem>> -> memref<1x16x512xf32, #tpu.memory_space<vmem>>
      %dma_wait3A_102 = tpu.memref_squeeze %dma_wait3A_101 : memref<1x16x512xf32, #tpu.memory_space<vmem>> -> memref<16x512xf32, #tpu.memory_space<vmem>>
      %dma_wait3A_103 = arith.constant 0 : i32
      %dma_wait3A_104 = arith.constant 0 : i32
      %dma_wait3A_105 = tpu.memref_slice %arg2[%dma_wait3A_103, %dma_wait3A_104] : memref<16x1000001xf32, #tpu.memory_space<hbm>> -> memref<16x512xf32, #tpu.memory_space<hbm>>
      %dma_wait3A_106 = arith.constant 0 : i32
      %dma_wait3A_107 = arith.constant 0 : i32
      %dma_wait3A_108 = tpu.memref_slice %arg5[%dma_wait3A_98, %dma_wait3A_106, %dma_wait3A_107] : memref<3x16x513xf32, #tpu.memory_space<vmem>> -> memref<1x16x512xf32, #tpu.memory_space<vmem>>
      %dma_wait3A_109 = tpu.memref_squeeze %dma_wait3A_108 : memref<1x16x512xf32, #tpu.memory_space<vmem>> -> memref<16x512xf32, #tpu.memory_space<vmem>>
      %dma_wait3A_110 = arith.constant 0 : i32
      %dma_wait3A_111 = arith.constant 0 : i32
      %dma_wait3A_112 = tpu.memref_slice %arg2[%dma_wait3A_110, %dma_wait3A_111] : memref<16x1000001xf32, #tpu.memory_space<hbm>> -> memref<16x512xf32, #tpu.memory_space<hbm>>
      tpu.wait_dma2 semaphore(%arg10 : memref<!tpu.dma_semaphore, #tpu.memory_space<semaphore_mem>>) src(%dma_wait3A_112 : memref<16x512xf32, #tpu.memory_space<hbm>>) dst(%dma_wait3A_109 : memref<16x512xf32, #tpu.memory_space<vmem>>)
      %ge3A = arith.constant 3 : i32
      %ge3A_113 = arith.cmpi sge, %scan3A_92, %ge3A : i32
      %convert_element_type3A_114 = arith.extui %ge3A_113 : i1 to i32
      %cond3A_115 = arith.constant 0 : i32
      %cond3A_116 = arith.cmpi ne, %convert_element_type3A_114, %cond3A_115 : i32
      scf.if %cond3A_116 {
        %dma_wait3A_144 = arith.constant 0 : i32
        %dma_wait3A_145 = arith.constant 0 : i32
        %dma_wait3A_146 = arith.constant 0 : i32
        %dma_wait3A_147 = tpu.memref_slice %arg6[%dma_wait3A_144, %dma_wait3A_145, %dma_wait3A_146] : memref<3x64x128xf32, #tpu.memory_space<vmem>> -> memref<1x64x128xf32, #tpu.memory_space<vmem>>
        %dma_wait3A_148 = tpu.memref_squeeze %dma_wait3A_147 : memref<1x64x128xf32, #tpu.memory_space<vmem>> -> memref<64x128xf32, #tpu.memory_space<vmem>>
        %dma_wait3A_149 = arith.constant 0 : i32
        %dma_wait3A_150 = arith.constant 0 : i32
        %dma_wait3A_151 = tpu.memref_slice %arg4[%dma_wait3A_149, %dma_wait3A_150] : memref<125000x128xf32, #tpu.memory_space<hbm>> -> memref<64x128xf32, #tpu.memory_space<hbm>>
        %dma_wait3A_152 = arith.constant 0 : i32
        %dma_wait3A_153 = arith.constant 0 : i32
        %dma_wait3A_154 = tpu.memref_slice %arg4[%dma_wait3A_152, %dma_wait3A_153] : memref<125000x128xf32, #tpu.memory_space<hbm>> -> memref<64x128xf32, #tpu.memory_space<hbm>>
        %dma_wait3A_155 = arith.constant 0 : i32
        %dma_wait3A_156 = arith.constant 0 : i32
        %dma_wait3A_157 = tpu.memref_slice %arg6[%dma_wait3A_144, %dma_wait3A_155, %dma_wait3A_156] : memref<3x64x128xf32, #tpu.memory_space<vmem>> -> memref<1x64x128xf32, #tpu.memory_space<vmem>>
        %dma_wait3A_158 = tpu.memref_squeeze %dma_wait3A_157 : memref<1x64x128xf32, #tpu.memory_space<vmem>> -> memref<64x128xf32, #tpu.memory_space<vmem>>
        tpu.wait_dma2 semaphore(%arg11 : memref<!tpu.dma_semaphore, #tpu.memory_space<semaphore_mem>>) src(%dma_wait3A_158 : memref<64x128xf32, #tpu.memory_space<vmem>>) dst(%dma_wait3A_154 : memref<64x128xf32, #tpu.memory_space<hbm>>)
      } else {
      }
      %broadcast_in_dim3A = vector.broadcast %rem3A_97 : i32 to vector<16xi32>
      %scan3A_117 = arith.constant 0 : i32
      %scan3A_118 = arith.constant 0 : i32
      %scan3A_119 = arith.constant 64 : i32
      %scan3A_120 = arith.addi %scan3A_118, %scan3A_119 : i32
      %scan3A_121 = arith.constant 1 : i32
      scf.for %scan3A_144 = %scan3A_118 to %scan3A_120 step %scan3A_121  : i32 {
        %mul3A_145 = arith.constant 8 : i32
        %mul3A_146 = arith.muli %scan3A_144, %mul3A_145 : i32
        %add3A_147 = arith.constant 0 : i32
        %add3A_148 = arith.addi %mul3A_146, %add3A_147 : i32
        %broadcast_in_dim3A_149 = vector.broadcast %add3A_148 : i32 to vector<16xi32>
        %gather3A = tpu.vector_load_idx %arg5[%broadcast_in_dim3A, %iota3A, %broadcast_in_dim3A_149] : memref<3x16x513xf32, #tpu.memory_space<vmem>>[vector<16xi32>, vector<16xi32>, vector<16xi32>], vector<16xf32>,
        %swap3A = arith.index_cast %rem3A_97 : i32 to index
        %swap3A_150 = arith.index_cast %scan3A_144 : i32 to index
        %swap3A_151 = arith.constant 0 : index
        %swap3A_152 = tpu.vector_load %arg6[%swap3A, %swap3A_150, %swap3A_151] {strides = array<i32>} : memref<3x64x128xf32, #tpu.memory_space<vmem>>, vector<16xf32>,
        tpu.vector_store %arg6[%swap3A, %swap3A_150, %swap3A_151], %gather3A {strides = array<i32>} : memref<3x64x128xf32, #tpu.memory_space<vmem>>, vector<16xf32>,
        %mul3A_153 = arith.constant 8 : i32
        %mul3A_154 = arith.muli %scan3A_144, %mul3A_153 : i32
        %add3A_155 = arith.constant 1 : i32
        %add3A_156 = arith.addi %mul3A_154, %add3A_155 : i32
        %broadcast_in_dim3A_157 = vector.broadcast %add3A_156 : i32 to vector<16xi32>
        %gather3A_158 = tpu.vector_load_idx %arg5[%broadcast_in_dim3A, %iota3A, %broadcast_in_dim3A_157] : memref<3x16x513xf32, #tpu.memory_space<vmem>>[vector<16xi32>, vector<16xi32>, vector<16xi32>], vector<16xf32>,
        %swap3A_159 = arith.index_cast %rem3A_97 : i32 to index
        %swap3A_160 = arith.index_cast %scan3A_144 : i32 to index
        %swap3A_161 = arith.constant 16 : index
        %swap3A_162 = tpu.vector_load %arg6[%swap3A_159, %swap3A_160, %swap3A_161] {strides = array<i32>} : memref<3x64x128xf32, #tpu.memory_space<vmem>>, vector<16xf32>,
        tpu.vector_store %arg6[%swap3A_159, %swap3A_160, %swap3A_161], %gather3A_158 {strides = array<i32>} : memref<3x64x128xf32, #tpu.memory_space<vmem>>, vector<16xf32>,
        %mul3A_163 = arith.constant 8 : i32
        %mul3A_164 = arith.muli %scan3A_144, %mul3A_163 : i32
        %add3A_165 = arith.constant 2 : i32
        %add3A_166 = arith.addi %mul3A_164, %add3A_165 : i32
        %broadcast_in_dim3A_167 = vector.broadcast %add3A_166 : i32 to vector<16xi32>
        %gather3A_168 = tpu.vector_load_idx %arg5[%broadcast_in_dim3A, %iota3A, %broadcast_in_dim3A_167] : memref<3x16x513xf32, #tpu.memory_space<vmem>>[vector<16xi32>, vector<16xi32>, vector<16xi32>], vector<16xf32>,
        %swap3A_169 = arith.index_cast %rem3A_97 : i32 to index
        %swap3A_170 = arith.index_cast %scan3A_144 : i32 to index
        %swap3A_171 = arith.constant 32 : index
        %swap3A_172 = tpu.vector_load %arg6[%swap3A_169, %swap3A_170, %swap3A_171] {strides = array<i32>} : memref<3x64x128xf32, #tpu.memory_space<vmem>>, vector<16xf32>,
        tpu.vector_store %arg6[%swap3A_169, %swap3A_170, %swap3A_171], %gather3A_168 {strides = array<i32>} : memref<3x64x128xf32, #tpu.memory_space<vmem>>, vector<16xf32>,
        %mul3A_173 = arith.constant 8 : i32
        %mul3A_174 = arith.muli %scan3A_144, %mul3A_173 : i32
        %add3A_175 = arith.constant 3 : i32
        %add3A_176 = arith.addi %mul3A_174, %add3A_175 : i32
        %broadcast_in_dim3A_177 = vector.broadcast %add3A_176 : i32 to vector<16xi32>
        %gather3A_178 = tpu.vector_load_idx %arg5[%broadcast_in_dim3A, %iota3A, %broadcast_in_dim3A_177] : memref<3x16x513xf32, #tpu.memory_space<vmem>>[vector<16xi32>, vector<16xi32>, vector<16xi32>], vector<16xf32>,
        %swap3A_179 = arith.index_cast %rem3A_97 : i32 to index
        %swap3A_180 = arith.index_cast %scan3A_144 : i32 to index
        %swap3A_181 = arith.constant 48 : index
        %swap3A_182 = tpu.vector_load %arg6[%swap3A_179, %swap3A_180, %swap3A_181] {strides = array<i32>} : memref<3x64x128xf32, #tpu.memory_space<vmem>>, vector<16xf32>,
        tpu.vector_store %arg6[%swap3A_179, %swap3A_180, %swap3A_181], %gather3A_178 {strides = array<i32>} : memref<3x64x128xf32, #tpu.memory_space<vmem>>, vector<16xf32>,
        %mul3A_183 = arith.constant 8 : i32
        %mul3A_184 = arith.muli %scan3A_144, %mul3A_183 : i32
        %add3A_185 = arith.constant 4 : i32
        %add3A_186 = arith.addi %mul3A_184, %add3A_185 : i32
        %broadcast_in_dim3A_187 = vector.broadcast %add3A_186 : i32 to vector<16xi32>
        %gather3A_188 = tpu.vector_load_idx %arg5[%broadcast_in_dim3A, %iota3A, %broadcast_in_dim3A_187] : memref<3x16x513xf32, #tpu.memory_space<vmem>>[vector<16xi32>, vector<16xi32>, vector<16xi32>], vector<16xf32>,
        %swap3A_189 = arith.index_cast %rem3A_97 : i32 to index
        %swap3A_190 = arith.index_cast %scan3A_144 : i32 to index
        %swap3A_191 = arith.constant 64 : index
        %swap3A_192 = tpu.vector_load %arg6[%swap3A_189, %swap3A_190, %swap3A_191] {strides = array<i32>} : memref<3x64x128xf32, #tpu.memory_space<vmem>>, vector<16xf32>,
        tpu.vector_store %arg6[%swap3A_189, %swap3A_190, %swap3A_191], %gather3A_188 {strides = array<i32>} : memref<3x64x128xf32, #tpu.memory_space<vmem>>, vector<16xf32>,
        %mul3A_193 = arith.constant 8 : i32
        %mul3A_194 = arith.muli %scan3A_144, %mul3A_193 : i32
        %add3A_195 = arith.constant 5 : i32
        %add3A_196 = arith.addi %mul3A_194, %add3A_195 : i32
        %broadcast_in_dim3A_197 = vector.broadcast %add3A_196 : i32 to vector<16xi32>
        %gather3A_198 = tpu.vector_load_idx %arg5[%broadcast_in_dim3A, %iota3A, %broadcast_in_dim3A_197] : memref<3x16x513xf32, #tpu.memory_space<vmem>>[vector<16xi32>, vector<16xi32>, vector<16xi32>], vector<16xf32>,
        %swap3A_199 = arith.index_cast %rem3A_97 : i32 to index
        %swap3A_200 = arith.index_cast %scan3A_144 : i32 to index
        %swap3A_201 = arith.constant 80 : index
        %swap3A_202 = tpu.vector_load %arg6[%swap3A_199, %swap3A_200, %swap3A_201] {strides = array<i32>} : memref<3x64x128xf32, #tpu.memory_space<vmem>>, vector<16xf32>,
        tpu.vector_store %arg6[%swap3A_199, %swap3A_200, %swap3A_201], %gather3A_198 {strides = array<i32>} : memref<3x64x128xf32, #tpu.memory_space<vmem>>, vector<16xf32>,
        %mul3A_203 = arith.constant 8 : i32
        %mul3A_204 = arith.muli %scan3A_144, %mul3A_203 : i32
        %add3A_205 = arith.constant 6 : i32
        %add3A_206 = arith.addi %mul3A_204, %add3A_205 : i32
        %broadcast_in_dim3A_207 = vector.broadcast %add3A_206 : i32 to vector<16xi32>
        %gather3A_208 = tpu.vector_load_idx %arg5[%broadcast_in_dim3A, %iota3A, %broadcast_in_dim3A_207] : memref<3x16x513xf32, #tpu.memory_space<vmem>>[vector<16xi32>, vector<16xi32>, vector<16xi32>], vector<16xf32>,
        %swap3A_209 = arith.index_cast %rem3A_97 : i32 to index
        %swap3A_210 = arith.index_cast %scan3A_144 : i32 to index
        %swap3A_211 = arith.constant 96 : index
        %swap3A_212 = tpu.vector_load %arg6[%swap3A_209, %swap3A_210, %swap3A_211] {strides = array<i32>} : memref<3x64x128xf32, #tpu.memory_space<vmem>>, vector<16xf32>,
        tpu.vector_store %arg6[%swap3A_209, %swap3A_210, %swap3A_211], %gather3A_208 {strides = array<i32>} : memref<3x64x128xf32, #tpu.memory_space<vmem>>, vector<16xf32>,
        %mul3A_213 = arith.constant 8 : i32
        %mul3A_214 = arith.muli %scan3A_144, %mul3A_213 : i32
        %add3A_215 = arith.constant 7 : i32
        %add3A_216 = arith.addi %mul3A_214, %add3A_215 : i32
        %broadcast_in_dim3A_217 = vector.broadcast %add3A_216 : i32 to vector<16xi32>
        %gather3A_218 = tpu.vector_load_idx %arg5[%broadcast_in_dim3A, %iota3A, %broadcast_in_dim3A_217] : memref<3x16x513xf32, #tpu.memory_space<vmem>>[vector<16xi32>, vector<16xi32>, vector<16xi32>], vector<16xf32>,
        %swap3A_219 = arith.index_cast %rem3A_97 : i32 to index
        %swap3A_220 = arith.index_cast %scan3A_144 : i32 to index
        %swap3A_221 = arith.constant 112 : index
        %swap3A_222 = tpu.vector_load %arg6[%swap3A_219, %swap3A_220, %swap3A_221] {strides = array<i32>} : memref<3x64x128xf32, #tpu.memory_space<vmem>>, vector<16xf32>,
        tpu.vector_store %arg6[%swap3A_219, %swap3A_220, %swap3A_221], %gather3A_218 {strides = array<i32>} : memref<3x64x128xf32, #tpu.memory_space<vmem>>, vector<16xf32>,
      }
      %scan3A_122 = arith.constant 64 : i32
      %mul3A_123 = arith.constant 64 : i32
      %mul3A_124 = arith.muli %add3A_95, %mul3A_123 : i32
      %dma_start3A_125 = arith.constant 0 : i32
      %dma_start3A_126 = arith.constant 0 : i32
      %dma_start3A_127 = tpu.memref_slice %arg6[%rem3A_97, %dma_start3A_125, %dma_start3A_126] : memref<3x64x128xf32, #tpu.memory_space<vmem>> -> memref<1x64x128xf32, #tpu.memory_space<vmem>>
      %dma_start3A_128 = tpu.memref_squeeze %dma_start3A_127 : memref<1x64x128xf32, #tpu.memory_space<vmem>> -> memref<64x128xf32, #tpu.memory_space<vmem>>
      %dma_start3A_129 = arith.constant 0 : i32
      %dma_start3A_130 = tpu.memref_slice %arg4[%mul3A_124, %dma_start3A_129] : memref<125000x128xf32, #tpu.memory_space<hbm>> -> memref<64x128xf32, #tpu.memory_space<hbm>>
      %dma_start3A_131 = arith.constant 0 : i32
      %dma_start3A_132 = tpu.memref_slice %arg4[%mul3A_124, %dma_start3A_131] : memref<125000x128xf32, #tpu.memory_space<hbm>> -> memref<64x128xf32, #tpu.memory_space<hbm>>
      %dma_start3A_133 = arith.constant 0 : i32
      %dma_start3A_134 = arith.constant 0 : i32
      %dma_start3A_135 = tpu.memref_slice %arg6[%rem3A_97, %dma_start3A_133, %dma_start3A_134] : memref<3x64x128xf32, #tpu.memory_space<vmem>> -> memref<1x64x128xf32, #tpu.memory_space<vmem>>
      %dma_start3A_136 = tpu.memref_squeeze %dma_start3A_135 : memref<1x64x128xf32, #tpu.memory_space<vmem>> -> memref<64x128xf32, #tpu.memory_space<vmem>>
      tpu.enqueue_dma source(%dma_start3A_136 : memref<64x128xf32, #tpu.memory_space<vmem>>) target(%dma_start3A_132 : memref<64x128xf32, #tpu.memory_space<hbm>>) target_semaphore(%arg11 : memref<!tpu.dma_semaphore, #tpu.memory_space<semaphore_mem>>)
      %add3A_137 = arith.constant 2 : i32
      %add3A_138 = arith.addi %scan3A_92, %add3A_137 : i32
      %lt3A_139 = arith.constant 61 : i32
      %lt3A_140 = arith.cmpi slt, %add3A_138, %lt3A_139 : i32
      %convert_element_type3A_141 = arith.extui %lt3A_140 : i1 to i32
      %cond3A_142 = arith.constant 0 : i32
      %cond3A_143 = arith.cmpi ne, %convert_element_type3A_141, %cond3A_142 : i32
      scf.if %cond3A_143 {
        %add3A_144 = arith.constant 2 : i32
        %add3A_145 = arith.addi %scan3A_92, %add3A_144 : i32
        %mul3A_146 = arith.constant 32 : i32
        %mul3A_147 = arith.muli %mul3A_146, %add3A_145 : i32
        %add3A_148 = arith.addi %add3A, %mul3A_147 : i32
        %mul3A_149 = arith.constant 512 : i32
        %mul3A_150 = arith.muli %add3A_148, %mul3A_149 : i32
        %rem3A_151 = arith.constant 3 : i32
        %rem3A_152 = arith.remsi %add3A_145, %rem3A_151 : i32
        %dma_start3A_153 = arith.constant 0 : i32
        %dma_start3A_154 = arith.constant 0 : i32
        %dma_start3A_155 = tpu.memref_slice %arg5[%rem3A_152, %dma_start3A_153, %dma_start3A_154] : memref<3x16x513xf32, #tpu.memory_space<vmem>> -> memref<1x16x512xf32, #tpu.memory_space<vmem>>
        %dma_start3A_156 = tpu.memref_squeeze %dma_start3A_155 : memref<1x16x512xf32, #tpu.memory_space<vmem>> -> memref<16x512xf32, #tpu.memory_space<vmem>>
        %dma_start3A_157 = arith.constant 0 : i32
        %dma_start3A_158 = tpu.memref_slice %arg2[%dma_start3A_157, %mul3A_150] : memref<16x1000001xf32, #tpu.memory_space<hbm>> -> memref<16x512xf32, #tpu.memory_space<hbm>>
        %dma_start3A_159 = arith.constant 0 : i32
        %dma_start3A_160 = arith.constant 0 : i32
        %dma_start3A_161 = tpu.memref_slice %arg5[%rem3A_152, %dma_start3A_159, %dma_start3A_160] : memref<3x16x513xf32, #tpu.memory_space<vmem>> -> memref<1x16x512xf32, #tpu.memory_space<vmem>>
        %dma_start3A_162 = tpu.memref_squeeze %dma_start3A_161 : memref<1x16x512xf32, #tpu.memory_space<vmem>> -> memref<16x512xf32, #tpu.memory_space<vmem>>
        %dma_start3A_163 = arith.constant 0 : i32
        %dma_start3A_164 = tpu.memref_slice %arg2[%dma_start3A_163, %mul3A_150] : memref<16x1000001xf32, #tpu.memory_space<hbm>> -> memref<16x512xf32, #tpu.memory_space<hbm>>
        tpu.enqueue_dma source(%dma_start3A_164 : memref<16x512xf32, #tpu.memory_space<hbm>>) target(%dma_start3A_162 : memref<16x512xf32, #tpu.memory_space<vmem>>) target_semaphore(%arg10 : memref<!tpu.dma_semaphore, #tpu.memory_space<semaphore_mem>>)
      } else {
      }
    }
    %scan3A_47 = arith.constant 61 : i32
    %dma_wait3A = arith.constant 0 : i32
    %dma_wait3A_48 = arith.constant 0 : i32
    %dma_wait3A_49 = arith.constant 0 : i32
    %dma_wait3A_50 = tpu.memref_slice %arg6[%dma_wait3A, %dma_wait3A_48, %dma_wait3A_49] : memref<3x64x128xf32, #tpu.memory_space<vmem>> -> memref<1x64x128xf32, #tpu.memory_space<vmem>>
    %dma_wait3A_51 = tpu.memref_squeeze %dma_wait3A_50 : memref<1x64x128xf32, #tpu.memory_space<vmem>> -> memref<64x128xf32, #tpu.memory_space<vmem>>
    %dma_wait3A_52 = arith.constant 0 : i32
    %dma_wait3A_53 = arith.constant 0 : i32
    %dma_wait3A_54 = tpu.memref_slice %arg4[%dma_wait3A_52, %dma_wait3A_53] : memref<125000x128xf32, #tpu.memory_space<hbm>> -> memref<64x128xf32, #tpu.memory_space<hbm>>
    %dma_wait3A_55 = arith.constant 0 : i32
    %dma_wait3A_56 = arith.constant 0 : i32
    %dma_wait3A_57 = tpu.memref_slice %arg4[%dma_wait3A_55, %dma_wait3A_56] : memref<125000x128xf32, #tpu.memory_space<hbm>> -> memref<64x128xf32, #tpu.memory_space<hbm>>
    %dma_wait3A_58 = arith.constant 0 : i32
    %dma_wait3A_59 = arith.constant 0 : i32
    %dma_wait3A_60 = tpu.memref_slice %arg6[%dma_wait3A, %dma_wait3A_58, %dma_wait3A_59] : memref<3x64x128xf32, #tpu.memory_space<vmem>> -> memref<1x64x128xf32, #tpu.memory_space<vmem>>
    %dma_wait3A_61 = tpu.memref_squeeze %dma_wait3A_60 : memref<1x64x128xf32, #tpu.memory_space<vmem>> -> memref<64x128xf32, #tpu.memory_space<vmem>>
    tpu.wait_dma2 semaphore(%arg11 : memref<!tpu.dma_semaphore, #tpu.memory_space<semaphore_mem>>) src(%dma_wait3A_61 : memref<64x128xf32, #tpu.memory_space<vmem>>) dst(%dma_wait3A_57 : memref<64x128xf32, #tpu.memory_space<hbm>>)
    %dma_wait3A_62 = arith.constant 0 : i32
    %dma_wait3A_63 = arith.constant 0 : i32
    %dma_wait3A_64 = arith.constant 0 : i32
    %dma_wait3A_65 = tpu.memref_slice %arg6[%dma_wait3A_62, %dma_wait3A_63, %dma_wait3A_64] : memref<3x64x128xf32, #tpu.memory_space<vmem>> -> memref<1x64x128xf32, #tpu.memory_space<vmem>>
    %dma_wait3A_66 = tpu.memref_squeeze %dma_wait3A_65 : memref<1x64x128xf32, #tpu.memory_space<vmem>> -> memref<64x128xf32, #tpu.memory_space<vmem>>
    %dma_wait3A_67 = arith.constant 0 : i32
    %dma_wait3A_68 = arith.constant 0 : i32
    %dma_wait3A_69 = tpu.memref_slice %arg4[%dma_wait3A_67, %dma_wait3A_68] : memref<125000x128xf32, #tpu.memory_space<hbm>> -> memref<64x128xf32, #tpu.memory_space<hbm>>
    %dma_wait3A_70 = arith.constant 0 : i32
    %dma_wait3A_71 = arith.constant 0 : i32
    %dma_wait3A_72 = tpu.memref_slice %arg4[%dma_wait3A_70, %dma_wait3A_71] : memref<125000x128xf32, #tpu.memory_space<hbm>> -> memref<64x128xf32, #tpu.memory_space<hbm>>
    %dma_wait3A_73 = arith.constant 0 : i32
    %dma_wait3A_74 = arith.constant 0 : i32
    %dma_wait3A_75 = tpu.memref_slice %arg6[%dma_wait3A_62, %dma_wait3A_73, %dma_wait3A_74] : memref<3x64x128xf32, #tpu.memory_space<vmem>> -> memref<1x64x128xf32, #tpu.memory_space<vmem>>
    %dma_wait3A_76 = tpu.memref_squeeze %dma_wait3A_75 : memref<1x64x128xf32, #tpu.memory_space<vmem>> -> memref<64x128xf32, #tpu.memory_space<vmem>>
    tpu.wait_dma2 semaphore(%arg11 : memref<!tpu.dma_semaphore, #tpu.memory_space<semaphore_mem>>) src(%dma_wait3A_76 : memref<64x128xf32, #tpu.memory_space<vmem>>) dst(%dma_wait3A_72 : memref<64x128xf32, #tpu.memory_space<hbm>>)
    %dma_wait3A_77 = arith.constant 0 : i32
    %dma_wait3A_78 = arith.constant 0 : i32
    %dma_wait3A_79 = arith.constant 0 : i32
    %dma_wait3A_80 = tpu.memref_slice %arg6[%dma_wait3A_77, %dma_wait3A_78, %dma_wait3A_79] : memref<3x64x128xf32, #tpu.memory_space<vmem>> -> memref<1x64x128xf32, #tpu.memory_space<vmem>>
    %dma_wait3A_81 = tpu.memref_squeeze %dma_wait3A_80 : memref<1x64x128xf32, #tpu.memory_space<vmem>> -> memref<64x128xf32, #tpu.memory_space<vmem>>
    %dma_wait3A_82 = arith.constant 0 : i32
    %dma_wait3A_83 = arith.constant 0 : i32
    %dma_wait3A_84 = tpu.memref_slice %arg4[%dma_wait3A_82, %dma_wait3A_83] : memref<125000x128xf32, #tpu.memory_space<hbm>> -> memref<64x128xf32, #tpu.memory_space<hbm>>
    %dma_wait3A_85 = arith.constant 0 : i32
    %dma_wait3A_86 = arith.constant 0 : i32
    %dma_wait3A_87 = tpu.memref_slice %arg4[%dma_wait3A_85, %dma_wait3A_86] : memref<125000x128xf32, #tpu.memory_space<hbm>> -> memref<64x128xf32, #tpu.memory_space<hbm>>
    %dma_wait3A_88 = arith.constant 0 : i32
    %dma_wait3A_89 = arith.constant 0 : i32
    %dma_wait3A_90 = tpu.memref_slice %arg6[%dma_wait3A_77, %dma_wait3A_88, %dma_wait3A_89] : memref<3x64x128xf32, #tpu.memory_space<vmem>> -> memref<1x64x128xf32, #tpu.memory_space<vmem>>
    %dma_wait3A_91 = tpu.memref_squeeze %dma_wait3A_90 : memref<1x64x128xf32, #tpu.memory_space<vmem>> -> memref<64x128xf32, #tpu.memory_space<vmem>>
    tpu.wait_dma2 semaphore(%arg11 : memref<!tpu.dma_semaphore, #tpu.memory_space<semaphore_mem>>) src(%dma_wait3A_91 : memref<64x128xf32, #tpu.memory_space<vmem>>) dst(%dma_wait3A_87 : memref<64x128xf32, #tpu.memory_space<hbm>>)
    return
  }
}

#map = affine_map<(d0, d1) -> (0, 0)>
module attributes {stable_mosaic.version = 14 : i64} {
  func.func @_sc_body(%arg0: i32, %arg1: i32, %arg2: memref<1792x128xi32, #tpu.memory_space<hbm>>, %arg3: memref<32x32xi32, #tpu.memory_space<hbm>>, %arg4: memref<125000x128xf32, #tpu.memory_space<hbm>>, %arg5: memref<1024x16xf32, #tpu.memory_space<hbm>>, %arg6: memref<1024x16xf32, #tpu.memory_space<hbm>>, %arg7: memref<56x128xi32, #tpu.memory_space<vmem>>, %arg8: memref<50x128xi32, #tpu.memory_space<vmem>>, %arg9: memref<50x128xi32, #tpu.memory_space<vmem>>, %arg10: memref<4x128x128xf32, #tpu.memory_space<vmem>>, %arg11: memref<32x16xf32, #tpu.memory_space<vmem>>, %arg12: memref<32xi32, #tpu.memory_space<vmem>>, %arg13: memref<32x128xf32, #tpu.memory_space<vmem>>, %arg14: memref<32x16xf32, #tpu.memory_space<vmem>>, %arg15: memref<!tpu.dma_semaphore, #tpu.memory_space<semaphore_mem>>, %arg16: memref<!tpu.dma_semaphore, #tpu.memory_space<semaphore_mem>>) attributes {dimension_semantics = [#tpu.dimension_semantics<core_parallel>, #tpu.dimension_semantics<subcore_parallel>], iteration_bounds = array<i64: 2, 16>, scalar_prefetch = 0 : i64, scratch_operands = 10 : i64, tpu.core_type = #tpu.core_type<sc_vector_subcore>, window_params = [{transform_indices = #map}, {transform_indices = #map}, {transform_indices = #map}, {transform_indices = #map}, {transform_indices = #map}]} {
    %mul3A = arith.constant 2 : i32
    %mul3A_0 = arith.muli %arg1, %mul3A : i32
    %add3A = arith.addi %mul3A_0, %arg0 : i32
    %mul3A_1 = arith.constant 32 : i32
    %mul3A_2 = arith.muli %add3A, %mul3A_1 : i32
    %iota3A = tpu.iota {dimensions = array<i32: 0>} : vector<16xi32>
    %mul3A_3 = arith.constant 56 : i32
    %mul3A_4 = arith.muli %add3A, %mul3A_3 : i32
    "tpu.region"() ({
      %run_scoped3A = tpu.sem_alloc : memref<!tpu.dma_semaphore, #tpu.memory_space<semaphore_mem>>
      %dma_start3A_300 = arith.constant 0 : i32
      %dma_start3A_301 = tpu.memref_slice %arg2[%mul3A_4, %dma_start3A_300] : memref<1792x128xi32, #tpu.memory_space<hbm>> -> memref<56x128xi32, #tpu.memory_space<hbm>>
      %dma_start3A_302 = arith.constant 0 : i32
      %dma_start3A_303 = tpu.memref_slice %arg2[%mul3A_4, %dma_start3A_302] : memref<1792x128xi32, #tpu.memory_space<hbm>> -> memref<56x128xi32, #tpu.memory_space<hbm>>
      tpu.enqueue_dma source(%dma_start3A_303 : memref<56x128xi32, #tpu.memory_space<hbm>>) target(%arg7 : memref<56x128xi32, #tpu.memory_space<vmem>>) target_semaphore(%run_scoped3A : memref<!tpu.dma_semaphore, #tpu.memory_space<semaphore_mem>>)
      %dma_wait3A_304 = arith.constant 0 : i32
      %dma_wait3A_305 = tpu.memref_slice %arg2[%mul3A_4, %dma_wait3A_304] : memref<1792x128xi32, #tpu.memory_space<hbm>> -> memref<56x128xi32, #tpu.memory_space<hbm>>
      %dma_wait3A_306 = arith.constant 0 : i32
      %dma_wait3A_307 = tpu.memref_slice %arg2[%mul3A_4, %dma_wait3A_306] : memref<1792x128xi32, #tpu.memory_space<hbm>> -> memref<56x128xi32, #tpu.memory_space<hbm>>
      tpu.wait_dma2 semaphore(%run_scoped3A : memref<!tpu.dma_semaphore, #tpu.memory_space<semaphore_mem>>) src(%dma_wait3A_307 : memref<56x128xi32, #tpu.memory_space<hbm>>) dst(%arg7 : memref<56x128xi32, #tpu.memory_space<vmem>>)
      tpu.yield
    }) : () -> ()
    %scan3A = arith.constant 0 : i32
    %scan3A_5 = arith.constant 0 : i32
    %scan3A_6 = arith.constant 50 : i32
    %scan3A_7 = arith.addi %scan3A_5, %scan3A_6 : i32
    %scan3A_8 = arith.constant 1 : i32
    scf.for %scan3A_300 = %scan3A_5 to %scan3A_7 step %scan3A_8  : i32 {
      %get3A_301 = arith.index_cast %scan3A_300 : i32 to index
      %get3A_302 = arith.constant 0 : index
      %get3A_303 = tpu.vector_load %arg7[%get3A_301, %get3A_302] {strides = array<i32>} : memref<56x128xi32, #tpu.memory_space<vmem>>, vector<16xi32>,
      %shift_right_logical3A_304 = arith.constant 3 : i32
      %shift_right_logical3A_305 = vector.broadcast %shift_right_logical3A_304 : i32 to vector<16xi32>
      %shift_right_logical3A_306 = arith.shrui %get3A_303, %shift_right_logical3A_305 : vector<16xi32>
      %swap3A = arith.index_cast %scan3A_300 : i32 to index
      %swap3A_307 = arith.constant 0 : index
      %swap3A_308 = tpu.vector_load %arg8[%swap3A, %swap3A_307] {strides = array<i32>} : memref<50x128xi32, #tpu.memory_space<vmem>>, vector<16xi32>,
      tpu.vector_store %arg8[%swap3A, %swap3A_307], %shift_right_logical3A_306 {strides = array<i32>} : memref<50x128xi32, #tpu.memory_space<vmem>>, vector<16xi32>,
      %and3A_309 = arith.constant 7 : i32
      %and3A_310 = vector.broadcast %and3A_309 : i32 to vector<16xi32>
      %and3A_311 = arith.andi %get3A_303, %and3A_310 : vector<16xi32>
      %shift_left3A_312 = arith.constant 4 : i32
      %shift_left3A_313 = vector.broadcast %shift_left3A_312 : i32 to vector<16xi32>
      %shift_left3A_314 = arith.shli %and3A_311, %shift_left3A_313 : vector<16xi32>
      %swap3A_315 = arith.index_cast %scan3A_300 : i32 to index
      %swap3A_316 = arith.constant 0 : index
      %swap3A_317 = tpu.vector_load %arg9[%swap3A_315, %swap3A_316] {strides = array<i32>} : memref<50x128xi32, #tpu.memory_space<vmem>>, vector<16xi32>,
      tpu.vector_store %arg9[%swap3A_315, %swap3A_316], %shift_left3A_314 {strides = array<i32>} : memref<50x128xi32, #tpu.memory_space<vmem>>, vector<16xi32>,
      %get3A_318 = arith.index_cast %scan3A_300 : i32 to index
      %get3A_319 = arith.constant 16 : index
      %get3A_320 = tpu.vector_load %arg7[%get3A_318, %get3A_319] {strides = array<i32>} : memref<56x128xi32, #tpu.memory_space<vmem>>, vector<16xi32>,
      %shift_right_logical3A_321 = arith.constant 3 : i32
      %shift_right_logical3A_322 = vector.broadcast %shift_right_logical3A_321 : i32 to vector<16xi32>
      %shift_right_logical3A_323 = arith.shrui %get3A_320, %shift_right_logical3A_322 : vector<16xi32>
      %swap3A_324 = arith.index_cast %scan3A_300 : i32 to index
      %swap3A_325 = arith.constant 16 : index
      %swap3A_326 = tpu.vector_load %arg8[%swap3A_324, %swap3A_325] {strides = array<i32>} : memref<50x128xi32, #tpu.memory_space<vmem>>, vector<16xi32>,
      tpu.vector_store %arg8[%swap3A_324, %swap3A_325], %shift_right_logical3A_323 {strides = array<i32>} : memref<50x128xi32, #tpu.memory_space<vmem>>, vector<16xi32>,
      %and3A_327 = arith.constant 7 : i32
      %and3A_328 = vector.broadcast %and3A_327 : i32 to vector<16xi32>
      %and3A_329 = arith.andi %get3A_320, %and3A_328 : vector<16xi32>
      %shift_left3A_330 = arith.constant 4 : i32
      %shift_left3A_331 = vector.broadcast %shift_left3A_330 : i32 to vector<16xi32>
      %shift_left3A_332 = arith.shli %and3A_329, %shift_left3A_331 : vector<16xi32>
      %swap3A_333 = arith.index_cast %scan3A_300 : i32 to index
      %swap3A_334 = arith.constant 16 : index
      %swap3A_335 = tpu.vector_load %arg9[%swap3A_333, %swap3A_334] {strides = array<i32>} : memref<50x128xi32, #tpu.memory_space<vmem>>, vector<16xi32>,
      tpu.vector_store %arg9[%swap3A_333, %swap3A_334], %shift_left3A_332 {strides = array<i32>} : memref<50x128xi32, #tpu.memory_space<vmem>>, vector<16xi32>,
      %get3A_336 = arith.index_cast %scan3A_300 : i32 to index
      %get3A_337 = arith.constant 32 : index
      %get3A_338 = tpu.vector_load %arg7[%get3A_336, %get3A_337] {strides = array<i32>} : memref<56x128xi32, #tpu.memory_space<vmem>>, vector<16xi32>,
      %shift_right_logical3A_339 = arith.constant 3 : i32
      %shift_right_logical3A_340 = vector.broadcast %shift_right_logical3A_339 : i32 to vector<16xi32>
      %shift_right_logical3A_341 = arith.shrui %get3A_338, %shift_right_logical3A_340 : vector<16xi32>
      %swap3A_342 = arith.index_cast %scan3A_300 : i32 to index
      %swap3A_343 = arith.constant 32 : index
      %swap3A_344 = tpu.vector_load %arg8[%swap3A_342, %swap3A_343] {strides = array<i32>} : memref<50x128xi32, #tpu.memory_space<vmem>>, vector<16xi32>,
      tpu.vector_store %arg8[%swap3A_342, %swap3A_343], %shift_right_logical3A_341 {strides = array<i32>} : memref<50x128xi32, #tpu.memory_space<vmem>>, vector<16xi32>,
      %and3A_345 = arith.constant 7 : i32
      %and3A_346 = vector.broadcast %and3A_345 : i32 to vector<16xi32>
      %and3A_347 = arith.andi %get3A_338, %and3A_346 : vector<16xi32>
      %shift_left3A_348 = arith.constant 4 : i32
      %shift_left3A_349 = vector.broadcast %shift_left3A_348 : i32 to vector<16xi32>
      %shift_left3A_350 = arith.shli %and3A_347, %shift_left3A_349 : vector<16xi32>
      %swap3A_351 = arith.index_cast %scan3A_300 : i32 to index
      %swap3A_352 = arith.constant 32 : index
      %swap3A_353 = tpu.vector_load %arg9[%swap3A_351, %swap3A_352] {strides = array<i32>} : memref<50x128xi32, #tpu.memory_space<vmem>>, vector<16xi32>,
      tpu.vector_store %arg9[%swap3A_351, %swap3A_352], %shift_left3A_350 {strides = array<i32>} : memref<50x128xi32, #tpu.memory_space<vmem>>, vector<16xi32>,
      %get3A_354 = arith.index_cast %scan3A_300 : i32 to index
      %get3A_355 = arith.constant 48 : index
      %get3A_356 = tpu.vector_load %arg7[%get3A_354, %get3A_355] {strides = array<i32>} : memref<56x128xi32, #tpu.memory_space<vmem>>, vector<16xi32>,
      %shift_right_logical3A_357 = arith.constant 3 : i32
      %shift_right_logical3A_358 = vector.broadcast %shift_right_logical3A_357 : i32 to vector<16xi32>
      %shift_right_logical3A_359 = arith.shrui %get3A_356, %shift_right_logical3A_358 : vector<16xi32>
      %swap3A_360 = arith.index_cast %scan3A_300 : i32 to index
      %swap3A_361 = arith.constant 48 : index
      %swap3A_362 = tpu.vector_load %arg8[%swap3A_360, %swap3A_361] {strides = array<i32>} : memref<50x128xi32, #tpu.memory_space<vmem>>, vector<16xi32>,
      tpu.vector_store %arg8[%swap3A_360, %swap3A_361], %shift_right_logical3A_359 {strides = array<i32>} : memref<50x128xi32, #tpu.memory_space<vmem>>, vector<16xi32>,
      %and3A_363 = arith.constant 7 : i32
      %and3A_364 = vector.broadcast %and3A_363 : i32 to vector<16xi32>
      %and3A_365 = arith.andi %get3A_356, %and3A_364 : vector<16xi32>
      %shift_left3A_366 = arith.constant 4 : i32
      %shift_left3A_367 = vector.broadcast %shift_left3A_366 : i32 to vector<16xi32>
      %shift_left3A_368 = arith.shli %and3A_365, %shift_left3A_367 : vector<16xi32>
      %swap3A_369 = arith.index_cast %scan3A_300 : i32 to index
      %swap3A_370 = arith.constant 48 : index
      %swap3A_371 = tpu.vector_load %arg9[%swap3A_369, %swap3A_370] {strides = array<i32>} : memref<50x128xi32, #tpu.memory_space<vmem>>, vector<16xi32>,
      tpu.vector_store %arg9[%swap3A_369, %swap3A_370], %shift_left3A_368 {strides = array<i32>} : memref<50x128xi32, #tpu.memory_space<vmem>>, vector<16xi32>,
      %get3A_372 = arith.index_cast %scan3A_300 : i32 to index
      %get3A_373 = arith.constant 64 : index
      %get3A_374 = tpu.vector_load %arg7[%get3A_372, %get3A_373] {strides = array<i32>} : memref<56x128xi32, #tpu.memory_space<vmem>>, vector<16xi32>,
      %shift_right_logical3A_375 = arith.constant 3 : i32
      %shift_right_logical3A_376 = vector.broadcast %shift_right_logical3A_375 : i32 to vector<16xi32>
      %shift_right_logical3A_377 = arith.shrui %get3A_374, %shift_right_logical3A_376 : vector<16xi32>
      %swap3A_378 = arith.index_cast %scan3A_300 : i32 to index
      %swap3A_379 = arith.constant 64 : index
      %swap3A_380 = tpu.vector_load %arg8[%swap3A_378, %swap3A_379] {strides = array<i32>} : memref<50x128xi32, #tpu.memory_space<vmem>>, vector<16xi32>,
      tpu.vector_store %arg8[%swap3A_378, %swap3A_379], %shift_right_logical3A_377 {strides = array<i32>} : memref<50x128xi32, #tpu.memory_space<vmem>>, vector<16xi32>,
      %and3A_381 = arith.constant 7 : i32
      %and3A_382 = vector.broadcast %and3A_381 : i32 to vector<16xi32>
      %and3A_383 = arith.andi %get3A_374, %and3A_382 : vector<16xi32>
      %shift_left3A_384 = arith.constant 4 : i32
      %shift_left3A_385 = vector.broadcast %shift_left3A_384 : i32 to vector<16xi32>
      %shift_left3A_386 = arith.shli %and3A_383, %shift_left3A_385 : vector<16xi32>
      %swap3A_387 = arith.index_cast %scan3A_300 : i32 to index
      %swap3A_388 = arith.constant 64 : index
      %swap3A_389 = tpu.vector_load %arg9[%swap3A_387, %swap3A_388] {strides = array<i32>} : memref<50x128xi32, #tpu.memory_space<vmem>>, vector<16xi32>,
      tpu.vector_store %arg9[%swap3A_387, %swap3A_388], %shift_left3A_386 {strides = array<i32>} : memref<50x128xi32, #tpu.memory_space<vmem>>, vector<16xi32>,
      %get3A_390 = arith.index_cast %scan3A_300 : i32 to index
      %get3A_391 = arith.constant 80 : index
      %get3A_392 = tpu.vector_load %arg7[%get3A_390, %get3A_391] {strides = array<i32>} : memref<56x128xi32, #tpu.memory_space<vmem>>, vector<16xi32>,
      %shift_right_logical3A_393 = arith.constant 3 : i32
      %shift_right_logical3A_394 = vector.broadcast %shift_right_logical3A_393 : i32 to vector<16xi32>
      %shift_right_logical3A_395 = arith.shrui %get3A_392, %shift_right_logical3A_394 : vector<16xi32>
      %swap3A_396 = arith.index_cast %scan3A_300 : i32 to index
      %swap3A_397 = arith.constant 80 : index
      %swap3A_398 = tpu.vector_load %arg8[%swap3A_396, %swap3A_397] {strides = array<i32>} : memref<50x128xi32, #tpu.memory_space<vmem>>, vector<16xi32>,
      tpu.vector_store %arg8[%swap3A_396, %swap3A_397], %shift_right_logical3A_395 {strides = array<i32>} : memref<50x128xi32, #tpu.memory_space<vmem>>, vector<16xi32>,
      %and3A_399 = arith.constant 7 : i32
      %and3A_400 = vector.broadcast %and3A_399 : i32 to vector<16xi32>
      %and3A_401 = arith.andi %get3A_392, %and3A_400 : vector<16xi32>
      %shift_left3A_402 = arith.constant 4 : i32
      %shift_left3A_403 = vector.broadcast %shift_left3A_402 : i32 to vector<16xi32>
      %shift_left3A_404 = arith.shli %and3A_401, %shift_left3A_403 : vector<16xi32>
      %swap3A_405 = arith.index_cast %scan3A_300 : i32 to index
      %swap3A_406 = arith.constant 80 : index
      %swap3A_407 = tpu.vector_load %arg9[%swap3A_405, %swap3A_406] {strides = array<i32>} : memref<50x128xi32, #tpu.memory_space<vmem>>, vector<16xi32>,
      tpu.vector_store %arg9[%swap3A_405, %swap3A_406], %shift_left3A_404 {strides = array<i32>} : memref<50x128xi32, #tpu.memory_space<vmem>>, vector<16xi32>,
      %get3A_408 = arith.index_cast %scan3A_300 : i32 to index
      %get3A_409 = arith.constant 96 : index
      %get3A_410 = tpu.vector_load %arg7[%get3A_408, %get3A_409] {strides = array<i32>} : memref<56x128xi32, #tpu.memory_space<vmem>>, vector<16xi32>,
      %shift_right_logical3A_411 = arith.constant 3 : i32
      %shift_right_logical3A_412 = vector.broadcast %shift_right_logical3A_411 : i32 to vector<16xi32>
      %shift_right_logical3A_413 = arith.shrui %get3A_410, %shift_right_logical3A_412 : vector<16xi32>
      %swap3A_414 = arith.index_cast %scan3A_300 : i32 to index
      %swap3A_415 = arith.constant 96 : index
      %swap3A_416 = tpu.vector_load %arg8[%swap3A_414, %swap3A_415] {strides = array<i32>} : memref<50x128xi32, #tpu.memory_space<vmem>>, vector<16xi32>,
      tpu.vector_store %arg8[%swap3A_414, %swap3A_415], %shift_right_logical3A_413 {strides = array<i32>} : memref<50x128xi32, #tpu.memory_space<vmem>>, vector<16xi32>,
      %and3A_417 = arith.constant 7 : i32
      %and3A_418 = vector.broadcast %and3A_417 : i32 to vector<16xi32>
      %and3A_419 = arith.andi %get3A_410, %and3A_418 : vector<16xi32>
      %shift_left3A_420 = arith.constant 4 : i32
      %shift_left3A_421 = vector.broadcast %shift_left3A_420 : i32 to vector<16xi32>
      %shift_left3A_422 = arith.shli %and3A_419, %shift_left3A_421 : vector<16xi32>
      %swap3A_423 = arith.index_cast %scan3A_300 : i32 to index
      %swap3A_424 = arith.constant 96 : index
      %swap3A_425 = tpu.vector_load %arg9[%swap3A_423, %swap3A_424] {strides = array<i32>} : memref<50x128xi32, #tpu.memory_space<vmem>>, vector<16xi32>,
      tpu.vector_store %arg9[%swap3A_423, %swap3A_424], %shift_left3A_422 {strides = array<i32>} : memref<50x128xi32, #tpu.memory_space<vmem>>, vector<16xi32>,
      %get3A_426 = arith.index_cast %scan3A_300 : i32 to index
      %get3A_427 = arith.constant 112 : index
      %get3A_428 = tpu.vector_load %arg7[%get3A_426, %get3A_427] {strides = array<i32>} : memref<56x128xi32, #tpu.memory_space<vmem>>, vector<16xi32>,
      %shift_right_logical3A_429 = arith.constant 3 : i32
      %shift_right_logical3A_430 = vector.broadcast %shift_right_logical3A_429 : i32 to vector<16xi32>
      %shift_right_logical3A_431 = arith.shrui %get3A_428, %shift_right_logical3A_430 : vector<16xi32>
      %swap3A_432 = arith.index_cast %scan3A_300 : i32 to index
      %swap3A_433 = arith.constant 112 : index
      %swap3A_434 = tpu.vector_load %arg8[%swap3A_432, %swap3A_433] {strides = array<i32>} : memref<50x128xi32, #tpu.memory_space<vmem>>, vector<16xi32>,
      tpu.vector_store %arg8[%swap3A_432, %swap3A_433], %shift_right_logical3A_431 {strides = array<i32>} : memref<50x128xi32, #tpu.memory_space<vmem>>, vector<16xi32>,
      %and3A_435 = arith.constant 7 : i32
      %and3A_436 = vector.broadcast %and3A_435 : i32 to vector<16xi32>
      %and3A_437 = arith.andi %get3A_428, %and3A_436 : vector<16xi32>
      %shift_left3A_438 = arith.constant 4 : i32
      %shift_left3A_439 = vector.broadcast %shift_left3A_438 : i32 to vector<16xi32>
      %shift_left3A_440 = arith.shli %and3A_437, %shift_left3A_439 : vector<16xi32>
      %swap3A_441 = arith.index_cast %scan3A_300 : i32 to index
      %swap3A_442 = arith.constant 112 : index
      %swap3A_443 = tpu.vector_load %arg9[%swap3A_441, %swap3A_442] {strides = array<i32>} : memref<50x128xi32, #tpu.memory_space<vmem>>, vector<16xi32>,
      tpu.vector_store %arg9[%swap3A_441, %swap3A_442], %shift_left3A_440 {strides = array<i32>} : memref<50x128xi32, #tpu.memory_space<vmem>>, vector<16xi32>,
    }
    %scan3A_9 = arith.constant 50 : i32
    %broadcast_in_dim3A = arith.constant 0.000000e+00 : f32
    %broadcast_in_dim3A_10 = vector.broadcast %broadcast_in_dim3A : f32 to vector<16xf32>
    %scan3A_11 = arith.constant 0 : i32
    %scan3A_12 = arith.constant 0 : i32
    %scan3A_13 = arith.constant 32 : i32
    %scan3A_14 = arith.addi %scan3A_12, %scan3A_13 : i32
    %scan3A_15 = arith.constant 1 : i32
    scf.for %scan3A_300 = %scan3A_12 to %scan3A_14 step %scan3A_15  : i32 {
      %swap3A = arith.index_cast %scan3A_300 : i32 to index
      %swap3A_301 = arith.constant 0 : index
      %swap3A_302 = tpu.vector_load %arg11[%swap3A, %swap3A_301] {strides = array<i32>} : memref<32x16xf32, #tpu.memory_space<vmem>>, vector<16xf32>,
      tpu.vector_store %arg11[%swap3A, %swap3A_301], %broadcast_in_dim3A_10 {strides = array<i32>} : memref<32x16xf32, #tpu.memory_space<vmem>>, vector<16xf32>,
    }
    %scan3A_16 = arith.constant 32 : i32
    %dma_start3A = arith.constant 0 : i32
    %dma_start3A_17 = arith.constant 0 : i32
    %dma_start3A_18 = arith.constant 0 : i32
    %dma_start3A_19 = arith.constant 0 : i32
    %dma_start3A_20 = tpu.memref_slice %arg10[%dma_start3A_17, %dma_start3A_18, %dma_start3A_19] : memref<4x128x128xf32, #tpu.memory_space<vmem>> -> memref<1x128x128xf32, #tpu.memory_space<vmem>>
    %dma_start3A_21 = tpu.memref_squeeze %dma_start3A_20 : memref<1x128x128xf32, #tpu.memory_space<vmem>> -> memref<128x128xf32, #tpu.memory_space<vmem>>
    %dma_start3A_22 = arith.constant 0 : i32
    %dma_start3A_23 = tpu.memref_slice %arg8[%dma_start3A, %dma_start3A_22] : memref<50x128xi32, #tpu.memory_space<vmem>> -> memref<1x128xi32, #tpu.memory_space<vmem>>
    %dma_start3A_24 = tpu.memref_squeeze %dma_start3A_23 : memref<1x128xi32, #tpu.memory_space<vmem>> -> memref<128xi32, #tpu.memory_space<vmem>>
    %dma_start3A_25 = arith.constant 0 : i32
    %dma_start3A_26 = arith.constant 0 : i32
    %dma_start3A_27 = tpu.memref_slice %arg4[%dma_start3A_25, %dma_start3A_26] : memref<125000x128xf32, #tpu.memory_space<hbm>> -> memref<125000x128xf32, #tpu.memory_space<hbm>>
    tpu.enqueue_indirect_dma source(%dma_start3A_27 : memref<125000x128xf32, #tpu.memory_space<hbm>>) target(%dma_start3A_21 : memref<128x128xf32, #tpu.memory_space<vmem>>) offsets(%dma_start3A_24 : memref<128xi32, #tpu.memory_space<vmem>>) semaphore(%arg15 : memref<!tpu.dma_semaphore, #tpu.memory_space<semaphore_mem>>)
    %dma_start3A_28 = arith.constant 1 : i32
    %dma_start3A_29 = arith.constant 1 : i32
    %dma_start3A_30 = arith.constant 0 : i32
    %dma_start3A_31 = arith.constant 0 : i32
    %dma_start3A_32 = tpu.memref_slice %arg10[%dma_start3A_29, %dma_start3A_30, %dma_start3A_31] : memref<4x128x128xf32, #tpu.memory_space<vmem>> -> memref<1x128x128xf32, #tpu.memory_space<vmem>>
    %dma_start3A_33 = tpu.memref_squeeze %dma_start3A_32 : memref<1x128x128xf32, #tpu.memory_space<vmem>> -> memref<128x128xf32, #tpu.memory_space<vmem>>
    %dma_start3A_34 = arith.constant 0 : i32
    %dma_start3A_35 = tpu.memref_slice %arg8[%dma_start3A_28, %dma_start3A_34] : memref<50x128xi32, #tpu.memory_space<vmem>> -> memref<1x128xi32, #tpu.memory_space<vmem>>
    %dma_start3A_36 = tpu.memref_squeeze %dma_start3A_35 : memref<1x128xi32, #tpu.memory_space<vmem>> -> memref<128xi32, #tpu.memory_space<vmem>>
    %dma_start3A_37 = arith.constant 0 : i32
    %dma_start3A_38 = arith.constant 0 : i32
    %dma_start3A_39 = tpu.memref_slice %arg4[%dma_start3A_37, %dma_start3A_38] : memref<125000x128xf32, #tpu.memory_space<hbm>> -> memref<125000x128xf32, #tpu.memory_space<hbm>>
    tpu.enqueue_indirect_dma source(%dma_start3A_39 : memref<125000x128xf32, #tpu.memory_space<hbm>>) target(%dma_start3A_33 : memref<128x128xf32, #tpu.memory_space<vmem>>) offsets(%dma_start3A_36 : memref<128xi32, #tpu.memory_space<vmem>>) semaphore(%arg15 : memref<!tpu.dma_semaphore, #tpu.memory_space<semaphore_mem>>)
    %dma_start3A_40 = arith.constant 2 : i32
    %dma_start3A_41 = arith.constant 2 : i32
    %dma_start3A_42 = arith.constant 0 : i32
    %dma_start3A_43 = arith.constant 0 : i32
    %dma_start3A_44 = tpu.memref_slice %arg10[%dma_start3A_41, %dma_start3A_42, %dma_start3A_43] : memref<4x128x128xf32, #tpu.memory_space<vmem>> -> memref<1x128x128xf32, #tpu.memory_space<vmem>>
    %dma_start3A_45 = tpu.memref_squeeze %dma_start3A_44 : memref<1x128x128xf32, #tpu.memory_space<vmem>> -> memref<128x128xf32, #tpu.memory_space<vmem>>
    %dma_start3A_46 = arith.constant 0 : i32
    %dma_start3A_47 = tpu.memref_slice %arg8[%dma_start3A_40, %dma_start3A_46] : memref<50x128xi32, #tpu.memory_space<vmem>> -> memref<1x128xi32, #tpu.memory_space<vmem>>
    %dma_start3A_48 = tpu.memref_squeeze %dma_start3A_47 : memref<1x128xi32, #tpu.memory_space<vmem>> -> memref<128xi32, #tpu.memory_space<vmem>>
    %dma_start3A_49 = arith.constant 0 : i32
    %dma_start3A_50 = arith.constant 0 : i32
    %dma_start3A_51 = tpu.memref_slice %arg4[%dma_start3A_49, %dma_start3A_50] : memref<125000x128xf32, #tpu.memory_space<hbm>> -> memref<125000x128xf32, #tpu.memory_space<hbm>>
    tpu.enqueue_indirect_dma source(%dma_start3A_51 : memref<125000x128xf32, #tpu.memory_space<hbm>>) target(%dma_start3A_45 : memref<128x128xf32, #tpu.memory_space<vmem>>) offsets(%dma_start3A_48 : memref<128xi32, #tpu.memory_space<vmem>>) semaphore(%arg15 : memref<!tpu.dma_semaphore, #tpu.memory_space<semaphore_mem>>)
    "tpu.region"() ({
      %run_scoped3A = tpu.sem_alloc : memref<!tpu.dma_semaphore, #tpu.memory_space<semaphore_mem>>
      %dma_start3A_300 = arith.constant 0 : i32
      %dma_start3A_301 = tpu.memref_slice %arg3[%add3A, %dma_start3A_300] : memref<32x32xi32, #tpu.memory_space<hbm>> -> memref<1x32xi32, #tpu.memory_space<hbm>>
      %dma_start3A_302 = tpu.memref_squeeze %dma_start3A_301 : memref<1x32xi32, #tpu.memory_space<hbm>> -> memref<32xi32, #tpu.memory_space<hbm>>
      %dma_start3A_303 = arith.constant 0 : i32
      %dma_start3A_304 = tpu.memref_slice %arg3[%add3A, %dma_start3A_303] : memref<32x32xi32, #tpu.memory_space<hbm>> -> memref<1x32xi32, #tpu.memory_space<hbm>>
      %dma_start3A_305 = tpu.memref_squeeze %dma_start3A_304 : memref<1x32xi32, #tpu.memory_space<hbm>> -> memref<32xi32, #tpu.memory_space<hbm>>
      tpu.enqueue_dma source(%dma_start3A_305 : memref<32xi32, #tpu.memory_space<hbm>>) target(%arg12 : memref<32xi32, #tpu.memory_space<vmem>>) target_semaphore(%run_scoped3A : memref<!tpu.dma_semaphore, #tpu.memory_space<semaphore_mem>>)
      %dma_wait3A_306 = arith.constant 0 : i32
      %dma_wait3A_307 = tpu.memref_slice %arg3[%add3A, %dma_wait3A_306] : memref<32x32xi32, #tpu.memory_space<hbm>> -> memref<1x32xi32, #tpu.memory_space<hbm>>
      %dma_wait3A_308 = tpu.memref_squeeze %dma_wait3A_307 : memref<1x32xi32, #tpu.memory_space<hbm>> -> memref<32xi32, #tpu.memory_space<hbm>>
      %dma_wait3A_309 = arith.constant 0 : i32
      %dma_wait3A_310 = tpu.memref_slice %arg3[%add3A, %dma_wait3A_309] : memref<32x32xi32, #tpu.memory_space<hbm>> -> memref<1x32xi32, #tpu.memory_space<hbm>>
      %dma_wait3A_311 = tpu.memref_squeeze %dma_wait3A_310 : memref<1x32xi32, #tpu.memory_space<hbm>> -> memref<32xi32, #tpu.memory_space<hbm>>
      tpu.wait_dma2 semaphore(%run_scoped3A : memref<!tpu.dma_semaphore, #tpu.memory_space<semaphore_mem>>) src(%dma_wait3A_311 : memref<32xi32, #tpu.memory_space<hbm>>) dst(%arg12 : memref<32xi32, #tpu.memory_space<vmem>>)
      tpu.yield
    }) : () -> ()
    %get3A = arith.constant 0 : index
    %get3A_52 = tpu.vector_load %arg12[%get3A] {strides = array<i32>} : memref<32xi32, #tpu.memory_space<vmem>>, vector<16xi32>,
    %shift_right_logical3A = arith.constant 3 : i32
    %shift_right_logical3A_53 = vector.broadcast %shift_right_logical3A : i32 to vector<16xi32>
    %shift_right_logical3A_54 = arith.shrui %get3A_52, %shift_right_logical3A_53 : vector<16xi32>
    %dma_start3A_55 = arith.constant 0 : i32
    %dma_start3A_56 = arith.constant 0 : i32
    %dma_start3A_57 = tpu.memref_slice %arg13[%dma_start3A_55, %dma_start3A_56] : memref<32x128xf32, #tpu.memory_space<vmem>> -> memref<16x128xf32, #tpu.memory_space<vmem>>
    %dma_start3A_58 = arith.constant 0 : i32
    %dma_start3A_59 = arith.constant 0 : i32
    %dma_start3A_60 = tpu.memref_slice %arg4[%dma_start3A_58, %dma_start3A_59] : memref<125000x128xf32, #tpu.memory_space<hbm>> -> memref<125000x128xf32, #tpu.memory_space<hbm>>
    tpu.enqueue_indirect_dma source(%dma_start3A_60 : memref<125000x128xf32, #tpu.memory_space<hbm>>) target(%dma_start3A_57 : memref<16x128xf32, #tpu.memory_space<vmem>>) offsets(%shift_right_logical3A_54 : vector<16xi32>) semaphore(%arg16 : memref<!tpu.dma_semaphore, #tpu.memory_space<semaphore_mem>>)
    %get3A_61 = arith.constant 16 : index
    %get3A_62 = tpu.vector_load %arg12[%get3A_61] {strides = array<i32>} : memref<32xi32, #tpu.memory_space<vmem>>, vector<16xi32>,
    %shift_right_logical3A_63 = arith.constant 3 : i32
    %shift_right_logical3A_64 = vector.broadcast %shift_right_logical3A_63 : i32 to vector<16xi32>
    %shift_right_logical3A_65 = arith.shrui %get3A_62, %shift_right_logical3A_64 : vector<16xi32>
    %dma_start3A_66 = arith.constant 16 : i32
    %dma_start3A_67 = arith.constant 0 : i32
    %dma_start3A_68 = tpu.memref_slice %arg13[%dma_start3A_66, %dma_start3A_67] : memref<32x128xf32, #tpu.memory_space<vmem>> -> memref<16x128xf32, #tpu.memory_space<vmem>>
    %dma_start3A_69 = arith.constant 0 : i32
    %dma_start3A_70 = arith.constant 0 : i32
    %dma_start3A_71 = tpu.memref_slice %arg4[%dma_start3A_69, %dma_start3A_70] : memref<125000x128xf32, #tpu.memory_space<hbm>> -> memref<125000x128xf32, #tpu.memory_space<hbm>>
    tpu.enqueue_indirect_dma source(%dma_start3A_71 : memref<125000x128xf32, #tpu.memory_space<hbm>>) target(%dma_start3A_68 : memref<16x128xf32, #tpu.memory_space<vmem>>) offsets(%shift_right_logical3A_65 : vector<16xi32>) semaphore(%arg16 : memref<!tpu.dma_semaphore, #tpu.memory_space<semaphore_mem>>)
    %dma_wait3A = arith.constant 0 : i32
    %dma_wait3A_72 = arith.constant 0 : i32
    %dma_wait3A_73 = tpu.memref_slice %arg13[%dma_wait3A, %dma_wait3A_72] : memref<32x128xf32, #tpu.memory_space<vmem>> -> memref<16x128xf32, #tpu.memory_space<vmem>>
    %dma_wait3A_74 = arith.constant 0 : i32
    %dma_wait3A_75 = arith.constant 0 : i32
    %dma_wait3A_76 = tpu.memref_slice %arg4[%dma_wait3A_74, %dma_wait3A_75] : memref<125000x128xf32, #tpu.memory_space<hbm>> -> memref<125000x128xf32, #tpu.memory_space<hbm>>
    tpu.wait_indirect_dma semaphore(%arg16 : memref<!tpu.dma_semaphore, #tpu.memory_space<semaphore_mem>>) src(%dma_wait3A_76 : memref<125000x128xf32, #tpu.memory_space<hbm>>) dst(%dma_wait3A_73 : memref<16x128xf32, #tpu.memory_space<vmem>>)
    %dma_wait3A_77 = arith.constant 16 : i32
    %dma_wait3A_78 = arith.constant 0 : i32
    %dma_wait3A_79 = tpu.memref_slice %arg13[%dma_wait3A_77, %dma_wait3A_78] : memref<32x128xf32, #tpu.memory_space<vmem>> -> memref<16x128xf32, #tpu.memory_space<vmem>>
    %dma_wait3A_80 = arith.constant 0 : i32
    %dma_wait3A_81 = arith.constant 0 : i32
    %dma_wait3A_82 = tpu.memref_slice %arg4[%dma_wait3A_80, %dma_wait3A_81] : memref<125000x128xf32, #tpu.memory_space<hbm>> -> memref<125000x128xf32, #tpu.memory_space<hbm>>
    tpu.wait_indirect_dma semaphore(%arg16 : memref<!tpu.dma_semaphore, #tpu.memory_space<semaphore_mem>>) src(%dma_wait3A_82 : memref<125000x128xf32, #tpu.memory_space<hbm>>) dst(%dma_wait3A_79 : memref<16x128xf32, #tpu.memory_space<vmem>>)
    %get3A_83 = arith.constant 0 : index
    %get3A_84 = tpu.vector_load %arg12[%get3A_83] {strides = array<i32>} : memref<32xi32, #tpu.memory_space<vmem>>, vector<16xi32>,
    %and3A = arith.constant 7 : i32
    %and3A_85 = vector.broadcast %and3A : i32 to vector<16xi32>
    %and3A_86 = arith.andi %get3A_84, %and3A_85 : vector<16xi32>
    %shift_left3A = arith.constant 4 : i32
    %shift_left3A_87 = vector.broadcast %shift_left3A : i32 to vector<16xi32>
    %shift_left3A_88 = arith.shli %and3A_86, %shift_left3A_87 : vector<16xi32>
    %add3A_89 = arith.constant 0 : i32
    %add3A_90 = vector.broadcast %add3A_89 : i32 to vector<16xi32>
    %add3A_91 = arith.addi %iota3A, %add3A_90 : vector<16xi32>
    %add3A_92 = arith.constant 0 : i32
    %add3A_93 = vector.broadcast %add3A_92 : i32 to vector<16xi32>
    %add3A_94 = arith.addi %shift_left3A_88, %add3A_93 : vector<16xi32>
    %gather3A = tpu.vector_load_idx %arg13[%add3A_91, %add3A_94] : memref<32x128xf32, #tpu.memory_space<vmem>>[vector<16xi32>, vector<16xi32>], vector<16xf32>,
    %broadcast_in_dim3A_95 = arith.constant 0 : i32
    %broadcast_in_dim3A_96 = vector.broadcast %broadcast_in_dim3A_95 : i32 to vector<16xi32>
    tpu.vector_store_idx %arg14[%add3A_91, %broadcast_in_dim3A_96], %gather3A : memref<32x16xf32, #tpu.memory_space<vmem>>[vector<16xi32>, vector<16xi32>], vector<16xf32>,
    %add3A_97 = arith.constant 1 : i32
    %add3A_98 = vector.broadcast %add3A_97 : i32 to vector<16xi32>
    %add3A_99 = arith.addi %shift_left3A_88, %add3A_98 : vector<16xi32>
    %gather3A_100 = tpu.vector_load_idx %arg13[%add3A_91, %add3A_99] : memref<32x128xf32, #tpu.memory_space<vmem>>[vector<16xi32>, vector<16xi32>], vector<16xf32>,
    %broadcast_in_dim3A_101 = arith.constant 1 : i32
    %broadcast_in_dim3A_102 = vector.broadcast %broadcast_in_dim3A_101 : i32 to vector<16xi32>
    tpu.vector_store_idx %arg14[%add3A_91, %broadcast_in_dim3A_102], %gather3A_100 : memref<32x16xf32, #tpu.memory_space<vmem>>[vector<16xi32>, vector<16xi32>], vector<16xf32>,
    %add3A_103 = arith.constant 2 : i32
    %add3A_104 = vector.broadcast %add3A_103 : i32 to vector<16xi32>
    %add3A_105 = arith.addi %shift_left3A_88, %add3A_104 : vector<16xi32>
    %gather3A_106 = tpu.vector_load_idx %arg13[%add3A_91, %add3A_105] : memref<32x128xf32, #tpu.memory_space<vmem>>[vector<16xi32>, vector<16xi32>], vector<16xf32>,
    %broadcast_in_dim3A_107 = arith.constant 2 : i32
    %broadcast_in_dim3A_108 = vector.broadcast %broadcast_in_dim3A_107 : i32 to vector<16xi32>
    tpu.vector_store_idx %arg14[%add3A_91, %broadcast_in_dim3A_108], %gather3A_106 : memref<32x16xf32, #tpu.memory_space<vmem>>[vector<16xi32>, vector<16xi32>], vector<16xf32>,
    %add3A_109 = arith.constant 3 : i32
    %add3A_110 = vector.broadcast %add3A_109 : i32 to vector<16xi32>
    %add3A_111 = arith.addi %shift_left3A_88, %add3A_110 : vector<16xi32>
    %gather3A_112 = tpu.vector_load_idx %arg13[%add3A_91, %add3A_111] : memref<32x128xf32, #tpu.memory_space<vmem>>[vector<16xi32>, vector<16xi32>], vector<16xf32>,
    %broadcast_in_dim3A_113 = arith.constant 3 : i32
    %broadcast_in_dim3A_114 = vector.broadcast %broadcast_in_dim3A_113 : i32 to vector<16xi32>
    tpu.vector_store_idx %arg14[%add3A_91, %broadcast_in_dim3A_114], %gather3A_112 : memref<32x16xf32, #tpu.memory_space<vmem>>[vector<16xi32>, vector<16xi32>], vector<16xf32>,
    %add3A_115 = arith.constant 4 : i32
    %add3A_116 = vector.broadcast %add3A_115 : i32 to vector<16xi32>
    %add3A_117 = arith.addi %shift_left3A_88, %add3A_116 : vector<16xi32>
    %gather3A_118 = tpu.vector_load_idx %arg13[%add3A_91, %add3A_117] : memref<32x128xf32, #tpu.memory_space<vmem>>[vector<16xi32>, vector<16xi32>], vector<16xf32>,
    %broadcast_in_dim3A_119 = arith.constant 4 : i32
    %broadcast_in_dim3A_120 = vector.broadcast %broadcast_in_dim3A_119 : i32 to vector<16xi32>
    tpu.vector_store_idx %arg14[%add3A_91, %broadcast_in_dim3A_120], %gather3A_118 : memref<32x16xf32, #tpu.memory_space<vmem>>[vector<16xi32>, vector<16xi32>], vector<16xf32>,
    %add3A_121 = arith.constant 5 : i32
    %add3A_122 = vector.broadcast %add3A_121 : i32 to vector<16xi32>
    %add3A_123 = arith.addi %shift_left3A_88, %add3A_122 : vector<16xi32>
    %gather3A_124 = tpu.vector_load_idx %arg13[%add3A_91, %add3A_123] : memref<32x128xf32, #tpu.memory_space<vmem>>[vector<16xi32>, vector<16xi32>], vector<16xf32>,
    %broadcast_in_dim3A_125 = arith.constant 5 : i32
    %broadcast_in_dim3A_126 = vector.broadcast %broadcast_in_dim3A_125 : i32 to vector<16xi32>
    tpu.vector_store_idx %arg14[%add3A_91, %broadcast_in_dim3A_126], %gather3A_124 : memref<32x16xf32, #tpu.memory_space<vmem>>[vector<16xi32>, vector<16xi32>], vector<16xf32>,
    %add3A_127 = arith.constant 6 : i32
    %add3A_128 = vector.broadcast %add3A_127 : i32 to vector<16xi32>
    %add3A_129 = arith.addi %shift_left3A_88, %add3A_128 : vector<16xi32>
    %gather3A_130 = tpu.vector_load_idx %arg13[%add3A_91, %add3A_129] : memref<32x128xf32, #tpu.memory_space<vmem>>[vector<16xi32>, vector<16xi32>], vector<16xf32>,
    %broadcast_in_dim3A_131 = arith.constant 6 : i32
    %broadcast_in_dim3A_132 = vector.broadcast %broadcast_in_dim3A_131 : i32 to vector<16xi32>
    tpu.vector_store_idx %arg14[%add3A_91, %broadcast_in_dim3A_132], %gather3A_130 : memref<32x16xf32, #tpu.memory_space<vmem>>[vector<16xi32>, vector<16xi32>], vector<16xf32>,
    %add3A_133 = arith.constant 7 : i32
    %add3A_134 = vector.broadcast %add3A_133 : i32 to vector<16xi32>
    %add3A_135 = arith.addi %shift_left3A_88, %add3A_134 : vector<16xi32>
    %gather3A_136 = tpu.vector_load_idx %arg13[%add3A_91, %add3A_135] : memref<32x128xf32, #tpu.memory_space<vmem>>[vector<16xi32>, vector<16xi32>], vector<16xf32>,
    %broadcast_in_dim3A_137 = arith.constant 7 : i32
    %broadcast_in_dim3A_138 = vector.broadcast %broadcast_in_dim3A_137 : i32 to vector<16xi32>
    tpu.vector_store_idx %arg14[%add3A_91, %broadcast_in_dim3A_138], %gather3A_136 : memref<32x16xf32, #tpu.memory_space<vmem>>[vector<16xi32>, vector<16xi32>], vector<16xf32>,
    %add3A_139 = arith.constant 8 : i32
    %add3A_140 = vector.broadcast %add3A_139 : i32 to vector<16xi32>
    %add3A_141 = arith.addi %shift_left3A_88, %add3A_140 : vector<16xi32>
    %gather3A_142 = tpu.vector_load_idx %arg13[%add3A_91, %add3A_141] : memref<32x128xf32, #tpu.memory_space<vmem>>[vector<16xi32>, vector<16xi32>], vector<16xf32>,
    %broadcast_in_dim3A_143 = arith.constant 8 : i32
    %broadcast_in_dim3A_144 = vector.broadcast %broadcast_in_dim3A_143 : i32 to vector<16xi32>
    tpu.vector_store_idx %arg14[%add3A_91, %broadcast_in_dim3A_144], %gather3A_142 : memref<32x16xf32, #tpu.memory_space<vmem>>[vector<16xi32>, vector<16xi32>], vector<16xf32>,
    %add3A_145 = arith.constant 9 : i32
    %add3A_146 = vector.broadcast %add3A_145 : i32 to vector<16xi32>
    %add3A_147 = arith.addi %shift_left3A_88, %add3A_146 : vector<16xi32>
    %gather3A_148 = tpu.vector_load_idx %arg13[%add3A_91, %add3A_147] : memref<32x128xf32, #tpu.memory_space<vmem>>[vector<16xi32>, vector<16xi32>], vector<16xf32>,
    %broadcast_in_dim3A_149 = arith.constant 9 : i32
    %broadcast_in_dim3A_150 = vector.broadcast %broadcast_in_dim3A_149 : i32 to vector<16xi32>
    tpu.vector_store_idx %arg14[%add3A_91, %broadcast_in_dim3A_150], %gather3A_148 : memref<32x16xf32, #tpu.memory_space<vmem>>[vector<16xi32>, vector<16xi32>], vector<16xf32>,
    %add3A_151 = arith.constant 10 : i32
    %add3A_152 = vector.broadcast %add3A_151 : i32 to vector<16xi32>
    %add3A_153 = arith.addi %shift_left3A_88, %add3A_152 : vector<16xi32>
    %gather3A_154 = tpu.vector_load_idx %arg13[%add3A_91, %add3A_153] : memref<32x128xf32, #tpu.memory_space<vmem>>[vector<16xi32>, vector<16xi32>], vector<16xf32>,
    %broadcast_in_dim3A_155 = arith.constant 10 : i32
    %broadcast_in_dim3A_156 = vector.broadcast %broadcast_in_dim3A_155 : i32 to vector<16xi32>
    tpu.vector_store_idx %arg14[%add3A_91, %broadcast_in_dim3A_156], %gather3A_154 : memref<32x16xf32, #tpu.memory_space<vmem>>[vector<16xi32>, vector<16xi32>], vector<16xf32>,
    %add3A_157 = arith.constant 11 : i32
    %add3A_158 = vector.broadcast %add3A_157 : i32 to vector<16xi32>
    %add3A_159 = arith.addi %shift_left3A_88, %add3A_158 : vector<16xi32>
    %gather3A_160 = tpu.vector_load_idx %arg13[%add3A_91, %add3A_159] : memref<32x128xf32, #tpu.memory_space<vmem>>[vector<16xi32>, vector<16xi32>], vector<16xf32>,
    %broadcast_in_dim3A_161 = arith.constant 11 : i32
    %broadcast_in_dim3A_162 = vector.broadcast %broadcast_in_dim3A_161 : i32 to vector<16xi32>
    tpu.vector_store_idx %arg14[%add3A_91, %broadcast_in_dim3A_162], %gather3A_160 : memref<32x16xf32, #tpu.memory_space<vmem>>[vector<16xi32>, vector<16xi32>], vector<16xf32>,
    %add3A_163 = arith.constant 12 : i32
    %add3A_164 = vector.broadcast %add3A_163 : i32 to vector<16xi32>
    %add3A_165 = arith.addi %shift_left3A_88, %add3A_164 : vector<16xi32>
    %gather3A_166 = tpu.vector_load_idx %arg13[%add3A_91, %add3A_165] : memref<32x128xf32, #tpu.memory_space<vmem>>[vector<16xi32>, vector<16xi32>], vector<16xf32>,
    %broadcast_in_dim3A_167 = arith.constant 12 : i32
    %broadcast_in_dim3A_168 = vector.broadcast %broadcast_in_dim3A_167 : i32 to vector<16xi32>
    tpu.vector_store_idx %arg14[%add3A_91, %broadcast_in_dim3A_168], %gather3A_166 : memref<32x16xf32, #tpu.memory_space<vmem>>[vector<16xi32>, vector<16xi32>], vector<16xf32>,
    %add3A_169 = arith.constant 13 : i32
    %add3A_170 = vector.broadcast %add3A_169 : i32 to vector<16xi32>
    %add3A_171 = arith.addi %shift_left3A_88, %add3A_170 : vector<16xi32>
    %gather3A_172 = tpu.vector_load_idx %arg13[%add3A_91, %add3A_171] : memref<32x128xf32, #tpu.memory_space<vmem>>[vector<16xi32>, vector<16xi32>], vector<16xf32>,
    %broadcast_in_dim3A_173 = arith.constant 13 : i32
    %broadcast_in_dim3A_174 = vector.broadcast %broadcast_in_dim3A_173 : i32 to vector<16xi32>
    tpu.vector_store_idx %arg14[%add3A_91, %broadcast_in_dim3A_174], %gather3A_172 : memref<32x16xf32, #tpu.memory_space<vmem>>[vector<16xi32>, vector<16xi32>], vector<16xf32>,
    %add3A_175 = arith.constant 14 : i32
    %add3A_176 = vector.broadcast %add3A_175 : i32 to vector<16xi32>
    %add3A_177 = arith.addi %shift_left3A_88, %add3A_176 : vector<16xi32>
    %gather3A_178 = tpu.vector_load_idx %arg13[%add3A_91, %add3A_177] : memref<32x128xf32, #tpu.memory_space<vmem>>[vector<16xi32>, vector<16xi32>], vector<16xf32>,
    %broadcast_in_dim3A_179 = arith.constant 14 : i32
    %broadcast_in_dim3A_180 = vector.broadcast %broadcast_in_dim3A_179 : i32 to vector<16xi32>
    tpu.vector_store_idx %arg14[%add3A_91, %broadcast_in_dim3A_180], %gather3A_178 : memref<32x16xf32, #tpu.memory_space<vmem>>[vector<16xi32>, vector<16xi32>], vector<16xf32>,
    %add3A_181 = arith.constant 15 : i32
    %add3A_182 = vector.broadcast %add3A_181 : i32 to vector<16xi32>
    %add3A_183 = arith.addi %shift_left3A_88, %add3A_182 : vector<16xi32>
    %gather3A_184 = tpu.vector_load_idx %arg13[%add3A_91, %add3A_183] : memref<32x128xf32, #tpu.memory_space<vmem>>[vector<16xi32>, vector<16xi32>], vector<16xf32>,
    %broadcast_in_dim3A_185 = arith.constant 15 : i32
    %broadcast_in_dim3A_186 = vector.broadcast %broadcast_in_dim3A_185 : i32 to vector<16xi32>
    tpu.vector_store_idx %arg14[%add3A_91, %broadcast_in_dim3A_186], %gather3A_184 : memref<32x16xf32, #tpu.memory_space<vmem>>[vector<16xi32>, vector<16xi32>], vector<16xf32>,
    %get3A_187 = arith.constant 16 : index
    %get3A_188 = tpu.vector_load %arg12[%get3A_187] {strides = array<i32>} : memref<32xi32, #tpu.memory_space<vmem>>, vector<16xi32>,
    %and3A_189 = arith.constant 7 : i32
    %and3A_190 = vector.broadcast %and3A_189 : i32 to vector<16xi32>
    %and3A_191 = arith.andi %get3A_188, %and3A_190 : vector<16xi32>
    %shift_left3A_192 = arith.constant 4 : i32
    %shift_left3A_193 = vector.broadcast %shift_left3A_192 : i32 to vector<16xi32>
    %shift_left3A_194 = arith.shli %and3A_191, %shift_left3A_193 : vector<16xi32>
    %add3A_195 = arith.constant 16 : i32
    %add3A_196 = vector.broadcast %add3A_195 : i32 to vector<16xi32>
    %add3A_197 = arith.addi %iota3A, %add3A_196 : vector<16xi32>
    %add3A_198 = arith.constant 0 : i32
    %add3A_199 = vector.broadcast %add3A_198 : i32 to vector<16xi32>
    %add3A_200 = arith.addi %shift_left3A_194, %add3A_199 : vector<16xi32>
    %gather3A_201 = tpu.vector_load_idx %arg13[%add3A_197, %add3A_200] : memref<32x128xf32, #tpu.memory_space<vmem>>[vector<16xi32>, vector<16xi32>], vector<16xf32>,
    %broadcast_in_dim3A_202 = arith.constant 0 : i32
    %broadcast_in_dim3A_203 = vector.broadcast %broadcast_in_dim3A_202 : i32 to vector<16xi32>
    tpu.vector_store_idx %arg14[%add3A_197, %broadcast_in_dim3A_203], %gather3A_201 : memref<32x16xf32, #tpu.memory_space<vmem>>[vector<16xi32>, vector<16xi32>], vector<16xf32>,
    %add3A_204 = arith.constant 1 : i32
    %add3A_205 = vector.broadcast %add3A_204 : i32 to vector<16xi32>
    %add3A_206 = arith.addi %shift_left3A_194, %add3A_205 : vector<16xi32>
    %gather3A_207 = tpu.vector_load_idx %arg13[%add3A_197, %add3A_206] : memref<32x128xf32, #tpu.memory_space<vmem>>[vector<16xi32>, vector<16xi32>], vector<16xf32>,
    %broadcast_in_dim3A_208 = arith.constant 1 : i32
    %broadcast_in_dim3A_209 = vector.broadcast %broadcast_in_dim3A_208 : i32 to vector<16xi32>
    tpu.vector_store_idx %arg14[%add3A_197, %broadcast_in_dim3A_209], %gather3A_207 : memref<32x16xf32, #tpu.memory_space<vmem>>[vector<16xi32>, vector<16xi32>], vector<16xf32>,
    %add3A_210 = arith.constant 2 : i32
    %add3A_211 = vector.broadcast %add3A_210 : i32 to vector<16xi32>
    %add3A_212 = arith.addi %shift_left3A_194, %add3A_211 : vector<16xi32>
    %gather3A_213 = tpu.vector_load_idx %arg13[%add3A_197, %add3A_212] : memref<32x128xf32, #tpu.memory_space<vmem>>[vector<16xi32>, vector<16xi32>], vector<16xf32>,
    %broadcast_in_dim3A_214 = arith.constant 2 : i32
    %broadcast_in_dim3A_215 = vector.broadcast %broadcast_in_dim3A_214 : i32 to vector<16xi32>
    tpu.vector_store_idx %arg14[%add3A_197, %broadcast_in_dim3A_215], %gather3A_213 : memref<32x16xf32, #tpu.memory_space<vmem>>[vector<16xi32>, vector<16xi32>], vector<16xf32>,
    %add3A_216 = arith.constant 3 : i32
    %add3A_217 = vector.broadcast %add3A_216 : i32 to vector<16xi32>
    %add3A_218 = arith.addi %shift_left3A_194, %add3A_217 : vector<16xi32>
    %gather3A_219 = tpu.vector_load_idx %arg13[%add3A_197, %add3A_218] : memref<32x128xf32, #tpu.memory_space<vmem>>[vector<16xi32>, vector<16xi32>], vector<16xf32>,
    %broadcast_in_dim3A_220 = arith.constant 3 : i32
    %broadcast_in_dim3A_221 = vector.broadcast %broadcast_in_dim3A_220 : i32 to vector<16xi32>
    tpu.vector_store_idx %arg14[%add3A_197, %broadcast_in_dim3A_221], %gather3A_219 : memref<32x16xf32, #tpu.memory_space<vmem>>[vector<16xi32>, vector<16xi32>], vector<16xf32>,
    %add3A_222 = arith.constant 4 : i32
    %add3A_223 = vector.broadcast %add3A_222 : i32 to vector<16xi32>
    %add3A_224 = arith.addi %shift_left3A_194, %add3A_223 : vector<16xi32>
    %gather3A_225 = tpu.vector_load_idx %arg13[%add3A_197, %add3A_224] : memref<32x128xf32, #tpu.memory_space<vmem>>[vector<16xi32>, vector<16xi32>], vector<16xf32>,
    %broadcast_in_dim3A_226 = arith.constant 4 : i32
    %broadcast_in_dim3A_227 = vector.broadcast %broadcast_in_dim3A_226 : i32 to vector<16xi32>
    tpu.vector_store_idx %arg14[%add3A_197, %broadcast_in_dim3A_227], %gather3A_225 : memref<32x16xf32, #tpu.memory_space<vmem>>[vector<16xi32>, vector<16xi32>], vector<16xf32>,
    %add3A_228 = arith.constant 5 : i32
    %add3A_229 = vector.broadcast %add3A_228 : i32 to vector<16xi32>
    %add3A_230 = arith.addi %shift_left3A_194, %add3A_229 : vector<16xi32>
    %gather3A_231 = tpu.vector_load_idx %arg13[%add3A_197, %add3A_230] : memref<32x128xf32, #tpu.memory_space<vmem>>[vector<16xi32>, vector<16xi32>], vector<16xf32>,
    %broadcast_in_dim3A_232 = arith.constant 5 : i32
    %broadcast_in_dim3A_233 = vector.broadcast %broadcast_in_dim3A_232 : i32 to vector<16xi32>
    tpu.vector_store_idx %arg14[%add3A_197, %broadcast_in_dim3A_233], %gather3A_231 : memref<32x16xf32, #tpu.memory_space<vmem>>[vector<16xi32>, vector<16xi32>], vector<16xf32>,
    %add3A_234 = arith.constant 6 : i32
    %add3A_235 = vector.broadcast %add3A_234 : i32 to vector<16xi32>
    %add3A_236 = arith.addi %shift_left3A_194, %add3A_235 : vector<16xi32>
    %gather3A_237 = tpu.vector_load_idx %arg13[%add3A_197, %add3A_236] : memref<32x128xf32, #tpu.memory_space<vmem>>[vector<16xi32>, vector<16xi32>], vector<16xf32>,
    %broadcast_in_dim3A_238 = arith.constant 6 : i32
    %broadcast_in_dim3A_239 = vector.broadcast %broadcast_in_dim3A_238 : i32 to vector<16xi32>
    tpu.vector_store_idx %arg14[%add3A_197, %broadcast_in_dim3A_239], %gather3A_237 : memref<32x16xf32, #tpu.memory_space<vmem>>[vector<16xi32>, vector<16xi32>], vector<16xf32>,
    %add3A_240 = arith.constant 7 : i32
    %add3A_241 = vector.broadcast %add3A_240 : i32 to vector<16xi32>
    %add3A_242 = arith.addi %shift_left3A_194, %add3A_241 : vector<16xi32>
    %gather3A_243 = tpu.vector_load_idx %arg13[%add3A_197, %add3A_242] : memref<32x128xf32, #tpu.memory_space<vmem>>[vector<16xi32>, vector<16xi32>], vector<16xf32>,
    %broadcast_in_dim3A_244 = arith.constant 7 : i32
    %broadcast_in_dim3A_245 = vector.broadcast %broadcast_in_dim3A_244 : i32 to vector<16xi32>
    tpu.vector_store_idx %arg14[%add3A_197, %broadcast_in_dim3A_245], %gather3A_243 : memref<32x16xf32, #tpu.memory_space<vmem>>[vector<16xi32>, vector<16xi32>], vector<16xf32>,
    %add3A_246 = arith.constant 8 : i32
    %add3A_247 = vector.broadcast %add3A_246 : i32 to vector<16xi32>
    %add3A_248 = arith.addi %shift_left3A_194, %add3A_247 : vector<16xi32>
    %gather3A_249 = tpu.vector_load_idx %arg13[%add3A_197, %add3A_248] : memref<32x128xf32, #tpu.memory_space<vmem>>[vector<16xi32>, vector<16xi32>], vector<16xf32>,
    %broadcast_in_dim3A_250 = arith.constant 8 : i32
    %broadcast_in_dim3A_251 = vector.broadcast %broadcast_in_dim3A_250 : i32 to vector<16xi32>
    tpu.vector_store_idx %arg14[%add3A_197, %broadcast_in_dim3A_251], %gather3A_249 : memref<32x16xf32, #tpu.memory_space<vmem>>[vector<16xi32>, vector<16xi32>], vector<16xf32>,
    %add3A_252 = arith.constant 9 : i32
    %add3A_253 = vector.broadcast %add3A_252 : i32 to vector<16xi32>
    %add3A_254 = arith.addi %shift_left3A_194, %add3A_253 : vector<16xi32>
    %gather3A_255 = tpu.vector_load_idx %arg13[%add3A_197, %add3A_254] : memref<32x128xf32, #tpu.memory_space<vmem>>[vector<16xi32>, vector<16xi32>], vector<16xf32>,
    %broadcast_in_dim3A_256 = arith.constant 9 : i32
    %broadcast_in_dim3A_257 = vector.broadcast %broadcast_in_dim3A_256 : i32 to vector<16xi32>
    tpu.vector_store_idx %arg14[%add3A_197, %broadcast_in_dim3A_257], %gather3A_255 : memref<32x16xf32, #tpu.memory_space<vmem>>[vector<16xi32>, vector<16xi32>], vector<16xf32>,
    %add3A_258 = arith.constant 10 : i32
    %add3A_259 = vector.broadcast %add3A_258 : i32 to vector<16xi32>
    %add3A_260 = arith.addi %shift_left3A_194, %add3A_259 : vector<16xi32>
    %gather3A_261 = tpu.vector_load_idx %arg13[%add3A_197, %add3A_260] : memref<32x128xf32, #tpu.memory_space<vmem>>[vector<16xi32>, vector<16xi32>], vector<16xf32>,
    %broadcast_in_dim3A_262 = arith.constant 10 : i32
    %broadcast_in_dim3A_263 = vector.broadcast %broadcast_in_dim3A_262 : i32 to vector<16xi32>
    tpu.vector_store_idx %arg14[%add3A_197, %broadcast_in_dim3A_263], %gather3A_261 : memref<32x16xf32, #tpu.memory_space<vmem>>[vector<16xi32>, vector<16xi32>], vector<16xf32>,
    %add3A_264 = arith.constant 11 : i32
    %add3A_265 = vector.broadcast %add3A_264 : i32 to vector<16xi32>
    %add3A_266 = arith.addi %shift_left3A_194, %add3A_265 : vector<16xi32>
    %gather3A_267 = tpu.vector_load_idx %arg13[%add3A_197, %add3A_266] : memref<32x128xf32, #tpu.memory_space<vmem>>[vector<16xi32>, vector<16xi32>], vector<16xf32>,
    %broadcast_in_dim3A_268 = arith.constant 11 : i32
    %broadcast_in_dim3A_269 = vector.broadcast %broadcast_in_dim3A_268 : i32 to vector<16xi32>
    tpu.vector_store_idx %arg14[%add3A_197, %broadcast_in_dim3A_269], %gather3A_267 : memref<32x16xf32, #tpu.memory_space<vmem>>[vector<16xi32>, vector<16xi32>], vector<16xf32>,
    %add3A_270 = arith.constant 12 : i32
    %add3A_271 = vector.broadcast %add3A_270 : i32 to vector<16xi32>
    %add3A_272 = arith.addi %shift_left3A_194, %add3A_271 : vector<16xi32>
    %gather3A_273 = tpu.vector_load_idx %arg13[%add3A_197, %add3A_272] : memref<32x128xf32, #tpu.memory_space<vmem>>[vector<16xi32>, vector<16xi32>], vector<16xf32>,
    %broadcast_in_dim3A_274 = arith.constant 12 : i32
    %broadcast_in_dim3A_275 = vector.broadcast %broadcast_in_dim3A_274 : i32 to vector<16xi32>
    tpu.vector_store_idx %arg14[%add3A_197, %broadcast_in_dim3A_275], %gather3A_273 : memref<32x16xf32, #tpu.memory_space<vmem>>[vector<16xi32>, vector<16xi32>], vector<16xf32>,
    %add3A_276 = arith.constant 13 : i32
    %add3A_277 = vector.broadcast %add3A_276 : i32 to vector<16xi32>
    %add3A_278 = arith.addi %shift_left3A_194, %add3A_277 : vector<16xi32>
    %gather3A_279 = tpu.vector_load_idx %arg13[%add3A_197, %add3A_278] : memref<32x128xf32, #tpu.memory_space<vmem>>[vector<16xi32>, vector<16xi32>], vector<16xf32>,
    %broadcast_in_dim3A_280 = arith.constant 13 : i32
    %broadcast_in_dim3A_281 = vector.broadcast %broadcast_in_dim3A_280 : i32 to vector<16xi32>
    tpu.vector_store_idx %arg14[%add3A_197, %broadcast_in_dim3A_281], %gather3A_279 : memref<32x16xf32, #tpu.memory_space<vmem>>[vector<16xi32>, vector<16xi32>], vector<16xf32>,
    %add3A_282 = arith.constant 14 : i32
    %add3A_283 = vector.broadcast %add3A_282 : i32 to vector<16xi32>
    %add3A_284 = arith.addi %shift_left3A_194, %add3A_283 : vector<16xi32>
    %gather3A_285 = tpu.vector_load_idx %arg13[%add3A_197, %add3A_284] : memref<32x128xf32, #tpu.memory_space<vmem>>[vector<16xi32>, vector<16xi32>], vector<16xf32>,
    %broadcast_in_dim3A_286 = arith.constant 14 : i32
    %broadcast_in_dim3A_287 = vector.broadcast %broadcast_in_dim3A_286 : i32 to vector<16xi32>
    tpu.vector_store_idx %arg14[%add3A_197, %broadcast_in_dim3A_287], %gather3A_285 : memref<32x16xf32, #tpu.memory_space<vmem>>[vector<16xi32>, vector<16xi32>], vector<16xf32>,
    %add3A_288 = arith.constant 15 : i32
    %add3A_289 = vector.broadcast %add3A_288 : i32 to vector<16xi32>
    %add3A_290 = arith.addi %shift_left3A_194, %add3A_289 : vector<16xi32>
    %gather3A_291 = tpu.vector_load_idx %arg13[%add3A_197, %add3A_290] : memref<32x128xf32, #tpu.memory_space<vmem>>[vector<16xi32>, vector<16xi32>], vector<16xf32>,
    %broadcast_in_dim3A_292 = arith.constant 15 : i32
    %broadcast_in_dim3A_293 = vector.broadcast %broadcast_in_dim3A_292 : i32 to vector<16xi32>
    tpu.vector_store_idx %arg14[%add3A_197, %broadcast_in_dim3A_293], %gather3A_291 : memref<32x16xf32, #tpu.memory_space<vmem>>[vector<16xi32>, vector<16xi32>], vector<16xf32>,
    %scan3A_294 = arith.constant 0 : i32
    %scan3A_295 = arith.constant 0 : i32
    %scan3A_296 = arith.constant 50 : i32
    %scan3A_297 = arith.addi %scan3A_295, %scan3A_296 : i32
    %scan3A_298 = arith.constant 1 : i32
    scf.for %scan3A_300 = %scan3A_295 to %scan3A_297 step %scan3A_298  : i32 {
      %dma_wait3A_301 = arith.constant 0 : i32
      %dma_wait3A_302 = arith.constant 0 : i32
      %dma_wait3A_303 = arith.constant 0 : i32
      %dma_wait3A_304 = arith.constant 0 : i32
      %dma_wait3A_305 = tpu.memref_slice %arg10[%dma_wait3A_302, %dma_wait3A_303, %dma_wait3A_304] : memref<4x128x128xf32, #tpu.memory_space<vmem>> -> memref<1x128x128xf32, #tpu.memory_space<vmem>>
      %dma_wait3A_306 = tpu.memref_squeeze %dma_wait3A_305 : memref<1x128x128xf32, #tpu.memory_space<vmem>> -> memref<128x128xf32, #tpu.memory_space<vmem>>
      %dma_wait3A_307 = arith.constant 0 : i32
      %dma_wait3A_308 = tpu.memref_slice %arg8[%dma_wait3A_301, %dma_wait3A_307] : memref<50x128xi32, #tpu.memory_space<vmem>> -> memref<1x128xi32, #tpu.memory_space<vmem>>
      %dma_wait3A_309 = tpu.memref_squeeze %dma_wait3A_308 : memref<1x128xi32, #tpu.memory_space<vmem>> -> memref<128xi32, #tpu.memory_space<vmem>>
      %dma_wait3A_310 = arith.constant 0 : i32
      %dma_wait3A_311 = arith.constant 0 : i32
      %dma_wait3A_312 = tpu.memref_slice %arg4[%dma_wait3A_310, %dma_wait3A_311] : memref<125000x128xf32, #tpu.memory_space<hbm>> -> memref<125000x128xf32, #tpu.memory_space<hbm>>
      tpu.wait_indirect_dma semaphore(%arg15 : memref<!tpu.dma_semaphore, #tpu.memory_space<semaphore_mem>>) src(%dma_wait3A_312 : memref<125000x128xf32, #tpu.memory_space<hbm>>) dst(%dma_wait3A_306 : memref<128x128xf32, #tpu.memory_space<vmem>>)
      %rem3A = arith.constant 4 : i32
      %rem3A_313 = arith.remsi %scan3A_300, %rem3A : i32
      %broadcast_in_dim3A_314 = vector.broadcast %rem3A_313 : i32 to vector<16xi32>
      %scan3A_315 = arith.constant 0 : i32
      %scan3A_316 = arith.constant 0 : i32
      %scan3A_317 = arith.constant 8 : i32
      %scan3A_318 = arith.addi %scan3A_316, %scan3A_317 : i32
      %scan3A_319 = arith.constant 1 : i32
      scf.for %scan3A_326 = %scan3A_316 to %scan3A_318 step %scan3A_319  : i32 {
        %mul3A_327 = arith.constant 16 : i32
        %mul3A_328 = arith.muli %scan3A_326, %mul3A_327 : i32
        %mul3A_329 = arith.constant 128 : i32
        %mul3A_330 = arith.muli %scan3A_300, %mul3A_329 : i32
        %add3A_331 = arith.addi %mul3A_330, %mul3A_328 : i32
        %add3A_332 = arith.constant 0 : i32
        %add3A_333 = arith.addi %add3A_331, %add3A_332 : i32
        %div3A = arith.constant 200 : i32
        %div3A_334 = arith.divsi %add3A_333, %div3A : i32
        %broadcast_in_dim3A_335 = vector.broadcast %scan3A_300 : i32 to vector<16xi32>
        %add3A_336 = arith.constant 0 : i32
        %add3A_337 = arith.addi %mul3A_328, %add3A_336 : i32
        %broadcast_in_dim3A_338 = vector.broadcast %add3A_337 : i32 to vector<16xi32>
        %gather3A_339 = tpu.vector_load_idx %arg9[%broadcast_in_dim3A_335, %broadcast_in_dim3A_338] : memref<50x128xi32, #tpu.memory_space<vmem>>[vector<16xi32>, vector<16xi32>], vector<16xi32>,
        %add3A_340 = arith.constant 0 : i32
        %add3A_341 = arith.addi %mul3A_328, %add3A_340 : i32
        %broadcast_in_dim3A_342 = vector.broadcast %add3A_341 : i32 to vector<16xi32>
        %add3A_343 = arith.addi %gather3A_339, %iota3A : vector<16xi32>
        %gather3A_344 = tpu.vector_load_idx %arg10[%broadcast_in_dim3A_314, %broadcast_in_dim3A_342, %add3A_343] : memref<4x128x128xf32, #tpu.memory_space<vmem>>[vector<16xi32>, vector<16xi32>, vector<16xi32>], vector<16xf32>,
        %swap3A = arith.index_cast %div3A_334 : i32 to index
        %swap3A_345 = arith.constant 0 : index
        %swap3A_346 = tpu.vector_load %arg11[%swap3A, %swap3A_345] {strides = array<i32>} : memref<32x16xf32, #tpu.memory_space<vmem>>, vector<16xf32>,
        tpu.vector_store %arg11[%swap3A, %swap3A_345], %gather3A_344 {add = true, strides = array<i32>} : memref<32x16xf32, #tpu.memory_space<vmem>>, vector<16xf32>,
        %mul3A_347 = arith.constant 128 : i32
        %mul3A_348 = arith.muli %scan3A_300, %mul3A_347 : i32
        %add3A_349 = arith.addi %mul3A_348, %mul3A_328 : i32
        %add3A_350 = arith.constant 1 : i32
        %add3A_351 = arith.addi %add3A_349, %add3A_350 : i32
        %div3A_352 = arith.constant 200 : i32
        %div3A_353 = arith.divsi %add3A_351, %div3A_352 : i32
        %broadcast_in_dim3A_354 = vector.broadcast %scan3A_300 : i32 to vector<16xi32>
        %add3A_355 = arith.constant 1 : i32
        %add3A_356 = arith.addi %mul3A_328, %add3A_355 : i32
        %broadcast_in_dim3A_357 = vector.broadcast %add3A_356 : i32 to vector<16xi32>
        %gather3A_358 = tpu.vector_load_idx %arg9[%broadcast_in_dim3A_354, %broadcast_in_dim3A_357] : memref<50x128xi32, #tpu.memory_space<vmem>>[vector<16xi32>, vector<16xi32>], vector<16xi32>,
        %add3A_359 = arith.constant 1 : i32
        %add3A_360 = arith.addi %mul3A_328, %add3A_359 : i32
        %broadcast_in_dim3A_361 = vector.broadcast %add3A_360 : i32 to vector<16xi32>
        %add3A_362 = arith.addi %gather3A_358, %iota3A : vector<16xi32>
        %gather3A_363 = tpu.vector_load_idx %arg10[%broadcast_in_dim3A_314, %broadcast_in_dim3A_361, %add3A_362] : memref<4x128x128xf32, #tpu.memory_space<vmem>>[vector<16xi32>, vector<16xi32>, vector<16xi32>], vector<16xf32>,
        %swap3A_364 = arith.index_cast %div3A_353 : i32 to index
        %swap3A_365 = arith.constant 0 : index
        %swap3A_366 = tpu.vector_load %arg11[%swap3A_364, %swap3A_365] {strides = array<i32>} : memref<32x16xf32, #tpu.memory_space<vmem>>, vector<16xf32>,
        tpu.vector_store %arg11[%swap3A_364, %swap3A_365], %gather3A_363 {add = true, strides = array<i32>} : memref<32x16xf32, #tpu.memory_space<vmem>>, vector<16xf32>,
        %mul3A_367 = arith.constant 128 : i32
        %mul3A_368 = arith.muli %scan3A_300, %mul3A_367 : i32
        %add3A_369 = arith.addi %mul3A_368, %mul3A_328 : i32
        %add3A_370 = arith.constant 2 : i32
        %add3A_371 = arith.addi %add3A_369, %add3A_370 : i32
        %div3A_372 = arith.constant 200 : i32
        %div3A_373 = arith.divsi %add3A_371, %div3A_372 : i32
        %broadcast_in_dim3A_374 = vector.broadcast %scan3A_300 : i32 to vector<16xi32>
        %add3A_375 = arith.constant 2 : i32
        %add3A_376 = arith.addi %mul3A_328, %add3A_375 : i32
        %broadcast_in_dim3A_377 = vector.broadcast %add3A_376 : i32 to vector<16xi32>
        %gather3A_378 = tpu.vector_load_idx %arg9[%broadcast_in_dim3A_374, %broadcast_in_dim3A_377] : memref<50x128xi32, #tpu.memory_space<vmem>>[vector<16xi32>, vector<16xi32>], vector<16xi32>,
        %add3A_379 = arith.constant 2 : i32
        %add3A_380 = arith.addi %mul3A_328, %add3A_379 : i32
        %broadcast_in_dim3A_381 = vector.broadcast %add3A_380 : i32 to vector<16xi32>
        %add3A_382 = arith.addi %gather3A_378, %iota3A : vector<16xi32>
        %gather3A_383 = tpu.vector_load_idx %arg10[%broadcast_in_dim3A_314, %broadcast_in_dim3A_381, %add3A_382] : memref<4x128x128xf32, #tpu.memory_space<vmem>>[vector<16xi32>, vector<16xi32>, vector<16xi32>], vector<16xf32>,
        %swap3A_384 = arith.index_cast %div3A_373 : i32 to index
        %swap3A_385 = arith.constant 0 : index
        %swap3A_386 = tpu.vector_load %arg11[%swap3A_384, %swap3A_385] {strides = array<i32>} : memref<32x16xf32, #tpu.memory_space<vmem>>, vector<16xf32>,
        tpu.vector_store %arg11[%swap3A_384, %swap3A_385], %gather3A_383 {add = true, strides = array<i32>} : memref<32x16xf32, #tpu.memory_space<vmem>>, vector<16xf32>,
        %mul3A_387 = arith.constant 128 : i32
        %mul3A_388 = arith.muli %scan3A_300, %mul3A_387 : i32
        %add3A_389 = arith.addi %mul3A_388, %mul3A_328 : i32
        %add3A_390 = arith.constant 3 : i32
        %add3A_391 = arith.addi %add3A_389, %add3A_390 : i32
        %div3A_392 = arith.constant 200 : i32
        %div3A_393 = arith.divsi %add3A_391, %div3A_392 : i32
        %broadcast_in_dim3A_394 = vector.broadcast %scan3A_300 : i32 to vector<16xi32>
        %add3A_395 = arith.constant 3 : i32
        %add3A_396 = arith.addi %mul3A_328, %add3A_395 : i32
        %broadcast_in_dim3A_397 = vector.broadcast %add3A_396 : i32 to vector<16xi32>
        %gather3A_398 = tpu.vector_load_idx %arg9[%broadcast_in_dim3A_394, %broadcast_in_dim3A_397] : memref<50x128xi32, #tpu.memory_space<vmem>>[vector<16xi32>, vector<16xi32>], vector<16xi32>,
        %add3A_399 = arith.constant 3 : i32
        %add3A_400 = arith.addi %mul3A_328, %add3A_399 : i32
        %broadcast_in_dim3A_401 = vector.broadcast %add3A_400 : i32 to vector<16xi32>
        %add3A_402 = arith.addi %gather3A_398, %iota3A : vector<16xi32>
        %gather3A_403 = tpu.vector_load_idx %arg10[%broadcast_in_dim3A_314, %broadcast_in_dim3A_401, %add3A_402] : memref<4x128x128xf32, #tpu.memory_space<vmem>>[vector<16xi32>, vector<16xi32>, vector<16xi32>], vector<16xf32>,
        %swap3A_404 = arith.index_cast %div3A_393 : i32 to index
        %swap3A_405 = arith.constant 0 : index
        %swap3A_406 = tpu.vector_load %arg11[%swap3A_404, %swap3A_405] {strides = array<i32>} : memref<32x16xf32, #tpu.memory_space<vmem>>, vector<16xf32>,
        tpu.vector_store %arg11[%swap3A_404, %swap3A_405], %gather3A_403 {add = true, strides = array<i32>} : memref<32x16xf32, #tpu.memory_space<vmem>>, vector<16xf32>,
        %mul3A_407 = arith.constant 128 : i32
        %mul3A_408 = arith.muli %scan3A_300, %mul3A_407 : i32
        %add3A_409 = arith.addi %mul3A_408, %mul3A_328 : i32
        %add3A_410 = arith.constant 4 : i32
        %add3A_411 = arith.addi %add3A_409, %add3A_410 : i32
        %div3A_412 = arith.constant 200 : i32
        %div3A_413 = arith.divsi %add3A_411, %div3A_412 : i32
        %broadcast_in_dim3A_414 = vector.broadcast %scan3A_300 : i32 to vector<16xi32>
        %add3A_415 = arith.constant 4 : i32
        %add3A_416 = arith.addi %mul3A_328, %add3A_415 : i32
        %broadcast_in_dim3A_417 = vector.broadcast %add3A_416 : i32 to vector<16xi32>
        %gather3A_418 = tpu.vector_load_idx %arg9[%broadcast_in_dim3A_414, %broadcast_in_dim3A_417] : memref<50x128xi32, #tpu.memory_space<vmem>>[vector<16xi32>, vector<16xi32>], vector<16xi32>,
        %add3A_419 = arith.constant 4 : i32
        %add3A_420 = arith.addi %mul3A_328, %add3A_419 : i32
        %broadcast_in_dim3A_421 = vector.broadcast %add3A_420 : i32 to vector<16xi32>
        %add3A_422 = arith.addi %gather3A_418, %iota3A : vector<16xi32>
        %gather3A_423 = tpu.vector_load_idx %arg10[%broadcast_in_dim3A_314, %broadcast_in_dim3A_421, %add3A_422] : memref<4x128x128xf32, #tpu.memory_space<vmem>>[vector<16xi32>, vector<16xi32>, vector<16xi32>], vector<16xf32>,
        %swap3A_424 = arith.index_cast %div3A_413 : i32 to index
        %swap3A_425 = arith.constant 0 : index
        %swap3A_426 = tpu.vector_load %arg11[%swap3A_424, %swap3A_425] {strides = array<i32>} : memref<32x16xf32, #tpu.memory_space<vmem>>, vector<16xf32>,
        tpu.vector_store %arg11[%swap3A_424, %swap3A_425], %gather3A_423 {add = true, strides = array<i32>} : memref<32x16xf32, #tpu.memory_space<vmem>>, vector<16xf32>,
        %mul3A_427 = arith.constant 128 : i32
        %mul3A_428 = arith.muli %scan3A_300, %mul3A_427 : i32
        %add3A_429 = arith.addi %mul3A_428, %mul3A_328 : i32
        %add3A_430 = arith.constant 5 : i32
        %add3A_431 = arith.addi %add3A_429, %add3A_430 : i32
        %div3A_432 = arith.constant 200 : i32
        %div3A_433 = arith.divsi %add3A_431, %div3A_432 : i32
        %broadcast_in_dim3A_434 = vector.broadcast %scan3A_300 : i32 to vector<16xi32>
        %add3A_435 = arith.constant 5 : i32
        %add3A_436 = arith.addi %mul3A_328, %add3A_435 : i32
        %broadcast_in_dim3A_437 = vector.broadcast %add3A_436 : i32 to vector<16xi32>
        %gather3A_438 = tpu.vector_load_idx %arg9[%broadcast_in_dim3A_434, %broadcast_in_dim3A_437] : memref<50x128xi32, #tpu.memory_space<vmem>>[vector<16xi32>, vector<16xi32>], vector<16xi32>,
        %add3A_439 = arith.constant 5 : i32
        %add3A_440 = arith.addi %mul3A_328, %add3A_439 : i32
        %broadcast_in_dim3A_441 = vector.broadcast %add3A_440 : i32 to vector<16xi32>
        %add3A_442 = arith.addi %gather3A_438, %iota3A : vector<16xi32>
        %gather3A_443 = tpu.vector_load_idx %arg10[%broadcast_in_dim3A_314, %broadcast_in_dim3A_441, %add3A_442] : memref<4x128x128xf32, #tpu.memory_space<vmem>>[vector<16xi32>, vector<16xi32>, vector<16xi32>], vector<16xf32>,
        %swap3A_444 = arith.index_cast %div3A_433 : i32 to index
        %swap3A_445 = arith.constant 0 : index
        %swap3A_446 = tpu.vector_load %arg11[%swap3A_444, %swap3A_445] {strides = array<i32>} : memref<32x16xf32, #tpu.memory_space<vmem>>, vector<16xf32>,
        tpu.vector_store %arg11[%swap3A_444, %swap3A_445], %gather3A_443 {add = true, strides = array<i32>} : memref<32x16xf32, #tpu.memory_space<vmem>>, vector<16xf32>,
        %mul3A_447 = arith.constant 128 : i32
        %mul3A_448 = arith.muli %scan3A_300, %mul3A_447 : i32
        %add3A_449 = arith.addi %mul3A_448, %mul3A_328 : i32
        %add3A_450 = arith.constant 6 : i32
        %add3A_451 = arith.addi %add3A_449, %add3A_450 : i32
        %div3A_452 = arith.constant 200 : i32
        %div3A_453 = arith.divsi %add3A_451, %div3A_452 : i32
        %broadcast_in_dim3A_454 = vector.broadcast %scan3A_300 : i32 to vector<16xi32>
        %add3A_455 = arith.constant 6 : i32
        %add3A_456 = arith.addi %mul3A_328, %add3A_455 : i32
        %broadcast_in_dim3A_457 = vector.broadcast %add3A_456 : i32 to vector<16xi32>
        %gather3A_458 = tpu.vector_load_idx %arg9[%broadcast_in_dim3A_454, %broadcast_in_dim3A_457] : memref<50x128xi32, #tpu.memory_space<vmem>>[vector<16xi32>, vector<16xi32>], vector<16xi32>,
        %add3A_459 = arith.constant 6 : i32
        %add3A_460 = arith.addi %mul3A_328, %add3A_459 : i32
        %broadcast_in_dim3A_461 = vector.broadcast %add3A_460 : i32 to vector<16xi32>
        %add3A_462 = arith.addi %gather3A_458, %iota3A : vector<16xi32>
        %gather3A_463 = tpu.vector_load_idx %arg10[%broadcast_in_dim3A_314, %broadcast_in_dim3A_461, %add3A_462] : memref<4x128x128xf32, #tpu.memory_space<vmem>>[vector<16xi32>, vector<16xi32>, vector<16xi32>], vector<16xf32>,
        %swap3A_464 = arith.index_cast %div3A_453 : i32 to index
        %swap3A_465 = arith.constant 0 : index
        %swap3A_466 = tpu.vector_load %arg11[%swap3A_464, %swap3A_465] {strides = array<i32>} : memref<32x16xf32, #tpu.memory_space<vmem>>, vector<16xf32>,
        tpu.vector_store %arg11[%swap3A_464, %swap3A_465], %gather3A_463 {add = true, strides = array<i32>} : memref<32x16xf32, #tpu.memory_space<vmem>>, vector<16xf32>,
        %mul3A_467 = arith.constant 128 : i32
        %mul3A_468 = arith.muli %scan3A_300, %mul3A_467 : i32
        %add3A_469 = arith.addi %mul3A_468, %mul3A_328 : i32
        %add3A_470 = arith.constant 7 : i32
        %add3A_471 = arith.addi %add3A_469, %add3A_470 : i32
        %div3A_472 = arith.constant 200 : i32
        %div3A_473 = arith.divsi %add3A_471, %div3A_472 : i32
        %broadcast_in_dim3A_474 = vector.broadcast %scan3A_300 : i32 to vector<16xi32>
        %add3A_475 = arith.constant 7 : i32
        %add3A_476 = arith.addi %mul3A_328, %add3A_475 : i32
        %broadcast_in_dim3A_477 = vector.broadcast %add3A_476 : i32 to vector<16xi32>
        %gather3A_478 = tpu.vector_load_idx %arg9[%broadcast_in_dim3A_474, %broadcast_in_dim3A_477] : memref<50x128xi32, #tpu.memory_space<vmem>>[vector<16xi32>, vector<16xi32>], vector<16xi32>,
        %add3A_479 = arith.constant 7 : i32
        %add3A_480 = arith.addi %mul3A_328, %add3A_479 : i32
        %broadcast_in_dim3A_481 = vector.broadcast %add3A_480 : i32 to vector<16xi32>
        %add3A_482 = arith.addi %gather3A_478, %iota3A : vector<16xi32>
        %gather3A_483 = tpu.vector_load_idx %arg10[%broadcast_in_dim3A_314, %broadcast_in_dim3A_481, %add3A_482] : memref<4x128x128xf32, #tpu.memory_space<vmem>>[vector<16xi32>, vector<16xi32>, vector<16xi32>], vector<16xf32>,
        %swap3A_484 = arith.index_cast %div3A_473 : i32 to index
        %swap3A_485 = arith.constant 0 : index
        %swap3A_486 = tpu.vector_load %arg11[%swap3A_484, %swap3A_485] {strides = array<i32>} : memref<32x16xf32, #tpu.memory_space<vmem>>, vector<16xf32>,
        tpu.vector_store %arg11[%swap3A_484, %swap3A_485], %gather3A_483 {add = true, strides = array<i32>} : memref<32x16xf32, #tpu.memory_space<vmem>>, vector<16xf32>,
        %mul3A_487 = arith.constant 128 : i32
        %mul3A_488 = arith.muli %scan3A_300, %mul3A_487 : i32
        %add3A_489 = arith.addi %mul3A_488, %mul3A_328 : i32
        %add3A_490 = arith.constant 8 : i32
        %add3A_491 = arith.addi %add3A_489, %add3A_490 : i32
        %div3A_492 = arith.constant 200 : i32
        %div3A_493 = arith.divsi %add3A_491, %div3A_492 : i32
        %broadcast_in_dim3A_494 = vector.broadcast %scan3A_300 : i32 to vector<16xi32>
        %add3A_495 = arith.constant 8 : i32
        %add3A_496 = arith.addi %mul3A_328, %add3A_495 : i32
        %broadcast_in_dim3A_497 = vector.broadcast %add3A_496 : i32 to vector<16xi32>
        %gather3A_498 = tpu.vector_load_idx %arg9[%broadcast_in_dim3A_494, %broadcast_in_dim3A_497] : memref<50x128xi32, #tpu.memory_space<vmem>>[vector<16xi32>, vector<16xi32>], vector<16xi32>,
        %add3A_499 = arith.constant 8 : i32
        %add3A_500 = arith.addi %mul3A_328, %add3A_499 : i32
        %broadcast_in_dim3A_501 = vector.broadcast %add3A_500 : i32 to vector<16xi32>
        %add3A_502 = arith.addi %gather3A_498, %iota3A : vector<16xi32>
        %gather3A_503 = tpu.vector_load_idx %arg10[%broadcast_in_dim3A_314, %broadcast_in_dim3A_501, %add3A_502] : memref<4x128x128xf32, #tpu.memory_space<vmem>>[vector<16xi32>, vector<16xi32>, vector<16xi32>], vector<16xf32>,
        %swap3A_504 = arith.index_cast %div3A_493 : i32 to index
        %swap3A_505 = arith.constant 0 : index
        %swap3A_506 = tpu.vector_load %arg11[%swap3A_504, %swap3A_505] {strides = array<i32>} : memref<32x16xf32, #tpu.memory_space<vmem>>, vector<16xf32>,
        tpu.vector_store %arg11[%swap3A_504, %swap3A_505], %gather3A_503 {add = true, strides = array<i32>} : memref<32x16xf32, #tpu.memory_space<vmem>>, vector<16xf32>,
        %mul3A_507 = arith.constant 128 : i32
        %mul3A_508 = arith.muli %scan3A_300, %mul3A_507 : i32
        %add3A_509 = arith.addi %mul3A_508, %mul3A_328 : i32
        %add3A_510 = arith.constant 9 : i32
        %add3A_511 = arith.addi %add3A_509, %add3A_510 : i32
        %div3A_512 = arith.constant 200 : i32
        %div3A_513 = arith.divsi %add3A_511, %div3A_512 : i32
        %broadcast_in_dim3A_514 = vector.broadcast %scan3A_300 : i32 to vector<16xi32>
        %add3A_515 = arith.constant 9 : i32
        %add3A_516 = arith.addi %mul3A_328, %add3A_515 : i32
        %broadcast_in_dim3A_517 = vector.broadcast %add3A_516 : i32 to vector<16xi32>
        %gather3A_518 = tpu.vector_load_idx %arg9[%broadcast_in_dim3A_514, %broadcast_in_dim3A_517] : memref<50x128xi32, #tpu.memory_space<vmem>>[vector<16xi32>, vector<16xi32>], vector<16xi32>,
        %add3A_519 = arith.constant 9 : i32
        %add3A_520 = arith.addi %mul3A_328, %add3A_519 : i32
        %broadcast_in_dim3A_521 = vector.broadcast %add3A_520 : i32 to vector<16xi32>
        %add3A_522 = arith.addi %gather3A_518, %iota3A : vector<16xi32>
        %gather3A_523 = tpu.vector_load_idx %arg10[%broadcast_in_dim3A_314, %broadcast_in_dim3A_521, %add3A_522] : memref<4x128x128xf32, #tpu.memory_space<vmem>>[vector<16xi32>, vector<16xi32>, vector<16xi32>], vector<16xf32>,
        %swap3A_524 = arith.index_cast %div3A_513 : i32 to index
        %swap3A_525 = arith.constant 0 : index
        %swap3A_526 = tpu.vector_load %arg11[%swap3A_524, %swap3A_525] {strides = array<i32>} : memref<32x16xf32, #tpu.memory_space<vmem>>, vector<16xf32>,
        tpu.vector_store %arg11[%swap3A_524, %swap3A_525], %gather3A_523 {add = true, strides = array<i32>} : memref<32x16xf32, #tpu.memory_space<vmem>>, vector<16xf32>,
        %mul3A_527 = arith.constant 128 : i32
        %mul3A_528 = arith.muli %scan3A_300, %mul3A_527 : i32
        %add3A_529 = arith.addi %mul3A_528, %mul3A_328 : i32
        %add3A_530 = arith.constant 10 : i32
        %add3A_531 = arith.addi %add3A_529, %add3A_530 : i32
        %div3A_532 = arith.constant 200 : i32
        %div3A_533 = arith.divsi %add3A_531, %div3A_532 : i32
        %broadcast_in_dim3A_534 = vector.broadcast %scan3A_300 : i32 to vector<16xi32>
        %add3A_535 = arith.constant 10 : i32
        %add3A_536 = arith.addi %mul3A_328, %add3A_535 : i32
        %broadcast_in_dim3A_537 = vector.broadcast %add3A_536 : i32 to vector<16xi32>
        %gather3A_538 = tpu.vector_load_idx %arg9[%broadcast_in_dim3A_534, %broadcast_in_dim3A_537] : memref<50x128xi32, #tpu.memory_space<vmem>>[vector<16xi32>, vector<16xi32>], vector<16xi32>,
        %add3A_539 = arith.constant 10 : i32
        %add3A_540 = arith.addi %mul3A_328, %add3A_539 : i32
        %broadcast_in_dim3A_541 = vector.broadcast %add3A_540 : i32 to vector<16xi32>
        %add3A_542 = arith.addi %gather3A_538, %iota3A : vector<16xi32>
        %gather3A_543 = tpu.vector_load_idx %arg10[%broadcast_in_dim3A_314, %broadcast_in_dim3A_541, %add3A_542] : memref<4x128x128xf32, #tpu.memory_space<vmem>>[vector<16xi32>, vector<16xi32>, vector<16xi32>], vector<16xf32>,
        %swap3A_544 = arith.index_cast %div3A_533 : i32 to index
        %swap3A_545 = arith.constant 0 : index
        %swap3A_546 = tpu.vector_load %arg11[%swap3A_544, %swap3A_545] {strides = array<i32>} : memref<32x16xf32, #tpu.memory_space<vmem>>, vector<16xf32>,
        tpu.vector_store %arg11[%swap3A_544, %swap3A_545], %gather3A_543 {add = true, strides = array<i32>} : memref<32x16xf32, #tpu.memory_space<vmem>>, vector<16xf32>,
        %mul3A_547 = arith.constant 128 : i32
        %mul3A_548 = arith.muli %scan3A_300, %mul3A_547 : i32
        %add3A_549 = arith.addi %mul3A_548, %mul3A_328 : i32
        %add3A_550 = arith.constant 11 : i32
        %add3A_551 = arith.addi %add3A_549, %add3A_550 : i32
        %div3A_552 = arith.constant 200 : i32
        %div3A_553 = arith.divsi %add3A_551, %div3A_552 : i32
        %broadcast_in_dim3A_554 = vector.broadcast %scan3A_300 : i32 to vector<16xi32>
        %add3A_555 = arith.constant 11 : i32
        %add3A_556 = arith.addi %mul3A_328, %add3A_555 : i32
        %broadcast_in_dim3A_557 = vector.broadcast %add3A_556 : i32 to vector<16xi32>
        %gather3A_558 = tpu.vector_load_idx %arg9[%broadcast_in_dim3A_554, %broadcast_in_dim3A_557] : memref<50x128xi32, #tpu.memory_space<vmem>>[vector<16xi32>, vector<16xi32>], vector<16xi32>,
        %add3A_559 = arith.constant 11 : i32
        %add3A_560 = arith.addi %mul3A_328, %add3A_559 : i32
        %broadcast_in_dim3A_561 = vector.broadcast %add3A_560 : i32 to vector<16xi32>
        %add3A_562 = arith.addi %gather3A_558, %iota3A : vector<16xi32>
        %gather3A_563 = tpu.vector_load_idx %arg10[%broadcast_in_dim3A_314, %broadcast_in_dim3A_561, %add3A_562] : memref<4x128x128xf32, #tpu.memory_space<vmem>>[vector<16xi32>, vector<16xi32>, vector<16xi32>], vector<16xf32>,
        %swap3A_564 = arith.index_cast %div3A_553 : i32 to index
        %swap3A_565 = arith.constant 0 : index
        %swap3A_566 = tpu.vector_load %arg11[%swap3A_564, %swap3A_565] {strides = array<i32>} : memref<32x16xf32, #tpu.memory_space<vmem>>, vector<16xf32>,
        tpu.vector_store %arg11[%swap3A_564, %swap3A_565], %gather3A_563 {add = true, strides = array<i32>} : memref<32x16xf32, #tpu.memory_space<vmem>>, vector<16xf32>,
        %mul3A_567 = arith.constant 128 : i32
        %mul3A_568 = arith.muli %scan3A_300, %mul3A_567 : i32
        %add3A_569 = arith.addi %mul3A_568, %mul3A_328 : i32
        %add3A_570 = arith.constant 12 : i32
        %add3A_571 = arith.addi %add3A_569, %add3A_570 : i32
        %div3A_572 = arith.constant 200 : i32
        %div3A_573 = arith.divsi %add3A_571, %div3A_572 : i32
        %broadcast_in_dim3A_574 = vector.broadcast %scan3A_300 : i32 to vector<16xi32>
        %add3A_575 = arith.constant 12 : i32
        %add3A_576 = arith.addi %mul3A_328, %add3A_575 : i32
        %broadcast_in_dim3A_577 = vector.broadcast %add3A_576 : i32 to vector<16xi32>
        %gather3A_578 = tpu.vector_load_idx %arg9[%broadcast_in_dim3A_574, %broadcast_in_dim3A_577] : memref<50x128xi32, #tpu.memory_space<vmem>>[vector<16xi32>, vector<16xi32>], vector<16xi32>,
        %add3A_579 = arith.constant 12 : i32
        %add3A_580 = arith.addi %mul3A_328, %add3A_579 : i32
        %broadcast_in_dim3A_581 = vector.broadcast %add3A_580 : i32 to vector<16xi32>
        %add3A_582 = arith.addi %gather3A_578, %iota3A : vector<16xi32>
        %gather3A_583 = tpu.vector_load_idx %arg10[%broadcast_in_dim3A_314, %broadcast_in_dim3A_581, %add3A_582] : memref<4x128x128xf32, #tpu.memory_space<vmem>>[vector<16xi32>, vector<16xi32>, vector<16xi32>], vector<16xf32>,
        %swap3A_584 = arith.index_cast %div3A_573 : i32 to index
        %swap3A_585 = arith.constant 0 : index
        %swap3A_586 = tpu.vector_load %arg11[%swap3A_584, %swap3A_585] {strides = array<i32>} : memref<32x16xf32, #tpu.memory_space<vmem>>, vector<16xf32>,
        tpu.vector_store %arg11[%swap3A_584, %swap3A_585], %gather3A_583 {add = true, strides = array<i32>} : memref<32x16xf32, #tpu.memory_space<vmem>>, vector<16xf32>,
        %mul3A_587 = arith.constant 128 : i32
        %mul3A_588 = arith.muli %scan3A_300, %mul3A_587 : i32
        %add3A_589 = arith.addi %mul3A_588, %mul3A_328 : i32
        %add3A_590 = arith.constant 13 : i32
        %add3A_591 = arith.addi %add3A_589, %add3A_590 : i32
        %div3A_592 = arith.constant 200 : i32
        %div3A_593 = arith.divsi %add3A_591, %div3A_592 : i32
        %broadcast_in_dim3A_594 = vector.broadcast %scan3A_300 : i32 to vector<16xi32>
        %add3A_595 = arith.constant 13 : i32
        %add3A_596 = arith.addi %mul3A_328, %add3A_595 : i32
        %broadcast_in_dim3A_597 = vector.broadcast %add3A_596 : i32 to vector<16xi32>
        %gather3A_598 = tpu.vector_load_idx %arg9[%broadcast_in_dim3A_594, %broadcast_in_dim3A_597] : memref<50x128xi32, #tpu.memory_space<vmem>>[vector<16xi32>, vector<16xi32>], vector<16xi32>,
        %add3A_599 = arith.constant 13 : i32
        %add3A_600 = arith.addi %mul3A_328, %add3A_599 : i32
        %broadcast_in_dim3A_601 = vector.broadcast %add3A_600 : i32 to vector<16xi32>
        %add3A_602 = arith.addi %gather3A_598, %iota3A : vector<16xi32>
        %gather3A_603 = tpu.vector_load_idx %arg10[%broadcast_in_dim3A_314, %broadcast_in_dim3A_601, %add3A_602] : memref<4x128x128xf32, #tpu.memory_space<vmem>>[vector<16xi32>, vector<16xi32>, vector<16xi32>], vector<16xf32>,
        %swap3A_604 = arith.index_cast %div3A_593 : i32 to index
        %swap3A_605 = arith.constant 0 : index
        %swap3A_606 = tpu.vector_load %arg11[%swap3A_604, %swap3A_605] {strides = array<i32>} : memref<32x16xf32, #tpu.memory_space<vmem>>, vector<16xf32>,
        tpu.vector_store %arg11[%swap3A_604, %swap3A_605], %gather3A_603 {add = true, strides = array<i32>} : memref<32x16xf32, #tpu.memory_space<vmem>>, vector<16xf32>,
        %mul3A_607 = arith.constant 128 : i32
        %mul3A_608 = arith.muli %scan3A_300, %mul3A_607 : i32
        %add3A_609 = arith.addi %mul3A_608, %mul3A_328 : i32
        %add3A_610 = arith.constant 14 : i32
        %add3A_611 = arith.addi %add3A_609, %add3A_610 : i32
        %div3A_612 = arith.constant 200 : i32
        %div3A_613 = arith.divsi %add3A_611, %div3A_612 : i32
        %broadcast_in_dim3A_614 = vector.broadcast %scan3A_300 : i32 to vector<16xi32>
        %add3A_615 = arith.constant 14 : i32
        %add3A_616 = arith.addi %mul3A_328, %add3A_615 : i32
        %broadcast_in_dim3A_617 = vector.broadcast %add3A_616 : i32 to vector<16xi32>
        %gather3A_618 = tpu.vector_load_idx %arg9[%broadcast_in_dim3A_614, %broadcast_in_dim3A_617] : memref<50x128xi32, #tpu.memory_space<vmem>>[vector<16xi32>, vector<16xi32>], vector<16xi32>,
        %add3A_619 = arith.constant 14 : i32
        %add3A_620 = arith.addi %mul3A_328, %add3A_619 : i32
        %broadcast_in_dim3A_621 = vector.broadcast %add3A_620 : i32 to vector<16xi32>
        %add3A_622 = arith.addi %gather3A_618, %iota3A : vector<16xi32>
        %gather3A_623 = tpu.vector_load_idx %arg10[%broadcast_in_dim3A_314, %broadcast_in_dim3A_621, %add3A_622] : memref<4x128x128xf32, #tpu.memory_space<vmem>>[vector<16xi32>, vector<16xi32>, vector<16xi32>], vector<16xf32>,
        %swap3A_624 = arith.index_cast %div3A_613 : i32 to index
        %swap3A_625 = arith.constant 0 : index
        %swap3A_626 = tpu.vector_load %arg11[%swap3A_624, %swap3A_625] {strides = array<i32>} : memref<32x16xf32, #tpu.memory_space<vmem>>, vector<16xf32>,
        tpu.vector_store %arg11[%swap3A_624, %swap3A_625], %gather3A_623 {add = true, strides = array<i32>} : memref<32x16xf32, #tpu.memory_space<vmem>>, vector<16xf32>,
        %mul3A_627 = arith.constant 128 : i32
        %mul3A_628 = arith.muli %scan3A_300, %mul3A_627 : i32
        %add3A_629 = arith.addi %mul3A_628, %mul3A_328 : i32
        %add3A_630 = arith.constant 15 : i32
        %add3A_631 = arith.addi %add3A_629, %add3A_630 : i32
        %div3A_632 = arith.constant 200 : i32
        %div3A_633 = arith.divsi %add3A_631, %div3A_632 : i32
        %broadcast_in_dim3A_634 = vector.broadcast %scan3A_300 : i32 to vector<16xi32>
        %add3A_635 = arith.constant 15 : i32
        %add3A_636 = arith.addi %mul3A_328, %add3A_635 : i32
        %broadcast_in_dim3A_637 = vector.broadcast %add3A_636 : i32 to vector<16xi32>
        %gather3A_638 = tpu.vector_load_idx %arg9[%broadcast_in_dim3A_634, %broadcast_in_dim3A_637] : memref<50x128xi32, #tpu.memory_space<vmem>>[vector<16xi32>, vector<16xi32>], vector<16xi32>,
        %add3A_639 = arith.constant 15 : i32
        %add3A_640 = arith.addi %mul3A_328, %add3A_639 : i32
        %broadcast_in_dim3A_641 = vector.broadcast %add3A_640 : i32 to vector<16xi32>
        %add3A_642 = arith.addi %gather3A_638, %iota3A : vector<16xi32>
        %gather3A_643 = tpu.vector_load_idx %arg10[%broadcast_in_dim3A_314, %broadcast_in_dim3A_641, %add3A_642] : memref<4x128x128xf32, #tpu.memory_space<vmem>>[vector<16xi32>, vector<16xi32>, vector<16xi32>], vector<16xf32>,
        %swap3A_644 = arith.index_cast %div3A_633 : i32 to index
        %swap3A_645 = arith.constant 0 : index
        %swap3A_646 = tpu.vector_load %arg11[%swap3A_644, %swap3A_645] {strides = array<i32>} : memref<32x16xf32, #tpu.memory_space<vmem>>, vector<16xf32>,
        tpu.vector_store %arg11[%swap3A_644, %swap3A_645], %gather3A_643 {add = true, strides = array<i32>} : memref<32x16xf32, #tpu.memory_space<vmem>>, vector<16xf32>,
      }
      %scan3A_320 = arith.constant 8 : i32
      %add3A_321 = arith.constant 4 : i32
      %add3A_322 = arith.addi %scan3A_300, %add3A_321 : i32
      %sub3A = arith.constant 1 : i32
      %sub3A_323 = arith.subi %add3A_322, %sub3A : i32
      %lt3A = arith.constant 50 : i32
      %lt3A_324 = arith.cmpi slt, %sub3A_323, %lt3A : i32
      %convert_element_type3A = arith.extui %lt3A_324 : i1 to i32
      %cond3A = arith.constant 0 : i32
      %cond3A_325 = arith.cmpi ne, %convert_element_type3A, %cond3A : i32
      scf.if %cond3A_325 {
        %add3A_326 = arith.constant 4 : i32
        %add3A_327 = arith.addi %scan3A_300, %add3A_326 : i32
        %sub3A_328 = arith.constant 1 : i32
        %sub3A_329 = arith.subi %add3A_327, %sub3A_328 : i32
        %add3A_330 = arith.constant 4 : i32
        %add3A_331 = arith.addi %scan3A_300, %add3A_330 : i32
        %sub3A_332 = arith.constant 1 : i32
        %sub3A_333 = arith.subi %add3A_331, %sub3A_332 : i32
        %rem3A_334 = arith.constant 4 : i32
        %rem3A_335 = arith.remsi %sub3A_333, %rem3A_334 : i32
        %dma_start3A_336 = arith.constant 0 : i32
        %dma_start3A_337 = arith.constant 0 : i32
        %dma_start3A_338 = tpu.memref_slice %arg10[%rem3A_335, %dma_start3A_336, %dma_start3A_337] : memref<4x128x128xf32, #tpu.memory_space<vmem>> -> memref<1x128x128xf32, #tpu.memory_space<vmem>>
        %dma_start3A_339 = tpu.memref_squeeze %dma_start3A_338 : memref<1x128x128xf32, #tpu.memory_space<vmem>> -> memref<128x128xf32, #tpu.memory_space<vmem>>
        %dma_start3A_340 = arith.constant 0 : i32
        %dma_start3A_341 = tpu.memref_slice %arg8[%sub3A_329, %dma_start3A_340] : memref<50x128xi32, #tpu.memory_space<vmem>> -> memref<1x128xi32, #tpu.memory_space<vmem>>
        %dma_start3A_342 = tpu.memref_squeeze %dma_start3A_341 : memref<1x128xi32, #tpu.memory_space<vmem>> -> memref<128xi32, #tpu.memory_space<vmem>>
        %dma_start3A_343 = arith.constant 0 : i32
        %dma_start3A_344 = arith.constant 0 : i32
        %dma_start3A_345 = tpu.memref_slice %arg4[%dma_start3A_343, %dma_start3A_344] : memref<125000x128xf32, #tpu.memory_space<hbm>> -> memref<125000x128xf32, #tpu.memory_space<hbm>>
        tpu.enqueue_indirect_dma source(%dma_start3A_345 : memref<125000x128xf32, #tpu.memory_space<hbm>>) target(%dma_start3A_339 : memref<128x128xf32, #tpu.memory_space<vmem>>) offsets(%dma_start3A_342 : memref<128xi32, #tpu.memory_space<vmem>>) semaphore(%arg15 : memref<!tpu.dma_semaphore, #tpu.memory_space<semaphore_mem>>)
      } else {
      }
    }
    %scan3A_299 = arith.constant 50 : i32
    "tpu.region"() ({
      %run_scoped3A = tpu.sem_alloc : memref<!tpu.dma_semaphore, #tpu.memory_space<semaphore_mem>>
      %dma_start3A_300 = arith.constant 0 : i32
      %dma_start3A_301 = tpu.memref_slice %arg5[%mul3A_2, %dma_start3A_300] : memref<1024x16xf32, #tpu.memory_space<hbm>> -> memref<32x16xf32, #tpu.memory_space<hbm>>
      %dma_start3A_302 = arith.constant 0 : i32
      %dma_start3A_303 = tpu.memref_slice %arg5[%mul3A_2, %dma_start3A_302] : memref<1024x16xf32, #tpu.memory_space<hbm>> -> memref<32x16xf32, #tpu.memory_space<hbm>>
      tpu.enqueue_dma source(%arg11 : memref<32x16xf32, #tpu.memory_space<vmem>>) target(%dma_start3A_303 : memref<32x16xf32, #tpu.memory_space<hbm>>) target_semaphore(%run_scoped3A : memref<!tpu.dma_semaphore, #tpu.memory_space<semaphore_mem>>)
      %dma_wait3A_304 = arith.constant 0 : i32
      %dma_wait3A_305 = tpu.memref_slice %arg5[%mul3A_2, %dma_wait3A_304] : memref<1024x16xf32, #tpu.memory_space<hbm>> -> memref<32x16xf32, #tpu.memory_space<hbm>>
      %dma_wait3A_306 = arith.constant 0 : i32
      %dma_wait3A_307 = tpu.memref_slice %arg5[%mul3A_2, %dma_wait3A_306] : memref<1024x16xf32, #tpu.memory_space<hbm>> -> memref<32x16xf32, #tpu.memory_space<hbm>>
      tpu.wait_dma2 semaphore(%run_scoped3A : memref<!tpu.dma_semaphore, #tpu.memory_space<semaphore_mem>>) src(%arg11 : memref<32x16xf32, #tpu.memory_space<vmem>>) dst(%dma_wait3A_307 : memref<32x16xf32, #tpu.memory_space<hbm>>)
      tpu.yield
    }) : () -> ()
    "tpu.region"() ({
      %run_scoped3A = tpu.sem_alloc : memref<!tpu.dma_semaphore, #tpu.memory_space<semaphore_mem>>
      %dma_start3A_300 = arith.constant 0 : i32
      %dma_start3A_301 = tpu.memref_slice %arg6[%mul3A_2, %dma_start3A_300] : memref<1024x16xf32, #tpu.memory_space<hbm>> -> memref<32x16xf32, #tpu.memory_space<hbm>>
      %dma_start3A_302 = arith.constant 0 : i32
      %dma_start3A_303 = tpu.memref_slice %arg6[%mul3A_2, %dma_start3A_302] : memref<1024x16xf32, #tpu.memory_space<hbm>> -> memref<32x16xf32, #tpu.memory_space<hbm>>
      tpu.enqueue_dma source(%arg14 : memref<32x16xf32, #tpu.memory_space<vmem>>) target(%dma_start3A_303 : memref<32x16xf32, #tpu.memory_space<hbm>>) target_semaphore(%run_scoped3A : memref<!tpu.dma_semaphore, #tpu.memory_space<semaphore_mem>>)
      %dma_wait3A_304 = arith.constant 0 : i32
      %dma_wait3A_305 = tpu.memref_slice %arg6[%mul3A_2, %dma_wait3A_304] : memref<1024x16xf32, #tpu.memory_space<hbm>> -> memref<32x16xf32, #tpu.memory_space<hbm>>
      %dma_wait3A_306 = arith.constant 0 : i32
      %dma_wait3A_307 = tpu.memref_slice %arg6[%mul3A_2, %dma_wait3A_306] : memref<1024x16xf32, #tpu.memory_space<hbm>> -> memref<32x16xf32, #tpu.memory_space<hbm>>
      tpu.wait_dma2 semaphore(%run_scoped3A : memref<!tpu.dma_semaphore, #tpu.memory_space<semaphore_mem>>) src(%arg14 : memref<32x16xf32, #tpu.memory_space<vmem>>) dst(%dma_wait3A_307 : memref<32x16xf32, #tpu.memory_space<hbm>>)
      tpu.yield
    }) : () -> ()
    return
  }
}

module attributes {stable_mosaic.version = 14 : i64} {
  func.func @_tc_body(%arg0: memref<1024x16xf32, #tpu.memory_space<vmem>>, %arg1: memref<1024x16xf32, #tpu.memory_space<vmem>>, %arg2: memref<1024x1024xf32, #tpu.memory_space<vmem>>) attributes {dimension_semantics = [], scalar_prefetch = 0 : i64, scratch_operands = 0 : i64, tpu.core_type = #tpu.core_type<tc>} {
    %get3A = arith.constant 0 : index
    %get3A_0 = arith.constant 0 : index
    %get3A_1 = vector.load %arg0[%get3A, %get3A_0] : memref<1024x16xf32, #tpu.memory_space<vmem>>, vector<1024x16xf32>
    %get3A_2 = arith.constant 0 : index
    %get3A_3 = arith.constant 0 : index
    %get3A_4 = vector.load %arg1[%get3A_2, %get3A_3] : memref<1024x16xf32, #tpu.memory_space<vmem>>, vector<1024x16xf32>
    %mul3A = arith.mulf %get3A_1, %get3A_1 : vector<1024x16xf32>
    %reduce_sum3A = arith.constant dense<0.000000e+00> : vector<1024xf32>
    %reduce_sum3A_5 = vector.multi_reduction <add>, %mul3A, %reduce_sum3A [1] : vector<1024x16xf32> to vector<1024xf32>
    %broadcast_in_dim3A = vector.shape_cast %reduce_sum3A_5 : vector<1024xf32> to vector<1024x1xf32>
    %max3A = arith.constant 1.000000e-24 : f32
    %max3A_6 = vector.broadcast %max3A : f32 to vector<1024x1xf32>
    %max3A_7 = arith.maximumf %broadcast_in_dim3A, %max3A_6 : vector<1024x1xf32>
    %rsqrt3A = math.rsqrt %max3A_7 : vector<1024x1xf32>
    %mul3A_8 = vector.broadcast %rsqrt3A : vector<1024x1xf32> to vector<1024x16xf32>
    %mul3A_9 = arith.mulf %get3A_1, %mul3A_8 : vector<1024x16xf32>
    %mul3A_10 = arith.mulf %get3A_4, %get3A_4 : vector<1024x16xf32>
    %reduce_sum3A_11 = arith.constant dense<0.000000e+00> : vector<1024xf32>
    %reduce_sum3A_12 = vector.multi_reduction <add>, %mul3A_10, %reduce_sum3A_11 [1] : vector<1024x16xf32> to vector<1024xf32>
    %broadcast_in_dim3A_13 = vector.shape_cast %reduce_sum3A_12 : vector<1024xf32> to vector<1024x1xf32>
    %max3A_14 = arith.constant 1.000000e-24 : f32
    %max3A_15 = vector.broadcast %max3A_14 : f32 to vector<1024x1xf32>
    %max3A_16 = arith.maximumf %broadcast_in_dim3A_13, %max3A_15 : vector<1024x1xf32>
    %rsqrt3A_17 = math.rsqrt %max3A_16 : vector<1024x1xf32>
    %mul3A_18 = vector.broadcast %rsqrt3A_17 : vector<1024x1xf32> to vector<1024x16xf32>
    %mul3A_19 = arith.mulf %get3A_4, %mul3A_18 : vector<1024x16xf32>
    %dot_general3A = arith.constant dense<0.000000e+00> : vector<1024x1024xf32>
    %dot_general3A_20 = tpu.matmul %mul3A_9, %mul3A_19, %dot_general3A {dimension_numbers = #tpu.dot_dimension_numbers<[1], [1], [0], [0], [0, 0, 1, 0], [], []>, transpose_lhs_hint = false} : vector<1024x16xf32>, vector<1024x16xf32>, vector<1024x1024xf32> -> vector<1024x1024xf32>
    %swap3A = arith.constant 0 : index
    %swap3A_21 = arith.constant 0 : index
    %swap3A_22 = vector.load %arg2[%swap3A, %swap3A_21] : memref<1024x1024xf32, #tpu.memory_space<vmem>>, vector<1024x1024xf32>
    tpu.vector_store %arg2[%swap3A, %swap3A_21], %dot_general3A_20 {strides = array<i32>} : memref<1024x1024xf32, #tpu.memory_space<vmem>>, vector<1024x1024xf32>,
    return
  }
}

</mosaic_0001>

<sc_bundles>
// kernel: kernel.5.cloned.1.call-start
scs
__scs_entry_jumppad:
0x0: {  	(pc) =	sbr.rel $0x88, $3  }
0x1: {  	(tag) =	ssettag $0x0;
	lr =	simm.s32 $0x1  }
0x2: {  	[smem:$0x3F9E] =	sst lr;
	_ =	strace $0xD0000000  }
0x3: {  	_ = 	snop  }
0x4: {  	_ = 	snop  }
0x5: {  	_ = 	snop  }
0x6: {  	_ = 	snop  }
0x7: {  	_ = 	snop  }
__scs_overlays_trampoline_lowered:
0x8: {  	[smem:$0x3FAD] =	sst s0  }
0x9: {  	[smem:$0x3FAE] =	sst s1  }
0xa: {  	[smem:$0x3FAF] =	sst s2  }
0xb: {  	[smem:$0x3FB0] =	sst s3  }
0xc: {  	[smem:$0x3FB1] =	sst s4  }
0xd: {  	[smem:$0x3FB2] =	sst s5  }
0xe: {  	[smem:$0x3FB3] =	sst s6  }
0xf: {  	[smem:$0x3FB4] =	sst s7  }
0x10: {  	[smem:$0x3FB5] =	sst s8  }
0x11: {  	[smem:$0x3FB6] =	sst s9;
	s0 =	simm.s32 @!p0 $0x0  }
0x12: {  	s1 =	sld [smem:$0x3F9C];
	s0 =	simm.s32 @p0 $0x1  }
0x13: {  	[smem:$0x3FB7] =	sst s0;
	s0 =	simm.s32 @!p1 $0x0  }
0x14: {  	s2 =	sld [smem:$0x3F9B];
	s0 =	simm.s32 @p1 $0x1  }
0x15: {  	[smem:$0x3FB8] =	sst s0;
	s0 =	simm.s32 @!p2 $0x0  }
0x16: {  	s3 =	sld [smem:$0x3FDB];
	s0 =	simm.s32 @p2 $0x1  }
0x17: {  	s4 =	simm.s32 $0x1BF5;
	[smem:$0x3FBA] =	sst s0  }
0x18: {  	s0 =	sld [smem:$0x3F9D];
	_ =	swait.ge [sflag:s4], $0x0  }
0x19: {  	s7 =	sld [smem:$0x3F9E]  }
0x1a: {  	s8 =	sadd.s32 $0xFFFFE003, lr  }
0x1b: {  	s9 =	sadd.s32 $0xFFFFFEF7, lr;
	s5 =	simm.s32 $0xFFFFFFFF;
	p2 =	slt.u32 s8, $0xFFFFF086  }
0x1c: {  	p1 =	slt.u32 s9, $0xF7A;
	s5 =	simm.s32 @!p2 $0x0  }
0x1d: {  	s5 =	simm.s32 @p1 $0x1;
	p0 =	seq.s32 s7, s2  }
0x1e: {  	s7 =	smul.u32 @!p0 $0xF7A, s2;
	p2 =	seq.s32 @!p0 s5, $0x0  }
0x1f: {  	s9 =	smul.u32 $0xF7A, s1;
	s8 =	simm.s32 @!p0 $0x1BF5;
	p2 =	por !p2, p0  }
0x20: {  	[sflag:s8] =	ssyncset.s32 @!p0 $0xFFFFF086;
	s6 =	sadd.s32 @!p0 s3, s7;
	s7 =	simm.s32 @!p0 $0x108  }
0x21: {  	s3 =	sadd.s32 s3, s9;
	s6 =	sadd.s32 @!p0 $0x88, s6;
	s7 =	simm.s32 @p2 $0x1082  }
0x22: {  	[simem:s7], [sflag:s8] =	dma.local @!p0 [hbm:s6], $0xF7A  }
0x23: {  	s9 =	sor.u32 $0xD0000000, s2;
	s6 =	simm.s32 $0x108;
	_ =	swait.ge @!p0 [sflag:s8], $0x0  }
0x24: {  	s3 =	sadd.s32 $0x88, s3;
	s6 =	simm.s32 @!p1 $0x1082;
	[sflag:s4] =	ssyncset.s32 $0xFFFFF086  }
0x25: {  	[simem:s6], [sflag:s4] =	dma.local [hbm:s3], $0xF7A  }
0x26: {  	[smem:$0x3F9E] =	sst s1;
	(tag) =	ssettag s2;
	_ =	strace s9  }
0x27: {  	s1 =	sld [smem:$0x3FAE]  }
0x28: {  	s2 =	sld [smem:$0x3FAF]  }
0x29: {  	s4 =	sld [smem:$0x3FB1]  }
0x2a: {  	p0 =	seq.s32 s5, $0x0;
	s5 =	sld [smem:$0x3FB2]  }
0x2b: {  	s6 =	sld [smem:$0x3FB3]  }
0x2c: {  	s7 =	sld [smem:$0x3FB4]  }
0x2d: {  	s3 =	simm.s32 $0x108;
	s8 =	sld [smem:$0x3FB5]  }
0x2e: {  	s3 =	simm.s32 @!p0 $0x1082;
	s9 =	sld [smem:$0x3FB6]  }
0x2f: {  	lr =	sadd.s32 s0, s3;
	s0 =	sld [smem:$0x3FAD]  }
0x30: {  	s3 =	sld [smem:$0x3FB0]  }
0x31: {  	[smem:$0x3FB9] =	sst s10  }
0x32: {  	s10 =	sld [smem:$0x3FB7];
	_ =	sdelay $0x3  }
0x33: {  	p0 =	seq.s32 s10, $0x1;
	s10 =	sld [smem:$0x3FB9];
	_ =	sdelay $0x3  }
0x34: {  	[smem:$0x3FB9] =	sst s10  }
0x35: {  	s10 =	sld [smem:$0x3FB8];
	_ =	sdelay $0x3  }
0x36: {  	p1 =	seq.s32 s10, $0x1;
	s10 =	sld [smem:$0x3FB9];
	_ =	sdelay $0x3  }
0x37: {  	[smem:$0x3FB9] =	sst s10  }
0x38: {  	s10 =	sld [smem:$0x3FBA]  }
0x39: {  	_ = 	snop;
	(pc) =	sbr.ind lr, $3  }
0x3a: {  	_ = 	snop  }
0x3b: {  	_ = 	snop  }
0x3c: {  	p2 =	seq.s32 s10, $0x1;
	s10 =	sld [smem:$0x3FB9]  }
0x3d: {  	_ =	shalt  }
0x3e: {  	_ =	shalt  }
0x3f: {  	_ =	shalt  }
0x40: {  	_ =	shalt  }
0x41: {  	_ =	shalt  }
0x42: {  	_ =	shalt  }
0x43: {  	_ =	shalt  }
0x44: {  	_ =	shalt  }
0x45: {  	_ =	shalt  }
0x46: {  	_ =	shalt  }
0x47: {  	_ =	shalt  }
0x48: {  	_ =	shalt  }
0x49: {  	_ =	shalt  }
0x4a: {  	_ =	shalt  }
0x4b: {  	_ =	shalt  }
0x4c: {  	_ =	shalt  }
0x4d: {  	_ =	shalt  }
0x4e: {  	_ =	shalt  }
0x4f: {  	_ =	shalt  }
0x50: {  	_ =	shalt  }
0x51: {  	_ =	shalt  }
0x52: {  	_ =	shalt  }
0x53: {  	_ =	shalt  }
0x54: {  	_ =	shalt  }
0x55: {  	_ =	shalt  }
0x56: {  	_ =	shalt  }
0x57: {  	_ =	shalt  }
0x58: {  	_ =	shalt  }
0x59: {  	_ =	shalt  }
0x5a: {  	_ =	shalt  }
0x5b: {  	_ =	shalt  }
0x5c: {  	_ =	shalt  }
0x5d: {  	_ =	shalt  }
0x5e: {  	_ =	shalt  }
0x5f: {  	_ =	shalt  }
0x60: {  	_ =	shalt  }
0x61: {  	_ =	shalt  }
0x62: {  	_ =	shalt  }
0x63: {  	_ =	shalt  }
0x64: {  	_ =	shalt  }
0x65: {  	_ =	shalt  }
0x66: {  	_ =	shalt  }
0x67: {  	_ =	shalt  }
0x68: {  	_ =	shalt  }
0x69: {  	_ =	shalt  }
0x6a: {  	_ =	shalt  }
0x6b: {  	_ =	shalt  }
0x6c: {  	_ =	shalt  }
0x6d: {  	_ =	shalt  }
0x6e: {  	_ =	shalt  }
0x6f: {  	_ =	shalt  }
0x70: {  	_ =	shalt  }
0x71: {  	_ =	shalt  }
0x72: {  	_ =	shalt  }
0x73: {  	_ =	shalt  }
0x74: {  	_ =	shalt  }
0x75: {  	_ =	shalt  }
0x76: {  	_ =	shalt  }
0x77: {  	_ =	shalt  }
0x78: {  	_ =	shalt  }
0x79: {  	_ =	shalt  }
0x7a: {  	_ =	shalt  }
0x7b: {  	_ =	shalt  }
0x7c: {  	_ =	shalt  }
0x7d: {  	_ =	shalt  }
0x7e: {  	_ =	shalt  }
0x7f: {  	_ =	shalt  }
0x80: {  	_ =	shalt  }
0x81: {  	_ =	shalt  }
0x82: {  	_ =	shalt  }
0x83: {  	_ =	shalt  }
0x84: {  	_ =	shalt  }
0x85: {  	_ =	shalt  }
0x86: {  	_ =	shalt  }
0x87: {  	_ =	shalt  }
.Lfunc_end0:
.L_simem_size_0:
called_computation_lowered:
.L_overlay_start_0:
0x88: {  	s2 =	sld [smem:$0x3FD9]  }
0x89: {  	s3 =	sld [smem:$0x3FFE];
	_ =	sdelay $0x1  }
0x8a: {  	s1 =	srdreg.scid  }
0x8b: {  	s0 =	sand.u32 $0x1, s1  }
0x8c: {  	s17 =	sshll.u32 s0, $0xA;
	s2 =	sadd.s32 s3, s2  }
0x8d: {  	s2 =	sadd.s32 s2, s17  }
0x8e: {  	[smem:$0x3FC5] =	sst s2  }
0x8f: {  	_ = 	snop  }
0x90: {  	s2 =	sld [smem:$0x3FC7];
	(tm) =	ssettm $0x1  }
0x91: {  	s18 =	sld [smem:$0x3FFB];
	_ =	sdelay $0x3  }
0x92: {  	_ =	strace s18  }
0x93: {  	s3 =	sld [smem:$0x3FFC];
	_ =	sdelay $0x3  }
0x94: {  	_ =	strace s3  }
0x95: {  	s3 =	sld [smem:$0x3FFD];
	_ =	sdelay $0x3  }
0x96: {  	_ =	strace s3  }
0x97: {  	_ =	strace $0x8FFFFFFF  }
0x98: {  	s19 =	sld [smem:$0x3FDB];
	_ =	sdelay $0x1  }
0x99: {  	s4 =	simm.s32 $_scs_section_size  }
0x9a: {  	s5 =	simm.s32 $_size__tile_overlayer_lowered;
	s6 =	simm.s32 $_tile_overlayer_lowered  }
0x9b: {  	s22 =	simm.s32 $0x1BFF;
	s21 =	sshll.u32 s6, $0x1;
	s3 =	sadd.s32 s4, s19  }
0x9c: {  	s7 =	simm.s32 $0x0;
	s20 =	sshll.u32 s5, $0x1;
	s5 =	sadd.s32 s21, s3  }
0x9d: {  	[timem:s7], [sflag:s22] =	dma.local [hbm:s5], s20  }
0x9e: {  	_ =	swait.ge [sflag:s22], s20  }
0x9f: {  	s4 =	ssub.s32 $0x0, s20;
	[sflag:s22] =	ssyncset.done $0x0  }
0xa0: {  	[sflag:s22] =	ssyncadd.s32 s4;
	_ =	sdelay $0x1  }
0xa1: {  	s23 =	simm.s32 $0x1B8B  }
0xa2: {  	_ =	swait.ge [sflag:s23], $0x1  }
0xa3: {  	[sflag:s23] =	ssyncset.done $0x0  }
0xa4: {  	s25 =	simm.s32 $0x1B8E;
	s24 =	sld [smem:$0x3FFE];
	[sflag:s23] =	ssyncadd.s32 $0xFFFFFFFF  }
0xa5: {  	s26 =	simm.s32 $execute0_lowered;
	[smem:$0x3FD2] =	sst s25  }
0xa6: {  	s5 =	sshll.u32 s26, $0x1;
	_ =	strace $0x80000046;
	[dreg:$0x1] =	wrdreg $0xFFFFFFFF  }
0xa7: {  	s28 =	simm.s32 $_size_execute0_lowered;
	s3 =	sadd.s32 s3, s5;
	[dreg:$0x0] =	wrdreg $0x0  }
0xa8: {  	s5 =	sshll.u32 s28, $0x1;
	[dreg:$0x2] =	wrdreg s3  }
0xa9: {  	[dreg:$0x3] =	wrdreg s5  }
0xaa: {  	[dreg:$0x4] =	wrdreg $0xC0  }
0xab: {  	_ =	task [dreg:s7], $0x5FFFF  }
0xac: {  	[dreg:$0x1] =	wrdreg $0xFFFFFFFF  }
0xad: {  	[dreg:$0x0] =	wrdreg $0x60  }
0xae: {  	[dreg:$0x2] =	wrdreg s2  }
0xaf: {  	[dreg:$0x3] =	wrdreg s24  }
0xb0: {  	[dreg:$0x4] =	wrdreg $0x9  }
0xb1: {  	_ =	task.clear_ibuf [dreg:s7], $0x5FFFF;
	_ =	strace $0x90000046  }
0xb2: {  	s29 =	simm.s32 $0x9;
	_ =	strace $0x80000048  }
0xb3: {  	_ =	swait.ge [sflag:s29], $0x1  }
0xb4: {  	[sflag:s29] =	ssyncadd.s32 $0xFFFFFFFF  }
0xb5: {  	_ =	strace $0x90000048  }
0xb6: {  	_ =	sfence  }
0xb7: {  	s30 =	sld [smem:$0x0];
	_ =	sdelay $0x2  }
0xb8: {  	s31 =	sshll.u32 s1, $0xD;
	s1 =	sshrl.u32 s1, $0x2  }
0xb9: {  	s3 =	sand.u32 $0x4000, s31;
	s1 =	sadd.s32 s1, s30  }
0xba: {  	s0 =	sor.u32 s3, s0;
	s1 =	sshll.u32 s1, $0x11  }
0xbb: {  	s0 =	sor.u32 s1, s0  }
0xbc: {  	s0 =	sadd.s32 $0x8F2B, s0  }
0xbd: {  	[sflag:s0] =	ssyncadd.remote.s32 $0x1  }
0xbe: {  	_ =	sfence.sel $0xFFFF  }
0xbf: {  	[dreg:$0x0] =	wrdreg $0xFFFFFFFF;
	(pc) =	sbr.abs _section_cstart, $3  }
0xc0: {  	[dreg:$0x1] =	wrdreg $0xFFFFFFFF  }
0xc1: {  	_ =	task.clear_ibuf [dreg:s7], $0x2FFFF;
	_ =	strace $0x9FFFFFFF  }
0xc2: {  	(tm) =	ssettm $0x7FFFFFFF  }
0xc3: {  	_ =	shalt  }
tec
execute0_lowered:
.L_overlay_start_1:
0x0: {  	(tag) =	ssettag $0x1  }
0x1: {  	v0 =	vimm.s32 $0xB80;
	vm0 =	vcmask $0x300;
	v1 =	vimm.s32 $0x1780  }
0x2: {  	s7 =	rddreg [dreg:$0x0];
	vm1 =	vcmask $0x704;
	v0 =	vsel vm0, $0x0, v0;
	v1 =	vsel vm0, $0x0, v1  }
0x3: {  	s4 =	rddreg [dreg:$0x1];
	s1 =	simm.s32 $0x0;
	s3 =	srdreg.scid;
	vm15 =	vcmask $0xB08;
	v0 =	vsel vm1, $0x80, v0;
	v1 =	vsel vm1, $0x80, v1  }
0x4: {  	s2 =	stileid.u32;
	vm4 =	vcmask $0xF0C;
	s13 =	simm.s32 $0xE000;
	s14 =	simm.s32 $0x3;
	v0 =	vsel vm15, $0x100, v0;
	v1 =	vsel vm15, $0x100, v1  }
0x5: {  	vm5 =	vcmask $0x1310;
	s15 =	simm.s32 $0xE800;
	s17 =	simm.s32 $0x1400;
	s18 =	simm.s32 $0x2800;
	v0 =	vsel vm4, $0x180, v0;
	v1 =	vsel vm4, $0x180, v1  }
0x6: {  	vm6 =	vcmask $0x1714;
	s20 =	simm.s32 $0x3C00;
	s21 =	simm.s32 $0x1;
	s22 =	simm.s32 $0x2;
	v0 =	vsel vm5, $0x200, v0;
	v1 =	vsel vm5, $0x200, v1  }
0x7: {  	vm7 =	vcmask $0x1B18;
	s23 =	simm.s32 $0x0;
	[smem:$0x7FF] =	sst s1;
	s5 =	sand.u32 $0x1, s3;
	v0 =	vsel vm6, $0x280, v0;
	v1 =	vsel vm6, $0x280, v1  }
0x8: {  	vm8 =	vcmask $0x1F1C;
	s8 =	sshll.u32 s2, $0x1;
	s3 =	sadd.s32 $0xE00, s4;
	s10 =	sadd.s32 $0x1000, s4;
	v0 =	vsel vm7, $0x300, v0;
	v1 =	vsel vm7, $0x300, v1  }
0x9: {  	vm9 =	vcmask $0x2320;
	s4 =	sadd.s32 $0x1E9400, s4;
	p1 =	sgt.u32 s2, $0x1;
	s6 =	ssub.s32 $0x2, s5;
	v0 =	vsel vm8, $0x380, v0;
	v1 =	vsel vm8, $0x380, v1  }
0xa: {  	vm10 =	vcmask $0x2724;
	_ =	strace $0x80000047;
	s11 =	sor.u32 s5, s8;
	s9 =	sshrl.u32 s6, $0x1;
	v0 =	vsel vm9, $0x800, v0;
	v1 =	vsel vm9, $0x1400, v1  }
0xb: {  	vm11 =	vcmask $0x2B28;
	s5 =	sshll.u32 s11, $0x7;
	s30 =	sshll.u32 s11, $0x8;
	s8 =	sshll.u32 s11, $0x9;
	v0 =	vsel vm10, $0x880, v0;
	v1 =	vsel vm10, $0x1480, v1  }
0xc: {  	vm12 =	vcmask $0x2F2C;
	s31 =	sshll.u32 s11, $0xA;
	p0 =	sne.s32 s11, $0x0;
	s11 =	simm.s32 $0xD800;
	v0 =	vsel vm11, $0x900, v0;
	v1 =	vsel vm11, $0x1500, v1  }
0xd: {  	vm13 =	vcmask $0x3330;
	s12 =	ssub.s32 s6, s9;
	s5 =	sadd.s32 s5, s7;
	s6 =	sadd.s32 s30, s10;
	v0 =	vsel vm12, $0x980, v0;
	v1 =	vsel vm12, $0x1580, v1  }
0xe: {  	vm14 =	vcmask $0x3734;
	s7 =	sadd.s32 s7, s8;
	s9 =	sadd.s32 s10, s31;
	s5 =	sadd.s32 $0xF4000, s5;
	v0 =	vsel vm13, $0xA00, v0;
	v1 =	vsel vm13, $0x1600, v1  }
0xf: {  	vm15 =	vcmask $0x3B38;
	s6 =	sadd.s32 $0x1E8000, s6;
	s8 =	sadd.s32 $0x4000, s7;
	s10 =	smax.u32 s12, $0x1;
	v0 =	vsel vm14, $0xA80, v0;
	v1 =	vsel vm14, $0x1680, v1  }
0x10: {  	s16 =	sadd.s32 $0xF4280, s7;
	s12 =	sadd.s32 $0xF4280, s5;
	s19 =	sadd.s32 $0xF4280, s8;
	v0 =	vsel vm15, $0xB00, v0;
	v1 =	vsel vm15, $0x1700, v1  }
.LBB2_1:
0x11: {  	s24 =	simm.s32 @!p0 $0x0;
	s25 =	simm.s32 @!p0 $0xF000;
	s26 =	simm.s32 @!p0 $0x4  }
0x12: {  	[tilespmem:s25], [sflag:$0x4] =	stream.linear.gather @!p0 [hbm4b:s3+s24], $0x400, $0x38;
	[tilespmem:$0xF400] =	vst v63  }
0x13: {  	_ =	swait.ge @!p0 [sflag:s26], $0x400  }
0x14: {  	[sflag:s26] =	ssyncset.done @!p0 $0x0  }
.Ltmp0:
0x15: {  	[sflag:s26] =	ssyncadd.s32 @!p0 $0xFFFFFC00;
	(pc) =	sbr.rel @p1 .LBB2_5-.Ltmp0, $4  }
0x16: {  	[hbm4b:s4+s24] =	stream.linear.scatter @!p0 [tilespmem:s25], [sflag:$0x4], $0x400, $0x38;
	[tilespmem:$0xF400] =	vst v63  }
0x17: {  	_ =	swait.ge @!p0 [sflag:s26], $0x400  }
0x18: {  	[sflag:s26] =	ssyncset.done @!p0 $0x0  }
0x19: {  	[sflag:s26] =	ssyncadd.s32 @!p0 $0xFFFFFC00  }
0x1a: {  	[tilespmem:s11], [sflag:$0x3] =	stream.linear.gather [hbm4b:s5+s1], $0x400, $0x38;
	[tilespmem:$0xF400] =	vst v63  }
0x1b: {  	s24 =	simm.s32 $0x0  }
0x1c: {  	v2 =	vor.u32 s24, v0  }
0x1d: {  	[tilespmem:s13], [sflag:$0x3] =	stream.linear.gather [hbm4b:s12+s1], $0x400, $0x38;
	[tilespmem:$0xF400] =	vst v63  }
0x1e: {  	_ =	swait.ge [sflag:s14], $0x800  }
0x1f: {  	[sflag:s14] =	ssyncset.done $0x0  }
0x20: {  	[sflag:s14] =	ssyncadd.s32 $0xFFFFF800  }
0x21: {  	s31 =	simm.s32 $0x1;
	v2 =	vld.idx.msk [tilespmem:v2+s11+$0x0], $0xffff  }
0x22: {  	v3 =	vor.u32 s31, v0;
	_ =	sdelay $0x2  }
0x23: {  	s24 =	simm.s32 $0xE840  }
0x24: {  	[tilespmem:s24+$0xFFFFFFC0] =	vst v2  }
0x25: {  	s25 =	simm.s32 $0x2;
	v2 =	vld.idx.msk [tilespmem:v3+s11+$0x0], $0xffff  }
0x26: {  	v3 =	vor.u32 s25, v0;
	_ =	sdelay $0x3  }
0x27: {  	[tilespmem:s24+$0xFFFFFFD0] =	vst v2  }
0x28: {  	s0 =	simm.s32 $0x3;
	v2 =	vld.idx.msk [tilespmem:v3+s11+$0x0], $0xffff  }
0x29: {  	v3 =	vor.u32 s0, v0;
	_ =	sdelay $0x3  }
0x2a: {  	[tilespmem:s24+$0xFFFFFFE0] =	vst v2  }
0x2b: {  	s26 =	simm.s32 $0x4;
	v2 =	vld.idx.msk [tilespmem:v3+s11+$0x0], $0xffff  }
0x2c: {  	v3 =	vor.u32 s26, v0;
	_ =	sdelay $0x3  }
0x2d: {  	[tilespmem:s24+$0xFFFFFFF0] =	vst v2  }
0x2e: {  	s29 =	simm.s32 $0x5;
	v2 =	vld.idx.msk [tilespmem:v3+s11+$0x0], $0xffff  }
0x2f: {  	v3 =	vor.u32 s29, v0;
	_ =	sdelay $0x3  }
0x30: {  	[tilespmem:s24+$0x0] =	vst v2  }
0x31: {  	s30 =	simm.s32 $0x6;
	v2 =	vld.idx.msk [tilespmem:v3+s11+$0x0], $0xffff  }
0x32: {  	v3 =	vor.u32 s30, v0;
	_ =	sdelay $0x3  }
0x33: {  	[tilespmem:s24+$0x10] =	vst v2  }
0x34: {  	s31 =	simm.s32 $0x7;
	v2 =	vld.idx.msk [tilespmem:v3+s11+$0x0], $0xffff  }
0x35: {  	v3 =	vor.u32 s31, v0;
	_ =	sdelay $0x3  }
0x36: {  	[tilespmem:s24+$0x20] =	vst v2  }
0x37: {  	s28 =	simm.s32 $0x8;
	s25 =	simm.s32 $0xF;
	s26 =	simm.s32 $0x17;
	v2 =	vld.idx.msk [tilespmem:v3+s11+$0x0], $0xffff  }
.LBB2_3:
0x38: {  	p2 =	sne.s32 s26, $0x7F;
	v3 =	vor.u32 s28, v0;
	_ =	sdelay $0x3  }
0x39: {  	[tilespmem:s24+$0x30] =	vst v2  }
0x3a: {  	v2 =	vld.idx.msk [tilespmem:v3+s11+$0x0], $0xffff  }
0x3b: {  	s28 =	sadd.s32 $0xFFFFFFFA, s25  }
0x3c: {  	v3 =	vor.u32 s28, v0;
	_ =	sdelay $0x2  }
0x3d: {  	s24 =	sadd.s32 $0x80, s24  }
0x3e: {  	[tilespmem:s24+$0xFFFFFFC0] =	vst v2  }
0x3f: {  	v2 =	vld.idx.msk [tilespmem:v3+s11+$0x0], $0xffff  }
0x40: {  	s28 =	sadd.s32 $0xFFFFFFFB, s25  }
0x41: {  	v3 =	vor.u32 s28, v0;
	_ =	sdelay $0x3  }
0x42: {  	[tilespmem:s24+$0xFFFFFFD0] =	vst v2  }
0x43: {  	v2 =	vld.idx.msk [tilespmem:v3+s11+$0x0], $0xffff  }
0x44: {  	s28 =	sadd.s32 $0xFFFFFFFC, s25  }
0x45: {  	v3 =	vor.u32 s28, v0;
	_ =	sdelay $0x3  }
0x46: {  	[tilespmem:s24+$0xFFFFFFE0] =	vst v2  }
0x47: {  	v2 =	vld.idx.msk [tilespmem:v3+s11+$0x0], $0xffff  }
0x48: {  	s28 =	sadd.s32 $0xFFFFFFFD, s25  }
0x49: {  	v3 =	vor.u32 s28, v0;
	_ =	sdelay $0x3  }
0x4a: {  	[tilespmem:s24+$0xFFFFFFF0] =	vst v2  }
0x4b: {  	v2 =	vld.idx.msk [tilespmem:v3+s11+$0x0], $0xffff  }
0x4c: {  	s28 =	sadd.s32 $0xFFFFFFFE, s25  }
0x4d: {  	v3 =	vor.u32 s28, v0;
	_ =	sdelay $0x3  }
0x4e: {  	[tilespmem:s24+$0x0] =	vst v2  }
0x4f: {  	v2 =	vld.idx.msk [tilespmem:v3+s11+$0x0], $0xffff  }
0x50: {  	s28 =	sadd.s32 $0xFFFFFFFF, s25  }
0x51: {  	v3 =	vor.u32 s28, v0;
	_ =	sdelay $0x3  }
0x52: {  	[tilespmem:s24+$0x10] =	vst v2  }
0x53: {  	v2 =	vld.idx.msk [tilespmem:v3+s11+$0x0], $0xffff;
	_ =	sdelay $0x1  }
0x54: {  	v3 =	vor.u32 s25, v0;
	s25 =	smov.u32 s26;
	_ =	sdelay $0x1  }
.Ltmp1:
0x55: {  	(pc) =	sbr.rel @p2 .LBB2_3-.Ltmp1, $4  }
0x56: {  	_ = 	snop  }
0x57: {  	[tilespmem:s24+$0x20] =	vst v2  }
0x58: {  	v2 =	vld.idx.msk [tilespmem:v3+s11+$0x0], $0xffff  }
0x59: {  	s26 =	sadd.s32 $0x8, s26;
	s28 =	sadd.s32 $0xFFFFFFF9, s25  }
0x5a: {  	v3 =	vor.u32 s28, v0;
	_ =	sdelay $0x3  }
0x5b: {  	[tilespmem:s24+$0x30] =	vst v2  }
0x5c: {  	s26 =	sadd.s32 $0xFFFFFFFA, s25;
	v2 =	vld.idx.msk [tilespmem:v3+s11+$0x0], $0xffff  }
0x5d: {  	v3 =	vor.u32 s26, v0;
	_ =	sdelay $0x2  }
0x5e: {  	s24 =	sadd.s32 $0x80, s24  }
0x5f: {  	[tilespmem:s24+$0xFFFFFFC0] =	vst v2  }
0x60: {  	s0 =	sadd.s32 $0xFFFFFFFB, s25;
	v2 =	vld.idx.msk [tilespmem:v3+s11+$0x0], $0xffff  }
0x61: {  	v3 =	vor.u32 s0, v0;
	_ =	sdelay $0x3  }
0x62: {  	[tilespmem:s24+$0xFFFFFFD0] =	vst v2  }
0x63: {  	s28 =	sadd.s32 $0xFFFFFFFC, s25;
	v2 =	vld.idx.msk [tilespmem:v3+s11+$0x0], $0xffff  }
0x64: {  	v3 =	vor.u32 s28, v0;
	_ =	sdelay $0x3  }
0x65: {  	[tilespmem:s24+$0xFFFFFFE0] =	vst v2  }
0x66: {  	s29 =	sadd.s32 $0xFFFFFFFD, s25;
	v2 =	vld.idx.msk [tilespmem:v3+s11+$0x0], $0xffff  }
0x67: {  	v3 =	vor.u32 s29, v0;
	_ =	sdelay $0x3  }
0x68: {  	[tilespmem:s24+$0xFFFFFFF0] =	vst v2  }
0x69: {  	s30 =	sadd.s32 $0xFFFFFFFE, s25;
	v2 =	vld.idx.msk [tilespmem:v3+s11+$0x0], $0xffff  }
0x6a: {  	v3 =	vor.u32 s30, v0;
	_ =	sdelay $0x3  }
0x6b: {  	[tilespmem:s24+$0x0] =	vst v2  }
0x6c: {  	s31 =	sadd.s32 $0xFFFFFFFF, s25;
	v2 =	vld.idx.msk [tilespmem:v3+s11+$0x0], $0xffff  }
0x6d: {  	v3 =	vor.u32 s31, v0;
	_ =	sdelay $0x3  }
0x6e: {  	[tilespmem:s24+$0x10] =	vst v2  }
0x6f: {  	v2 =	vld.idx.msk [tilespmem:v3+s11+$0x0], $0xffff  }
0x70: {  	v3 =	vor.u32 s25, v0;
	_ =	sdelay $0x3  }
0x71: {  	[tilespmem:s24+$0x20] =	vst v2  }
0x72: {  	v2 =	vld.idx.msk [tilespmem:v3+s11+$0x0], $0xffff;
	_ =	sdelay $0x4  }
0x73: {  	[tilespmem:s24+$0x30] =	vst v2  }
0x74: {  	[hbm4b:s6+s1] =	stream.linear.scatter [tilespmem:s15], [sflag:$0x3], $0x800, $0x38;
	[tilespmem:$0xF400] =	vst v63  }
0x75: {  	_ =	swait.ge [sflag:s14], $0x800  }
0x76: {  	[sflag:s14] =	ssyncset.done $0x0  }
0x77: {  	[sflag:s14] =	ssyncadd.s32 $0xFFFFF800  }
.LBB2_5:
0x78: {  	s24 =	simm.s32 $0x0  }
0x79: {  	[tilespmem:s24], [sflag:$0x1] =	stream.linear.gather [hbm4b:s7+s24], $0x1000, $0x38;
	[tilespmem:$0xF400] =	vst v63  }
0x7a: {  	_ = 	snop  }
0x7b: {  	[tilespmem:s17], [sflag:$0x1] =	stream.linear.gather [hbm4b:s16+s24], $0x1000, $0x38;
	[tilespmem:$0xF400] =	vst v63  }
0x7c: {  	_ = 	snop  }
0x7d: {  	[tilespmem:s18], [sflag:$0x1] =	stream.linear.gather [hbm4b:s8+s24], $0x1000, $0x38;
	[tilespmem:$0xF400] =	vst v63  }
0x7e: {  	s25 =	simm.s32 $0x7870  }
0x7f: {  	[tilespmem:s20], [sflag:$0x1] =	stream.linear.gather [hbm4b:s19+s24], $0x1000, $0x38;
	[tilespmem:$0xF400] =	vst v63  }
.LBB2_6:
0x80: {  	s26 =	smul.u32 $0xAB, s24;
	_ =	sdelay $0x1  }
0x81: {  	s26 =	sshrl.u32 s26, $0x9  }
0x82: {  	s26 =	sand.u32 $0x7F, s26  }
0x83: {  	s26 =	smul.u32 $0x3, s26;
	_ =	sdelay $0x1  }
0x84: {  	s26 =	ssub.s32 s24, s26  }
0x85: {  	s26 =	sand.u32 $0xFF, s26  }
0x86: {  	v2 =	vmov s26  }
0x87: {  	v2 =	vmul.u32 $0x2800, v2  }
0x88: {  	s28 =	simm.s32 $0x0  }
0x89: {  	v3 =	vmov s28;
	v2 =	vbroadcast v2, $0x0  }
0x8a: {  	v4 =	vshll.u32 v3, $0x3  }
0x8b: {  	v4 =	vand.u32 $0xC00, v4;
	v2 =	vadd.s32 v1, v2  }
0x8c: {  	_ =	swait.ge [sflag:s21], $0x2000;
	s28 =	smulhi.u32 $0xAAAAAAAB, s24;
	v3 =	vand.u32 $0x78, v3;
	v4 =	vadd.s32 v2, v4  }
0x8d: {  	p2 =	slt.u32 s24, $0x3;
	s30 =	simm.s32 $0x1;
	[sflag:s21] =	ssyncset.done $0x0;
	v4 =	vor.u32 v3, v4  }
0x8e: {  	s29 =	simm.s32 @!p2 $0x2;
	[sflag:s21] =	ssyncadd.s32 $0xFFFFE000;
	s28 =	sshrl.u32 s28, $0x1  }
0x8f: {  	v5 =	vmov s30;
	_ =	swait.ge @!p2 [sflag:s29], $0x2000;
	s28 =	smul.u32 $0xFFFE8000, s28  }
0x90: {  	[sflag:s29] =	ssyncset.done @!p2 $0x0;
	v3 =	vshll.u32 v5, $0x3  }
0x91: {  	[sflag:s29] =	ssyncadd.s32 @!p2 $0xFFFFE000;
	s28 =	sshra.s32 s28, $0x2;
	v6 =	vand.u32 $0xC00, v3  }
0x92: {  	v5 =	vand.u32 $0x79, v5;
	v3 =	vmov s28;
	v6 =	vadd.s32 v2, v6;
	v4 =	vld.idx.msk [tilespmem:v4+s1+$0x0], $0xffff  }
0x93: {  	v5 =	vor.u32 v5, v6  }
0x94: {  	s28 =	simm.s32 $0x2  }
0x95: {  	v6 =	vmov s28  }
0x96: {  	v7 =	vshll.u32 v6, $0x3  }
0x97: {  	[tilespmem:v3+s25+$0xFFFFFF90 ss:$0x1] =	vst.idx.msk $0xffff, v4;
	v4 =	vand.u32 $0xC00, v7  }
0x98: {  	v6 =	vand.u32 $0x7A, v6;
	v5 =	vld.idx.msk [tilespmem:v5+s1+$0x0], $0xffff;
	v4 =	vadd.s32 v2, v4  }
0x99: {  	v4 =	vor.u32 v6, v4  }
0x9a: {  	s28 =	simm.s32 $0x3  }
0x9b: {  	v6 =	vmov s28  }
0x9c: {  	v7 =	vshll.u32 v6, $0x3  }
0x9d: {  	[tilespmem:v3+s25+$0xFFFFFFA0 ss:$0x1] =	vst.idx.msk $0xffff, v5;
	v5 =	vand.u32 $0xC00, v7  }
0x9e: {  	v6 =	vand.u32 $0x7B, v6;
	v4 =	vld.idx.msk [tilespmem:v4+s1+$0x0], $0xffff;
	v5 =	vadd.s32 v2, v5  }
0x9f: {  	v5 =	vor.u32 v6, v5  }
0xa0: {  	s28 =	simm.s32 $0x4  }
0xa1: {  	v6 =	vmov s28  }
0xa2: {  	v7 =	vshll.u32 v6, $0x3  }
0xa3: {  	[tilespmem:v3+s25+$0xFFFFFFB0 ss:$0x1] =	vst.idx.msk $0xffff, v4;
	v4 =	vand.u32 $0xC00, v7  }
0xa4: {  	v6 =	vand.u32 $0x7C, v6;
	v5 =	vld.idx.msk [tilespmem:v5+s1+$0x0], $0xffff;
	v4 =	vadd.s32 v2, v4  }
0xa5: {  	v4 =	vor.u32 v6, v4  }
0xa6: {  	s28 =	simm.s32 $0x5  }
0xa7: {  	v6 =	vmov s28  }
0xa8: {  	v7 =	vshll.u32 v6, $0x3  }
0xa9: {  	[tilespmem:v3+s25+$0xFFFFFFC0 ss:$0x1] =	vst.idx.msk $0xffff, v5;
	v5 =	vand.u32 $0xC00, v7  }
0xaa: {  	v6 =	vand.u32 $0x7D, v6;
	v4 =	vld.idx.msk [tilespmem:v4+s1+$0x0], $0xffff;
	v5 =	vadd.s32 v2, v5  }
0xab: {  	v5 =	vor.u32 v6, v5  }
0xac: {  	s28 =	simm.s32 $0x6  }
0xad: {  	v6 =	vmov s28  }
0xae: {  	v7 =	vshll.u32 v6, $0x3  }
0xaf: {  	[tilespmem:v3+s25+$0xFFFFFFD0 ss:$0x1] =	vst.idx.msk $0xffff, v4;
	v4 =	vand.u32 $0xC00, v7  }
0xb0: {  	v6 =	vand.u32 $0x7E, v6;
	v5 =	vld.idx.msk [tilespmem:v5+s1+$0x0], $0xffff;
	v4 =	vadd.s32 v2, v4  }
0xb1: {  	v4 =	vor.u32 v6, v4  }
0xb2: {  	s28 =	simm.s32 $0x7  }
0xb3: {  	v6 =	vmov s28  }
0xb4: {  	v7 =	vshll.u32 v6, $0x3  }
0xb5: {  	[tilespmem:v3+s25+$0xFFFFFFE0 ss:$0x1] =	vst.idx.msk $0xffff, v5;
	v5 =	vand.u32 $0xC00, v7  }
0xb6: {  	v6 =	vand.u32 $0x7F, v6;
	v4 =	vld.idx.msk [tilespmem:v4+s1+$0x0], $0xffff;
	v5 =	vadd.s32 v2, v5  }
0xb7: {  	v5 =	vor.u32 v6, v5  }
0xb8: {  	s28 =	simm.s32 $0x8  }
0xb9: {  	v6 =	vmov s28  }
0xba: {  	v7 =	vshll.u32 v6, $0x3  }
0xbb: {  	v7 =	vand.u32 $0xC00, v7;
	[tilespmem:v3+s25+$0xFFFFFFF0 ss:$0x1] =	vst.idx.msk $0xffff, v4  }
0xbc: {  	v4 =	vand.u32 $0x78, v6;
	v6 =	vadd.s32 v2, v7;
	v5 =	vld.idx.msk [tilespmem:v5+s1+$0x0], $0xffff  }
0xbd: {  	v4 =	vor.u32 v4, v6  }
0xbe: {  	s30 =	simm.s32 $0x17;
	s29 =	simm.s32 $0x9;
	s26 =	sshll.u32 s26, $0xD  }
0xbf: {  	s26 =	sadd.s32 $0x7800, s26;
	s28 =	simm.s32 $0xF;
	v6 =	vmov s29;
	s29 =	smov.u32 s25  }
.LBB2_7:
0xc0: {  	p2 =	sne.s32 s30, $0x1FF  }
0xc1: {  	v7 =	vshll.u32 v6, $0x3;
	[tilespmem:v3+s29+$0x0 ss:$0x1] =	vst.idx.msk $0xffff, v5;
	s29 =	sadd.s32 $0x80, s29;
	s31 =	smov.u32 s30;
	s30 =	sadd.s32 $0x8, s30  }
0xc2: {  	v4 =	vld.idx.msk [tilespmem:v4+s1+$0x0], $0xffff;
	v5 =	vand.u32 $0xC00, v7  }
0xc3: {  	v6 =	vand.u32 $0x79, v6;
	v5 =	vadd.s32 v2, v5  }
0xc4: {  	v5 =	vor.u32 v6, v5;
	_ =	sdelay $0x1  }
0xc5: {  	s0 =	sadd.s32 $0xFFFFFFFB, s28  }
0xc6: {  	v6 =	vmov s0  }
0xc7: {  	[tilespmem:v3+s29+$0xFFFFFF90 ss:$0x1] =	vst.idx.msk $0xffff, v4;
	v4 =	vshll.u32 v6, $0x3  }
0xc8: {  	v5 =	vld.idx.msk [tilespmem:v5+s1+$0x0], $0xffff;
	v4 =	vand.u32 $0xC00, v4  }
0xc9: {  	v6 =	vand.u32 $0x7A, v6;
	v4 =	vadd.s32 v2, v4  }
0xca: {  	v4 =	vor.u32 v6, v4;
	_ =	sdelay $0x1  }
0xcb: {  	s0 =	sadd.s32 $0xFFFFFFFC, s28  }
0xcc: {  	v6 =	vmov s0  }
0xcd: {  	[tilespmem:v3+s29+$0xFFFFFFA0 ss:$0x1] =	vst.idx.msk $0xffff, v5;
	v5 =	vshll.u32 v6, $0x3  }
0xce: {  	v4 =	vld.idx.msk [tilespmem:v4+s1+$0x0], $0xffff;
	v5 =	vand.u32 $0xC00, v5  }
0xcf: {  	v6 =	vand.u32 $0x7B, v6;
	v5 =	vadd.s32 v2, v5  }
0xd0: {  	v5 =	vor.u32 v6, v5;
	_ =	sdelay $0x1  }
0xd1: {  	s0 =	sadd.s32 $0xFFFFFFFD, s28  }
0xd2: {  	v6 =	vmov s0  }
0xd3: {  	[tilespmem:v3+s29+$0xFFFFFFB0 ss:$0x1] =	vst.idx.msk $0xffff, v4;
	v4 =	vshll.u32 v6, $0x3  }
0xd4: {  	v5 =	vld.idx.msk [tilespmem:v5+s1+$0x0], $0xffff;
	v4 =	vand.u32 $0xC00, v4  }
0xd5: {  	v6 =	vand.u32 $0x7C, v6;
	v4 =	vadd.s32 v2, v4  }
0xd6: {  	v4 =	vor.u32 v6, v4;
	_ =	sdelay $0x1  }
0xd7: {  	s0 =	sadd.s32 $0xFFFFFFFE, s28  }
0xd8: {  	v6 =	vmov s0  }
0xd9: {  	[tilespmem:v3+s29+$0xFFFFFFC0 ss:$0x1] =	vst.idx.msk $0xffff, v5;
	v5 =	vshll.u32 v6, $0x3  }
0xda: {  	v4 =	vld.idx.msk [tilespmem:v4+s1+$0x0], $0xffff;
	v5 =	vand.u32 $0xC00, v5  }
0xdb: {  	v6 =	vand.u32 $0x7D, v6;
	v5 =	vadd.s32 v2, v5  }
0xdc: {  	v5 =	vor.u32 v6, v5;
	_ =	sdelay $0x1  }
0xdd: {  	s0 =	sadd.s32 $0xFFFFFFFF, s28  }
0xde: {  	v6 =	vmov s0  }
0xdf: {  	[tilespmem:v3+s29+$0xFFFFFFD0 ss:$0x1] =	vst.idx.msk $0xffff, v4;
	v4 =	vshll.u32 v6, $0x3  }
0xe0: {  	v5 =	vld.idx.msk [tilespmem:v5+s1+$0x0], $0xffff;
	v4 =	vand.u32 $0xC00, v4  }
0xe1: {  	v6 =	vand.u32 $0x7E, v6;
	v4 =	vadd.s32 v2, v4  }
0xe2: {  	v4 =	vor.u32 v6, v4;
	_ =	sdelay $0x2  }
0xe3: {  	v6 =	vmov s28;
	s28 =	smov.u32 s31  }
0xe4: {  	[tilespmem:v3+s29+$0xFFFFFFE0 ss:$0x1] =	vst.idx.msk $0xffff, v5;
	v5 =	vshll.u32 v6, $0x3  }
0xe5: {  	v4 =	vld.idx.msk [tilespmem:v4+s1+$0x0], $0xffff;
	v5 =	vand.u32 $0xC00, v5  }
0xe6: {  	v6 =	vand.u32 $0x7F, v6;
	v5 =	vadd.s32 v2, v5  }
0xe7: {  	v5 =	vor.u32 v6, v5;
	_ =	sdelay $0x1  }
0xe8: {  	s0 =	sadd.s32 $0xFFFFFFF9, s28  }
0xe9: {  	v6 =	vmov s0  }
0xea: {  	v7 =	vshll.u32 v6, $0x3;
	[tilespmem:v3+s29+$0xFFFFFFF0 ss:$0x1] =	vst.idx.msk $0xffff, v4  }
0xeb: {  	v4 =	vand.u32 $0xC00, v7;
	v5 =	vld.idx.msk [tilespmem:v5+s1+$0x0], $0xffff  }
.Ltmp2:
0xec: {  	v6 =	vand.u32 $0x78, v6;
	v4 =	vadd.s32 v2, v4;
	(pc) =	sbr.rel @p2 .LBB2_7-.Ltmp2, $3  }
0xed: {  	v4 =	vor.u32 v6, v4;
	_ =	sdelay $0x1  }
0xee: {  	s0 =	sadd.s32 $0xFFFFFFFA, s28  }
0xef: {  	v6 =	vmov s0  }
0xf0: {  	_ =	sdelay $0x2  }
0xf1: {  	v7 =	vshll.u32 v6, $0x3  }
0xf2: {  	[tilespmem:v3+s29+$0x0 ss:$0x1] =	vst.idx.msk $0xffff, v5;
	v44 =	vand.u32 $0xC00, v7  }
0xf3: {  	v45 =	vand.u32 $0x79, v6;
	v4 =	vld.idx.msk [tilespmem:v4+s1+$0x0], $0xffff;
	v5 =	vadd.s32 v2, v44  }
0xf4: {  	v5 =	vor.u32 v45, v5  }
0xf5: {  	s0 =	sadd.s32 $0xFFFFFFFB, s28  }
0xf6: {  	v46 =	vmov s0  }
0xf7: {  	s0 =	sadd.s32 $0x80, s29;
	v47 =	vshll.u32 v46, $0x3  }
0xf8: {  	v48 =	vand.u32 $0xC00, v47;
	[tilespmem:v3+s0+$0xFFFFFF90 ss:$0x1] =	vst.idx.msk $0xffff, v4  }
0xf9: {  	v6 =	vand.u32 $0x7A, v46;
	v4 =	vadd.s32 v2, v48;
	v5 =	vld.idx.msk [tilespmem:v5+s1+$0x0], $0xffff  }
0xfa: {  	v4 =	vor.u32 v6, v4  }
0xfb: {  	s31 =	sadd.s32 $0xFFFFFFFC, s28  }
0xfc: {  	v49 =	vmov s31  }
0xfd: {  	v50 =	vshll.u32 v49, $0x3  }
0xfe: {  	v51 =	vand.u32 $0xC00, v50;
	[tilespmem:v3+s0+$0xFFFFFFA0 ss:$0x1] =	vst.idx.msk $0xffff, v5  }
0xff: {  	v6 =	vand.u32 $0x7B, v49;
	v5 =	vadd.s32 v2, v51;
	v4 =	vld.idx.msk [tilespmem:v4+s1+$0x0], $0xffff  }
0x100: {  	v5 =	vor.u32 v6, v5  }
0x101: {  	s30 =	sadd.s32 $0xFFFFFFFD, s28  }
0x102: {  	v52 =	vmov s30  }
0x103: {  	v53 =	vshll.u32 v52, $0x3  }
0x104: {  	v54 =	vand.u32 $0xC00, v53;
	[tilespmem:v3+s0+$0xFFFFFFB0 ss:$0x1] =	vst.idx.msk $0xffff, v4  }
0x105: {  	v6 =	vand.u32 $0x7C, v52;
	v4 =	vadd.s32 v2, v54;
	v5 =	vld.idx.msk [tilespmem:v5+s1+$0x0], $0xffff  }
0x106: {  	v4 =	vor.u32 v6, v4  }
0x107: {  	s31 =	sadd.s32 $0xFFFFFFFE, s28  }
0x108: {  	v55 =	vmov s31  }
0x109: {  	v56 =	vshll.u32 v55, $0x3  }
0x10a: {  	v57 =	vand.u32 $0xC00, v56;
	[tilespmem:v3+s0+$0xFFFFFFC0 ss:$0x1] =	vst.idx.msk $0xffff, v5  }
0x10b: {  	v6 =	vand.u32 $0x7D, v55;
	v5 =	vadd.s32 v2, v57;
	v4 =	vld.idx.msk [tilespmem:v4+s1+$0x0], $0xffff  }
0x10c: {  	v5 =	vor.u32 v6, v5  }
0x10d: {  	s30 =	sadd.s32 $0xFFFFFFFF, s28  }
0x10e: {  	v58 =	vmov s30  }
0x10f: {  	v59 =	vshll.u32 v58, $0x3  }
0x110: {  	v60 =	vand.u32 $0xC00, v59;
	[tilespmem:v3+s0+$0xFFFFFFD0 ss:$0x1] =	vst.idx.msk $0xffff, v4  }
0x111: {  	v6 =	vand.u32 $0x7E, v58;
	v4 =	vadd.s32 v2, v60;
	v5 =	vld.idx.msk [tilespmem:v5+s1+$0x0], $0xffff  }
0x112: {  	v4 =	vor.u32 v6, v4;
	_ =	sdelay $0x1  }
0x113: {  	v61 =	vmov s28  }
0x114: {  	v62 =	vshll.u32 v61, $0x3  }
0x115: {  	v63 =	vand.u32 $0xC00, v62;
	[tilespmem:v3+s0+$0xFFFFFFE0 ss:$0x1] =	vst.idx.msk $0xffff, v5  }
0x116: {  	v2 =	vadd.s32 v2, v63;
	v6 =	vand.u32 $0x7F, v61;
	v4 =	vld.idx.msk [tilespmem:v4+s1+$0x0], $0xffff  }
0x117: {  	v2 =	vor.u32 v6, v2;
	_ =	sdelay $0x1  }
0x118: {  	p2 =	sgt.u32 s24, $0x3A  }
0x119: {  	s28 =	sadd.s32 @!p2 $0x2, s24  }
0x11a: {  	s29 =	smul.u32 @!p2 $0xAB, s28;
	[tilespmem:v3+s0+$0xFFFFFFF0 ss:$0x1] =	vst.idx.msk $0xffff, v4  }
0x11b: {  	v2 =	vld.idx.msk [tilespmem:v2+s1+$0x0], $0xffff  }
0x11c: {  	s29 =	sshrl.u32 @!p2 s29, $0x9  }
0x11d: {  	s29 =	sand.u32 @!p2 $0x7F, s29  }
0x11e: {  	s29 =	smul.u32 @!p2 $0x3, s29  }
0x11f: {  	s30 =	sshll.u32 s24, $0xF  }
0x120: {  	s31 =	sadd.s32 s30, s9;
	[tilespmem:v3+s0+$0x0 ss:$0x1] =	vst.idx.msk $0xffff, v2;
	s0 =	ssub.s32 @!p2 s28, s29  }
0x121: {  	[hbm4b:s31+s1] =	stream.linear.scatter [tilespmem:s26], [sflag:$0x2], $0x2000, $0x38;
	[tilespmem:$0xF400] =	vst v63  }
0x122: {  	s0 =	sand.u32 @!p2 $0xFF, s0  }
0x123: {  	s0 =	smul.u32 @!p2 $0xA000, s0  }
0x124: {  	s26 =	sshll.u32 @!p2 s28, $0xE  }
0x125: {  	s28 =	simm.s32 @!p2 $0x0;
	s26 =	sadd.s32 @!p2 s26, s7;
	s0 =	sshrl.u32 @!p2 s0, $0x2  }
0x126: {  	[tilespmem:s0], [sflag:$0x1] =	stream.linear.gather @!p2 [hbm4b:s26+s28], $0x1000, $0x38;
	[tilespmem:$0xF400] =	vst v63  }
0x127: {  	s24 =	sadd.s32 $0x1, s24;
	s26 =	sadd.s32 @!p2 $0xF4280, s26;
	s0 =	sadd.s32 @!p2 $0x1400, s0  }
0x128: {  	[tilespmem:s0], [sflag:$0x1] =	stream.linear.gather @!p2 [hbm4b:s26+s28], $0x1000, $0x38;
	[tilespmem:$0xF400] =	vst v63  }
0x129: {  	p2 =	sne.s32 s24, $0x3D  }
.Ltmp3:
0x12a: {  	_ = 	snop;
	(pc) =	sbr.rel @p2 .LBB2_6-.Ltmp3, $2  }
0x12b: {  	_ =	sdelay $0x2  }
0x12c: {  	s25 =	sadd.s32 $0x2000, s25  }
0x12d: {  	_ =	swait.ge [sflag:s22], $0x2000  }
0x12e: {  	[sflag:s22] =	ssyncset.done $0x0  }
0x12f: {  	s23 =	sadd.s32 $0x1, s23;
	[sflag:s22] =	ssyncadd.s32 $0xFFFFE000  }
0x130: {  	p2 =	sne.s32 s23, s10;
	_ =	swait.ge [sflag:s22], $0x2000  }
.Ltmp4:
0x131: {  	[sflag:s22] =	ssyncset.done $0x0;
	(pc) =	sbr.rel @p2 .LBB2_1-.Ltmp4, $4  }
0x132: {  	[sflag:s22] =	ssyncadd.s32 $0xFFFFE000  }
0x133: {  	_ =	swait.ge [sflag:s22], $0x2000  }
0x134: {  	[sflag:s22] =	ssyncset.done $0x0  }
0x135: {  	[sflag:s22] =	ssyncadd.s32 $0xFFFFE000  }
0x136: {  	_ =	sfence.sel $0x180000  }
0x137: {  	[bflag:$0x0] =	sbarrier.arrive $0xFFFF  }
0x138: {  	_ =	strace $0x90000047  }
0x139: {  	[bflag:$0x2] =	sbarrier.arrive $0xFFFF  }
0x13a: {  	p0 =	sne.s32 s2, $0x0;
	s0 =	rddreg [dreg:$0x2]  }
0x13b: {  	s0 =	sadd.s32 @!p0 $0x100000, s0  }
0x13c: {  	[sflag:s0] =	ssyncadd.tile.s32 @!p0 $0x1;
	_ =	shalt  }
.Lfunc_end2:
_tile_overlayer_lowered:
.L_overlay_start_2:
0x13d: {  	(tag) =	ssettag $0x2  }
0x13e: {  	s0 =	rddreg [dreg:$0x0];
	s2 =	stileid.u32  }
0x13f: {  	s1 =	rddreg [dreg:$0x1];
	p0 =	sne.s32 s2, $0x0  }
0x140: {  	s3 =	rddreg [dreg:$0x2];
	[bflag:$0x3] =	sbarrier.arrive $0xFFFF;
	s2 =	simm.s32 @!p0 $0x1C04  }
0x141: {  	[timem:s3], [sflag:s2] =	dma.local @!p0 [hbm:s0], s1  }
0x142: {  	s0 =	simm.s32 @!p0 $0x4  }
0x143: {  	_ =	swait.ge @!p0 [sflag:s0], s1  }
0x144: {  	s1 =	ssub.s32 @!p0 $0x0, s1;
	[sflag:s0] =	ssyncset.done @!p0 $0x0  }
0x145: {  	[sflag:s0] =	ssyncadd.s32 @!p0 s1  }
0x146: {  	[bflag:$0x3] =	sbarrier.arrive $0xFFFF  }
0x147: {  	_ =	shalt  }

// kernel: kernel.8.cloned.1.call-start
scs
__scs_entry_jumppad:
0x0: {  	(pc) =	sbr.rel $0x88, $3  }
0x1: {  	(tag) =	ssettag $0x0;
	lr =	simm.s32 $0x1  }
0x2: {  	[smem:$0x3F9E] =	sst lr;
	_ =	strace $0xD0000000  }
0x3: {  	_ = 	snop  }
0x4: {  	_ = 	snop  }
0x5: {  	_ = 	snop  }
0x6: {  	_ = 	snop  }
0x7: {  	_ = 	snop  }
__scs_overlays_trampoline_lowered:
0x8: {  	[smem:$0x3FAD] =	sst s0  }
0x9: {  	[smem:$0x3FAE] =	sst s1  }
0xa: {  	[smem:$0x3FAF] =	sst s2  }
0xb: {  	[smem:$0x3FB0] =	sst s3  }
0xc: {  	[smem:$0x3FB1] =	sst s4  }
0xd: {  	[smem:$0x3FB2] =	sst s5  }
0xe: {  	[smem:$0x3FB3] =	sst s6  }
0xf: {  	[smem:$0x3FB4] =	sst s7  }
0x10: {  	[smem:$0x3FB5] =	sst s8  }
0x11: {  	[smem:$0x3FB6] =	sst s9;
	s0 =	simm.s32 @!p0 $0x0  }
0x12: {  	s1 =	sld [smem:$0x3F9C];
	s0 =	simm.s32 @p0 $0x1  }
0x13: {  	[smem:$0x3FB7] =	sst s0;
	s0 =	simm.s32 @!p1 $0x0  }
0x14: {  	s2 =	sld [smem:$0x3F9B];
	s0 =	simm.s32 @p1 $0x1  }
0x15: {  	[smem:$0x3FB8] =	sst s0;
	s0 =	simm.s32 @!p2 $0x0  }
0x16: {  	s3 =	sld [smem:$0x3FDB];
	s0 =	simm.s32 @p2 $0x1  }
0x17: {  	s4 =	simm.s32 $0x1BF5;
	[smem:$0x3FBA] =	sst s0  }
0x18: {  	s0 =	sld [smem:$0x3F9D];
	_ =	swait.ge [sflag:s4], $0x0  }
0x19: {  	s7 =	sld [smem:$0x3F9E]  }
0x1a: {  	s8 =	sadd.s32 $0xFFFFE003, lr  }
0x1b: {  	s9 =	sadd.s32 $0xFFFFFEF7, lr;
	s5 =	simm.s32 $0xFFFFFFFF;
	p2 =	slt.u32 s8, $0xFFFFF086  }
0x1c: {  	p1 =	slt.u32 s9, $0xF7A;
	s5 =	simm.s32 @!p2 $0x0  }
0x1d: {  	s5 =	simm.s32 @p1 $0x1;
	p0 =	seq.s32 s7, s2  }
0x1e: {  	s7 =	smul.u32 @!p0 $0xF7A, s2;
	p2 =	seq.s32 @!p0 s5, $0x0  }
0x1f: {  	s9 =	smul.u32 $0xF7A, s1;
	s8 =	simm.s32 @!p0 $0x1BF5;
	p2 =	por !p2, p0  }
0x20: {  	[sflag:s8] =	ssyncset.s32 @!p0 $0xFFFFF086;
	s6 =	sadd.s32 @!p0 s3, s7;
	s7 =	simm.s32 @!p0 $0x108  }
0x21: {  	s3 =	sadd.s32 s3, s9;
	s6 =	sadd.s32 @!p0 $0x88, s6;
	s7 =	simm.s32 @p2 $0x1082  }
0x22: {  	[simem:s7], [sflag:s8] =	dma.local @!p0 [hbm:s6], $0xF7A  }
0x23: {  	s9 =	sor.u32 $0xD0000000, s2;
	s6 =	simm.s32 $0x108;
	_ =	swait.ge @!p0 [sflag:s8], $0x0  }
0x24: {  	s3 =	sadd.s32 $0x88, s3;
	s6 =	simm.s32 @!p1 $0x1082;
	[sflag:s4] =	ssyncset.s32 $0xFFFFF086  }
0x25: {  	[simem:s6], [sflag:s4] =	dma.local [hbm:s3], $0xF7A  }
0x26: {  	[smem:$0x3F9E] =	sst s1;
	(tag) =	ssettag s2;
	_ =	strace s9  }
0x27: {  	s1 =	sld [smem:$0x3FAE]  }
0x28: {  	s2 =	sld [smem:$0x3FAF]  }
0x29: {  	s4 =	sld [smem:$0x3FB1]  }
0x2a: {  	p0 =	seq.s32 s5, $0x0;
	s5 =	sld [smem:$0x3FB2]  }
0x2b: {  	s6 =	sld [smem:$0x3FB3]  }
0x2c: {  	s7 =	sld [smem:$0x3FB4]  }
0x2d: {  	s3 =	simm.s32 $0x108;
	s8 =	sld [smem:$0x3FB5]  }
0x2e: {  	s3 =	simm.s32 @!p0 $0x1082;
	s9 =	sld [smem:$0x3FB6]  }
0x2f: {  	lr =	sadd.s32 s0, s3;
	s0 =	sld [smem:$0x3FAD]  }
0x30: {  	s3 =	sld [smem:$0x3FB0]  }
0x31: {  	[smem:$0x3FB9] =	sst s10  }
0x32: {  	s10 =	sld [smem:$0x3FB7];
	_ =	sdelay $0x3  }
0x33: {  	p0 =	seq.s32 s10, $0x1;
	s10 =	sld [smem:$0x3FB9];
	_ =	sdelay $0x3  }
0x34: {  	[smem:$0x3FB9] =	sst s10  }
0x35: {  	s10 =	sld [smem:$0x3FB8];
	_ =	sdelay $0x3  }
0x36: {  	p1 =	seq.s32 s10, $0x1;
	s10 =	sld [smem:$0x3FB9];
	_ =	sdelay $0x3  }
0x37: {  	[smem:$0x3FB9] =	sst s10  }
0x38: {  	s10 =	sld [smem:$0x3FBA]  }
0x39: {  	_ = 	snop;
	(pc) =	sbr.ind lr, $3  }
0x3a: {  	_ = 	snop  }
0x3b: {  	_ = 	snop  }
0x3c: {  	p2 =	seq.s32 s10, $0x1;
	s10 =	sld [smem:$0x3FB9]  }
0x3d: {  	_ =	shalt  }
0x3e: {  	_ =	shalt  }
0x3f: {  	_ =	shalt  }
0x40: {  	_ =	shalt  }
0x41: {  	_ =	shalt  }
0x42: {  	_ =	shalt  }
0x43: {  	_ =	shalt  }
0x44: {  	_ =	shalt  }
0x45: {  	_ =	shalt  }
0x46: {  	_ =	shalt  }
0x47: {  	_ =	shalt  }
0x48: {  	_ =	shalt  }
0x49: {  	_ =	shalt  }
0x4a: {  	_ =	shalt  }
0x4b: {  	_ =	shalt  }
0x4c: {  	_ =	shalt  }
0x4d: {  	_ =	shalt  }
0x4e: {  	_ =	shalt  }
0x4f: {  	_ =	shalt  }
0x50: {  	_ =	shalt  }
0x51: {  	_ =	shalt  }
0x52: {  	_ =	shalt  }
0x53: {  	_ =	shalt  }
0x54: {  	_ =	shalt  }
0x55: {  	_ =	shalt  }
0x56: {  	_ =	shalt  }
0x57: {  	_ =	shalt  }
0x58: {  	_ =	shalt  }
0x59: {  	_ =	shalt  }
0x5a: {  	_ =	shalt  }
0x5b: {  	_ =	shalt  }
0x5c: {  	_ =	shalt  }
0x5d: {  	_ =	shalt  }
0x5e: {  	_ =	shalt  }
0x5f: {  	_ =	shalt  }
0x60: {  	_ =	shalt  }
0x61: {  	_ =	shalt  }
0x62: {  	_ =	shalt  }
0x63: {  	_ =	shalt  }
0x64: {  	_ =	shalt  }
0x65: {  	_ =	shalt  }
0x66: {  	_ =	shalt  }
0x67: {  	_ =	shalt  }
0x68: {  	_ =	shalt  }
0x69: {  	_ =	shalt  }
0x6a: {  	_ =	shalt  }
0x6b: {  	_ =	shalt  }
0x6c: {  	_ =	shalt  }
0x6d: {  	_ =	shalt  }
0x6e: {  	_ =	shalt  }
0x6f: {  	_ =	shalt  }
0x70: {  	_ =	shalt  }
0x71: {  	_ =	shalt  }
0x72: {  	_ =	shalt  }
0x73: {  	_ =	shalt  }
0x74: {  	_ =	shalt  }
0x75: {  	_ =	shalt  }
0x76: {  	_ =	shalt  }
0x77: {  	_ =	shalt  }
0x78: {  	_ =	shalt  }
0x79: {  	_ =	shalt  }
0x7a: {  	_ =	shalt  }
0x7b: {  	_ =	shalt  }
0x7c: {  	_ =	shalt  }
0x7d: {  	_ =	shalt  }
0x7e: {  	_ =	shalt  }
0x7f: {  	_ =	shalt  }
0x80: {  	_ =	shalt  }
0x81: {  	_ =	shalt  }
0x82: {  	_ =	shalt  }
0x83: {  	_ =	shalt  }
0x84: {  	_ =	shalt  }
0x85: {  	_ =	shalt  }
0x86: {  	_ =	shalt  }
0x87: {  	_ =	shalt  }
.Lfunc_end0:
.L_simem_size_0:
called_computation.1_lowered:
.L_overlay_start_0:
0x88: {  	s2 =	sld [smem:$0x3FD9]  }
0x89: {  	s3 =	sld [smem:$0x3FFE];
	_ =	sdelay $0x1  }
0x8a: {  	s1 =	srdreg.scid  }
0x8b: {  	s0 =	sand.u32 $0x1, s1  }
0x8c: {  	s17 =	sshll.u32 s0, $0xA;
	s2 =	sadd.s32 s3, s2  }
0x8d: {  	s2 =	sadd.s32 s2, s17  }
0x8e: {  	[smem:$0x3FC5] =	sst s2  }
0x8f: {  	_ = 	snop  }
0x90: {  	s2 =	sld [smem:$0x3FD0];
	(tm) =	ssettm $0x1  }
0x91: {  	s18 =	sld [smem:$0x3FFB];
	_ =	sdelay $0x3  }
0x92: {  	_ =	strace s18  }
0x93: {  	s3 =	sld [smem:$0x3FFC];
	_ =	sdelay $0x3  }
0x94: {  	_ =	strace s3  }
0x95: {  	s3 =	sld [smem:$0x3FFD];
	_ =	sdelay $0x3  }
0x96: {  	_ =	strace s3  }
0x97: {  	_ =	strace $0x8FFFFFFF  }
0x98: {  	s19 =	sld [smem:$0x3FDB];
	_ =	sdelay $0x1  }
0x99: {  	s4 =	simm.s32 $_scs_section_size  }
0x9a: {  	s5 =	simm.s32 $_size__tile_overlayer_lowered;
	s6 =	simm.s32 $_tile_overlayer_lowered  }
0x9b: {  	s22 =	simm.s32 $0x1BFF;
	s21 =	sshll.u32 s6, $0x1;
	s3 =	sadd.s32 s4, s19  }
0x9c: {  	s7 =	simm.s32 $0x0;
	s20 =	sshll.u32 s5, $0x1;
	s5 =	sadd.s32 s21, s3  }
0x9d: {  	[timem:s7], [sflag:s22] =	dma.local [hbm:s5], s20  }
0x9e: {  	_ =	swait.ge [sflag:s22], s20  }
0x9f: {  	s4 =	ssub.s32 $0x0, s20;
	[sflag:s22] =	ssyncset.done $0x0  }
0xa0: {  	[sflag:s22] =	ssyncadd.s32 s4;
	_ =	sdelay $0x1  }
0xa1: {  	s23 =	simm.s32 $0x1B8B  }
0xa2: {  	_ =	swait.ge [sflag:s23], $0x1  }
0xa3: {  	[sflag:s23] =	ssyncset.done $0x0  }
0xa4: {  	s25 =	simm.s32 $0x1B8E;
	s24 =	sld [smem:$0x3FFE];
	[sflag:s23] =	ssyncadd.s32 $0xFFFFFFFF  }
0xa5: {  	s26 =	simm.s32 $execute0_lowered;
	[smem:$0x3FD2] =	sst s25  }
0xa6: {  	s5 =	sshll.u32 s26, $0x1;
	_ =	strace $0x80000049;
	[dreg:$0x1] =	wrdreg $0xFFFFFFFF  }
0xa7: {  	s28 =	simm.s32 $_size_execute0_lowered;
	s3 =	sadd.s32 s3, s5;
	[dreg:$0x0] =	wrdreg $0x0  }
0xa8: {  	s5 =	sshll.u32 s28, $0x1;
	[dreg:$0x2] =	wrdreg s3  }
0xa9: {  	[dreg:$0x3] =	wrdreg s5  }
0xaa: {  	[dreg:$0x4] =	wrdreg $0xC0  }
0xab: {  	_ =	task [dreg:s7], $0x5FFFF  }
0xac: {  	[dreg:$0x1] =	wrdreg $0xFFFFFFFF  }
0xad: {  	[dreg:$0x0] =	wrdreg $0x60  }
0xae: {  	[dreg:$0x2] =	wrdreg s2  }
0xaf: {  	[dreg:$0x3] =	wrdreg s24  }
0xb0: {  	[dreg:$0x4] =	wrdreg $0x9  }
0xb1: {  	_ =	task.clear_ibuf [dreg:s7], $0x5FFFF;
	_ =	strace $0x90000049  }
0xb2: {  	s29 =	simm.s32 $0x9;
	_ =	strace $0x8000004B  }
0xb3: {  	_ =	swait.ge [sflag:s29], $0x1  }
0xb4: {  	[sflag:s29] =	ssyncadd.s32 $0xFFFFFFFF  }
0xb5: {  	_ =	strace $0x9000004B  }
0xb6: {  	_ =	sfence  }
0xb7: {  	s30 =	sld [smem:$0x0];
	_ =	sdelay $0x2  }
0xb8: {  	s31 =	sshll.u32 s1, $0xD;
	s1 =	sshrl.u32 s1, $0x2  }
0xb9: {  	s3 =	sand.u32 $0x4000, s31;
	s1 =	sadd.s32 s1, s30  }
0xba: {  	s0 =	sor.u32 s3, s0;
	s1 =	sshll.u32 s1, $0x11  }
0xbb: {  	s0 =	sor.u32 s1, s0  }
0xbc: {  	s0 =	sadd.s32 $0x8F2B, s0  }
0xbd: {  	[sflag:s0] =	ssyncadd.remote.s32 $0x1  }
0xbe: {  	_ =	sfence.sel $0xFFFF  }
0xbf: {  	[dreg:$0x0] =	wrdreg $0xFFFFFFFF;
	(pc) =	sbr.abs _section_cstart, $3  }
0xc0: {  	[dreg:$0x1] =	wrdreg $0xFFFFFFFF  }
0xc1: {  	_ =	task.clear_ibuf [dreg:s7], $0x2FFFF;
	_ =	strace $0x9FFFFFFF  }
0xc2: {  	(tm) =	ssettm $0x7FFFFFFF  }
0xc3: {  	_ =	shalt  }
tec
execute0_lowered:
.L_overlay_start_1:
0x0: {  	(tag) =	ssettag $0x1  }
0x1: {  	s6 =	rddreg [dreg:$0x0]  }
0x2: {  	s4 =	rddreg [dreg:$0x1];
	v0 =	vlaneseq.u32  }
0x3: {  	s3 =	srdreg.scid;
	s1 =	stileid.u32;
	s2 =	simm.s32 $0x0;
	v1 =	vmul.u32 $0x80, v0  }
0x4: {  	s12 =	simm.s32 $0x5400;
	s13 =	simm.s32 $0x1C80;
	s14 =	simm.s32 $0x9400  }
0x5: {  	v2 =	vimm.f32 $0.0e+00;
	vm0 =	vmmov $0xffff;
	s15 =	simm.s32 $0x1D00;
	s16 =	simm.s32 $0xD400;
	s17 =	simm.s32 $0x16400;
	v3 =	vor.u32 $0x1, v1  }
0x6: {  	s18 =	simm.s32 $0x16480;
	s19 =	simm.s32 $0x16C80;
	s20 =	simm.s32 $0x2;
	v4 =	vor.u32 $0x2, v1;
	v5 =	vor.u32 $0x3, v1;
	v6 =	vor.u32 $0x4, v1  }
0x7: {  	s21 =	simm.s32 $0x17480;
	s22 =	simm.s32 $0x1;
	s23 =	simm.s32 $0x3800;
	v7 =	vor.u32 $0x5, v1;
	v8 =	vor.u32 $0x6, v1;
	v9 =	vor.u32 $0x7, v1  }
0x8: {  	s24 =	simm.s32 $0x15400;
	s5 =	sand.u32 $0x1, s3;
	s30 =	sshll.u32 s1, $0x1;
	v11 =	vor.u32 $0x9, v1;
	v12 =	vor.u32 $0xA, v1;
	v13 =	vor.u32 $0xB, v1  }
0x9: {  	s25 =	simm.s32 $0x0;
	[smem:$0x7FF] =	sst s2;
	s7 =	sor.u32 s5, s30;
	v14 =	vor.u32 $0xC, v1;
	v15 =	vor.u32 $0xD, v1;
	v16 =	vor.u32 $0xE, v1  }
0xa: {  	_ =	strace $0x8000004A;
	s10 =	ssub.s32 $0x2, s5;
	s3 =	sshll.u32 s7, $0x4;
	v17 =	vor.u32 $0xF, v1;
	v18 =	vor.u32 $0x800, v1;
	v19 =	vor.u32 $0x801, v1  }
0xb: {  	s9 =	sshll.u32 s7, $0x9;
	s7 =	smul.u32 $0x380, s7;
	s11 =	sshrl.u32 s10, $0x1;
	v20 =	vor.u32 $0x802, v1;
	v21 =	vor.u32 $0x803, v1;
	v22 =	vor.u32 $0x804, v1  }
0xc: {  	v23 =	vor.u32 $0x805, v1;
	v24 =	vor.u32 $0x806, v1;
	v25 =	vor.u32 $0x807, v1;
	s8 =	sadd.s32 s3, s4;
	s3 =	sadd.s32 $0x1000, s4;
	s9 =	sadd.s32 s9, s4  }
0xd: {  	v26 =	vor.u32 $0x808, v1;
	v27 =	vor.u32 $0x809, v1;
	v28 =	vor.u32 $0x80A, v1;
	s31 =	ssub.s32 s10, s11;
	s10 =	simm.s32 $0x80;
	s11 =	simm.s32 $0x1C00  }
0xe: {  	v10 =	vor.u32 $0x8, v1;
	v29 =	vor.u32 $0x80B, v1;
	v30 =	vor.u32 $0x80C, v1;
	s4 =	sadd.s32 $0x1E9600, s8;
	s5 =	sadd.s32 $0x1E9800, s9;
	s6 =	sadd.s32 s6, s7  }
0xf: {  	v31 =	vor.u32 $0x80D, v1;
	v32 =	vor.u32 $0x80E, v1;
	v33 =	vor.u32 $0x80F, v1;
	s7 =	sadd.s32 $0x1ED800, s9;
	s8 =	smax.u32 s31, $0x1;
	s9 =	simm.s32 $0x3  }
.LBB2_1:
0x10: {  	[tilespmem:s2], [sflag:$0x3] =	stream.linear.gather [hbm4b:s6+s2], $0x1C00, $0x38;
	[tilespmem:$0x18480] =	vst v63  }
0x11: {  	_ =	swait.ge [sflag:s9], $0x1C00  }
0x12: {  	[sflag:s9] =	ssyncset.done $0x0  }
0x13: {  	s26 =	simm.s32 $0x0;
	[sflag:s9] =	ssyncadd.s32 $0xFFFFE400  }
0x14: {  	v34 =	vld [tilespmem:s26+$0x70]  }
0x15: {  	v35 =	vld [tilespmem:s26+$0x0];
	_ =	sdelay $0x1  }
0x16: {  	v36 =	vld [tilespmem:s26+$0x10]  }
0x17: {  	v37 =	vld [tilespmem:s26+$0x20]  }
0x18: {  	v38 =	vld [tilespmem:s26+$0x30];
	v40 =	vshrl.u32 v34, $0x3  }
0x19: {  	v39 =	vld [tilespmem:s26+$0x40];
	v34 =	vshll.u32 v34, $0x4;
	v63 =	vshrl.u32 v35, $0x3;
	[tilespmem:s26+$0x1C70] =	vst v40  }
0x1a: {  	v41 =	vld [tilespmem:s26+$0x50];
	v52 =	vshll.u32 v35, $0x4;
	v34 =	vand.u32 $0x70, v34;
	[tilespmem:s26+$0x1C00] =	vst v63  }
0x1b: {  	v42 =	vld [tilespmem:s26+$0x60];
	v43 =	vshll.u32 v36, $0x4;
	v40 =	vand.u32 $0x70, v52;
	[tilespmem:s26+$0x3870] =	vst v34  }
0x1c: {  	v54 =	vshll.u32 v37, $0x4;
	v53 =	vand.u32 $0x70, v43;
	[tilespmem:s26+$0x3800] =	vst v40  }
0x1d: {  	v56 =	vshll.u32 v38, $0x4;
	v55 =	vand.u32 $0x70, v54;
	[tilespmem:s26+$0x3810] =	vst v53  }
0x1e: {  	v58 =	vshll.u32 v39, $0x4;
	v57 =	vand.u32 $0x70, v56;
	[tilespmem:s26+$0x3820] =	vst v55  }
0x1f: {  	v60 =	vshll.u32 v41, $0x4;
	v59 =	vand.u32 $0x70, v58;
	[tilespmem:s26+$0x3830] =	vst v57  }
0x20: {  	v62 =	vshll.u32 v42, $0x4;
	v35 =	vshrl.u32 v37, $0x3;
	v61 =	vand.u32 $0x70, v60;
	[tilespmem:s26+$0x3840] =	vst v59  }
0x21: {  	v37 =	vshrl.u32 v39, $0x3;
	v39 =	vshrl.u32 v41, $0x3;
	[tilespmem:s26+$0x3850] =	vst v61;
	v40 =	vand.u32 $0x70, v62  }
0x22: {  	s28 =	simm.s32 $0x80;
	s29 =	simm.s32 $0x400;
	v34 =	vshrl.u32 v36, $0x3;
	v36 =	vshrl.u32 v38, $0x3;
	v38 =	vshrl.u32 v42, $0x3;
	[tilespmem:s26+$0x3860] =	vst v40  }
.LBB2_2:
0x23: {  	p0 =	sne.s32 s29, $0x6200;
	v40 =	vld [tilespmem:s28+$0x70];
	[tilespmem:s26+$0x1C10] =	vst v34  }
0x24: {  	v34 =	vld [tilespmem:s28+$0x0];
	[tilespmem:s26+$0x1C20] =	vst v35  }
0x25: {  	v35 =	vld [tilespmem:s28+$0x10];
	[tilespmem:s26+$0x1C30] =	vst v36  }
0x26: {  	v36 =	vld [tilespmem:s28+$0x20];
	[tilespmem:s26+$0x1C40] =	vst v37  }
0x27: {  	v37 =	vld [tilespmem:s28+$0x30];
	[tilespmem:s26+$0x1C50] =	vst v39  }
0x28: {  	v39 =	vld [tilespmem:s28+$0x40];
	v41 =	vshrl.u32 v40, $0x3;
	v40 =	vshll.u32 v40, $0x4;
	[tilespmem:s26+$0x1C60] =	vst v38;
	s26 =	smov.u32 s28  }
0x29: {  	v42 =	vshrl.u32 v34, $0x3;
	v34 =	vshll.u32 v34, $0x4;
	v38 =	vld [tilespmem:s26+$0x50];
	[tilespmem:s26+$0x1C70] =	vst v41;
	v40 =	vand.u32 $0x70, v40  }
0x2a: {  	v41 =	vand.u32 $0x70, v34;
	v34 =	vshrl.u32 v35, $0x3;
	v35 =	vshll.u32 v35, $0x4;
	v43 =	vld [tilespmem:s26+$0x60];
	[tilespmem:s26+$0x3870] =	vst v40  }
0x2b: {  	[tilespmem:s26+$0x3800] =	vst v41;
	v40 =	vand.u32 $0x70, v35;
	v35 =	vshrl.u32 v36, $0x3;
	v36 =	vshll.u32 v36, $0x4  }
0x2c: {  	[tilespmem:s26+$0x3810] =	vst v40;
	v40 =	vand.u32 $0x70, v36;
	v36 =	vshrl.u32 v37, $0x3;
	v37 =	vshll.u32 v37, $0x4  }
0x2d: {  	[tilespmem:s26+$0x3820] =	vst v40;
	v40 =	vand.u32 $0x70, v37;
	v37 =	vshrl.u32 v39, $0x3;
	v39 =	vshll.u32 v39, $0x4  }
.Ltmp0:
0x2e: {  	[tilespmem:s26+$0x3830] =	vst v40;
	v40 =	vand.u32 $0x70, v39;
	v39 =	vshrl.u32 v38, $0x3;
	v38 =	vshll.u32 v38, $0x4;
	(pc) =	sbr.rel @p0 .LBB2_2-.Ltmp0, $4  }
0x2f: {  	[tilespmem:s26+$0x3840] =	vst v40;
	v40 =	vand.u32 $0x70, v38;
	v38 =	vshrl.u32 v43, $0x3;
	v41 =	vshll.u32 v43, $0x4  }
0x30: {  	[tilespmem:s26+$0x3850] =	vst v40;
	v40 =	vand.u32 $0x70, v41  }
0x31: {  	[tilespmem:s26+$0x3860] =	vst v40  }
0x32: {  	s28 =	sshra.s32 s29, $0x2;
	s29 =	sadd.s32 $0x200, s29;
	[tilespmem:s26+$0x1C00] =	vst v42  }
0x33: {  	v40 =	vld [tilespmem:s28+$0x70];
	[tilespmem:s26+$0x1C10] =	vst v34  }
0x34: {  	v34 =	vld [tilespmem:s28+$0x0];
	[tilespmem:s26+$0x1C20] =	vst v35  }
0x35: {  	v35 =	vld [tilespmem:s28+$0x10];
	[tilespmem:s26+$0x1C30] =	vst v36  }
0x36: {  	v36 =	vld [tilespmem:s28+$0x20];
	[tilespmem:s26+$0x1C40] =	vst v37  }
0x37: {  	v37 =	vld [tilespmem:s28+$0x30];
	[tilespmem:s26+$0x1C50] =	vst v39  }
0x38: {  	v39 =	vld [tilespmem:s28+$0x40];
	[tilespmem:s26+$0x1C60] =	vst v38;
	v58 =	vshrl.u32 v40, $0x3;
	v40 =	vshll.u32 v40, $0x4  }
0x39: {  	[tilespmem:s28+$0x1C70] =	vst v58;
	v40 =	vand.u32 $0x70, v40  }
0x3a: {  	v59 =	vshll.u32 v34, $0x4;
	v34 =	vshrl.u32 v34, $0x3;
	[tilespmem:s28+$0x3870] =	vst v40  }
0x3b: {  	v38 =	vand.u32 $0x70, v59;
	[tilespmem:s28+$0x1C00] =	vst v34  }
0x3c: {  	v43 =	vshll.u32 v35, $0x4;
	v35 =	vshrl.u32 v35, $0x3;
	[tilespmem:s28+$0x3800] =	vst v38  }
0x3d: {  	v60 =	vand.u32 $0x70, v43;
	[tilespmem:s28+$0x1C10] =	vst v35  }
0x3e: {  	v61 =	vshll.u32 v36, $0x4;
	v51 =	vshrl.u32 v36, $0x3;
	[tilespmem:s28+$0x3810] =	vst v60  }
0x3f: {  	v41 =	vld [tilespmem:s28+$0x50];
	v62 =	vand.u32 $0x70, v61;
	[tilespmem:s28+$0x1C20] =	vst v51  }
0x40: {  	v42 =	vld [tilespmem:s28+$0x60];
	v63 =	vshll.u32 v37, $0x4;
	v52 =	vshrl.u32 v37, $0x3;
	[tilespmem:s28+$0x3820] =	vst v62  }
0x41: {  	v44 =	vand.u32 $0x70, v63;
	[tilespmem:s28+$0x1C30] =	vst v52  }
0x42: {  	v45 =	vshll.u32 v39, $0x4;
	v53 =	vshrl.u32 v39, $0x3;
	[tilespmem:s28+$0x3830] =	vst v44  }
0x43: {  	v46 =	vand.u32 $0x70, v45;
	[tilespmem:s28+$0x1C40] =	vst v53  }
0x44: {  	v54 =	vshrl.u32 v41, $0x3;
	[tilespmem:s28+$0x3840] =	vst v46  }
0x45: {  	v47 =	vshll.u32 v41, $0x4;
	v55 =	vshrl.u32 v42, $0x3;
	[tilespmem:s28+$0x1C50] =	vst v54  }
0x46: {  	v49 =	vshll.u32 v42, $0x4;
	v48 =	vand.u32 $0x70, v47;
	[tilespmem:s28+$0x1C60] =	vst v55  }
0x47: {  	v50 =	vand.u32 $0x70, v49;
	[tilespmem:s28+$0x3850] =	vst v48  }
0x48: {  	[tilespmem:s28+$0x3860] =	vst v50  }
0x49: {  	[tilespmem:$0x15400] =	vst v2  }
0x4a: {  	[tilespmem:$0x15480] =	vst v2  }
0x4b: {  	[tilespmem:$0x15500] =	vst v2  }
0x4c: {  	[tilespmem:$0x15580] =	vst v2  }
0x4d: {  	[tilespmem:$0x15600] =	vst v2  }
0x4e: {  	[tilespmem:$0x15680] =	vst v2  }
0x4f: {  	[tilespmem:$0x15700] =	vst v2  }
0x50: {  	[tilespmem:$0x15780] =	vst v2  }
0x51: {  	[tilespmem:$0x15800] =	vst v2  }
0x52: {  	[tilespmem:$0x15880] =	vst v2  }
0x53: {  	[tilespmem:$0x15900] =	vst v2  }
0x54: {  	[tilespmem:$0x15980] =	vst v2  }
0x55: {  	[tilespmem:$0x15A00] =	vst v2  }
0x56: {  	[tilespmem:$0x15A80] =	vst v2  }
0x57: {  	[tilespmem:$0x15B00] =	vst v2  }
0x58: {  	[tilespmem:$0x15B80] =	vst v2  }
0x59: {  	[tilespmem:$0x15C00] =	vst v2  }
0x5a: {  	[tilespmem:$0x15C80] =	vst v2  }
0x5b: {  	[tilespmem:$0x15D00] =	vst v2  }
0x5c: {  	[tilespmem:$0x15D80] =	vst v2  }
0x5d: {  	[tilespmem:$0x15E00] =	vst v2  }
0x5e: {  	[tilespmem:$0x15E80] =	vst v2  }
0x5f: {  	[tilespmem:$0x15F00] =	vst v2  }
0x60: {  	[tilespmem:$0x15F80] =	vst v2  }
0x61: {  	[tilespmem:$0x16000] =	vst v2  }
0x62: {  	[tilespmem:$0x16080] =	vst v2  }
0x63: {  	[tilespmem:$0x16100] =	vst v2  }
0x64: {  	[tilespmem:$0x16180] =	vst v2  }
0x65: {  	[tilespmem:$0x16200] =	vst v2  }
0x66: {  	[tilespmem:$0x16280] =	vst v2  }
0x67: {  	[tilespmem:$0x16300] =	vst v2  }
0x68: {  	[tilespmem:$0x16380] =	vst v2  }
0x69: {  	[tilespmem:s12], [sflag:$0x1] =	stream.indirect.gather [hbm4b:s3+s10], $0x80, s11, s10, $0xb8;
	[tilespmem:$0x18480] =	vst v63  }
0x6a: {  	_ = 	snop  }
0x6b: {  	[tilespmem:s14], [sflag:$0x1] =	stream.indirect.gather [hbm4b:s3+s10], $0x80, s13, s10, $0xb8;
	[tilespmem:$0x18480] =	vst v63  }
0x6c: {  	_ = 	snop  }
0x6d: {  	[tilespmem:s16], [sflag:$0x1] =	stream.indirect.gather [hbm4b:s3+s10], $0x80, s15, s10, $0xb8;
	[tilespmem:$0x18480] =	vst v63  }
0x6e: {  	s26 =	simm.s32 $0x0  }
0x6f: {  	[tilespmem:s17], [sflag:$0x3] =	stream.linear.gather [hbm4b:s4+s26], $0x80, $0x38;
	[tilespmem:$0x18480] =	vst v63  }
0x70: {  	_ =	swait.ge [sflag:s9], $0x80  }
0x71: {  	[sflag:s9] =	ssyncset.done $0x0  }
0x72: {  	[sflag:s9] =	ssyncadd.s32 $0xFFFFFF80  }
0x73: {  	v56 =	vld [tilespmem:$0x16400];
	_ =	sdelay $0x4  }
0x74: {  	v34 =	vshrl.u32 v56, $0x3;
	_ =	sdelay $0x4  }
0x75: {  	[tilespmem:s18], [sflag:$0x2] =	stream.indirect_vreg.gather [hbm4b:s3+s26], $0x80, v34, vm0, $0xb8;
	[tilespmem:$0x18480] =	vst v63  }
0x76: {  	v34 =	vld [tilespmem:$0x16410];
	_ =	sdelay $0x4  }
0x77: {  	v34 =	vshrl.u32 v34, $0x3;
	_ =	sdelay $0x4  }
0x78: {  	[tilespmem:s19], [sflag:$0x2] =	stream.indirect_vreg.gather [hbm4b:s3+s26], $0x80, v34, vm0, $0xb8;
	[tilespmem:$0x18480] =	vst v63  }
0x79: {  	_ =	swait.ge [sflag:s20], $0x800  }
0x7a: {  	[sflag:s20] =	ssyncset.done $0x0  }
0x7b: {  	[sflag:s20] =	ssyncadd.s32 $0xFFFFF800  }
0x7c: {  	_ =	swait.ge [sflag:s20], $0x800  }
0x7d: {  	[sflag:s20] =	ssyncset.done $0x0  }
0x7e: {  	[sflag:s20] =	ssyncadd.s32 $0xFFFFF800  }
0x7f: {  	v57 =	vld [tilespmem:$0x16400];
	_ =	sdelay $0x4  }
0x80: {  	v34 =	vshll.u32 v57, $0x4  }
0x81: {  	v34 =	vand.u32 $0x70, v34  }
0x82: {  	v58 =	vor.u32 v1, v34;
	_ =	sdelay $0x4  }
0x83: {  	v35 =	vld.idx.msk [tilespmem:v58+s18+$0x0], $0xffff  }
0x84: {  	v59 =	vor.u32 v3, v34;
	_ =	sdelay $0x3  }
0x85: {  	[tilespmem:v1+s21+$0x0] =	vst.idx.msk $0xffff, v35  }
0x86: {  	v35 =	vld.idx.msk [tilespmem:v59+s18+$0x0], $0xffff  }
0x87: {  	v60 =	vor.u32 v4, v34;
	_ =	sdelay $0x3  }
0x88: {  	[tilespmem:v3+s21+$0x0] =	vst.idx.msk $0xffff, v35  }
0x89: {  	v35 =	vld.idx.msk [tilespmem:v60+s18+$0x0], $0xffff  }
0x8a: {  	v61 =	vor.u32 v5, v34;
	_ =	sdelay $0x3  }
0x8b: {  	[tilespmem:v4+s21+$0x0] =	vst.idx.msk $0xffff, v35  }
0x8c: {  	v35 =	vld.idx.msk [tilespmem:v61+s18+$0x0], $0xffff  }
0x8d: {  	v62 =	vor.u32 v6, v34;
	_ =	sdelay $0x3  }
0x8e: {  	[tilespmem:v5+s21+$0x0] =	vst.idx.msk $0xffff, v35  }
0x8f: {  	v35 =	vld.idx.msk [tilespmem:v62+s18+$0x0], $0xffff  }
0x90: {  	v63 =	vor.u32 v7, v34;
	_ =	sdelay $0x3  }
0x91: {  	[tilespmem:v6+s21+$0x0] =	vst.idx.msk $0xffff, v35  }
0x92: {  	v35 =	vld.idx.msk [tilespmem:v63+s18+$0x0], $0xffff  }
0x93: {  	v40 =	vor.u32 v8, v34;
	_ =	sdelay $0x3  }
0x94: {  	[tilespmem:v7+s21+$0x0] =	vst.idx.msk $0xffff, v35  }
0x95: {  	v35 =	vld.idx.msk [tilespmem:v40+s18+$0x0], $0xffff  }
0x96: {  	v41 =	vor.u32 v9, v34;
	_ =	sdelay $0x3  }
0x97: {  	[tilespmem:v8+s21+$0x0] =	vst.idx.msk $0xffff, v35  }
0x98: {  	v35 =	vld.idx.msk [tilespmem:v41+s18+$0x0], $0xffff  }
0x99: {  	v42 =	vor.u32 v10, v34;
	_ =	sdelay $0x3  }
0x9a: {  	[tilespmem:v9+s21+$0x0] =	vst.idx.msk $0xffff, v35  }
0x9b: {  	v35 =	vld.idx.msk [tilespmem:v42+s18+$0x0], $0xffff  }
0x9c: {  	v43 =	vor.u32 v11, v34;
	_ =	sdelay $0x3  }
0x9d: {  	[tilespmem:v10+s21+$0x0] =	vst.idx.msk $0xffff, v35  }
0x9e: {  	v35 =	vld.idx.msk [tilespmem:v43+s18+$0x0], $0xffff  }
0x9f: {  	v44 =	vor.u32 v12, v34;
	_ =	sdelay $0x3  }
0xa0: {  	[tilespmem:v11+s21+$0x0] =	vst.idx.msk $0xffff, v35  }
0xa1: {  	v35 =	vld.idx.msk [tilespmem:v44+s18+$0x0], $0xffff  }
0xa2: {  	v45 =	vor.u32 v13, v34;
	_ =	sdelay $0x3  }
0xa3: {  	[tilespmem:v12+s21+$0x0] =	vst.idx.msk $0xffff, v35  }
0xa4: {  	v35 =	vld.idx.msk [tilespmem:v45+s18+$0x0], $0xffff  }
0xa5: {  	v46 =	vor.u32 v14, v34;
	_ =	sdelay $0x3  }
0xa6: {  	[tilespmem:v13+s21+$0x0] =	vst.idx.msk $0xffff, v35  }
0xa7: {  	v35 =	vld.idx.msk [tilespmem:v46+s18+$0x0], $0xffff  }
0xa8: {  	v47 =	vor.u32 v15, v34;
	_ =	sdelay $0x3  }
0xa9: {  	[tilespmem:v14+s21+$0x0] =	vst.idx.msk $0xffff, v35  }
0xaa: {  	v35 =	vld.idx.msk [tilespmem:v47+s18+$0x0], $0xffff  }
0xab: {  	v48 =	vor.u32 v16, v34;
	_ =	sdelay $0x3  }
0xac: {  	[tilespmem:v15+s21+$0x0] =	vst.idx.msk $0xffff, v35  }
0xad: {  	v35 =	vld.idx.msk [tilespmem:v48+s18+$0x0], $0xffff  }
0xae: {  	v34 =	vor.u32 v17, v34;
	_ =	sdelay $0x3  }
0xaf: {  	[tilespmem:v16+s21+$0x0] =	vst.idx.msk $0xffff, v35  }
0xb0: {  	v34 =	vld.idx.msk [tilespmem:v34+s18+$0x0], $0xffff;
	_ =	sdelay $0x4  }
0xb1: {  	[tilespmem:v17+s21+$0x0] =	vst.idx.msk $0xffff, v34  }
0xb2: {  	v34 =	vld [tilespmem:$0x16410];
	_ =	sdelay $0x4  }
0xb3: {  	v34 =	vshll.u32 v34, $0x4  }
0xb4: {  	v34 =	vand.u32 $0x70, v34  }
0xb5: {  	v49 =	vor.u32 v18, v34;
	_ =	sdelay $0x4  }
0xb6: {  	v35 =	vld.idx.msk [tilespmem:v49+s18+$0x0], $0xffff  }
0xb7: {  	v50 =	vor.u32 v19, v34;
	_ =	sdelay $0x3  }
0xb8: {  	[tilespmem:v18+s21+$0x0] =	vst.idx.msk $0xffff, v35  }
0xb9: {  	v35 =	vld.idx.msk [tilespmem:v50+s18+$0x0], $0xffff  }
0xba: {  	v51 =	vor.u32 v20, v34;
	_ =	sdelay $0x3  }
0xbb: {  	[tilespmem:v19+s21+$0x0] =	vst.idx.msk $0xffff, v35  }
0xbc: {  	v35 =	vld.idx.msk [tilespmem:v51+s18+$0x0], $0xffff  }
0xbd: {  	v52 =	vor.u32 v21, v34;
	_ =	sdelay $0x3  }
0xbe: {  	[tilespmem:v20+s21+$0x0] =	vst.idx.msk $0xffff, v35  }
0xbf: {  	v35 =	vld.idx.msk [tilespmem:v52+s18+$0x0], $0xffff  }
0xc0: {  	v53 =	vor.u32 v22, v34;
	_ =	sdelay $0x3  }
0xc1: {  	[tilespmem:v21+s21+$0x0] =	vst.idx.msk $0xffff, v35  }
0xc2: {  	v35 =	vld.idx.msk [tilespmem:v53+s18+$0x0], $0xffff  }
0xc3: {  	v54 =	vor.u32 v23, v34;
	_ =	sdelay $0x3  }
0xc4: {  	[tilespmem:v22+s21+$0x0] =	vst.idx.msk $0xffff, v35  }
0xc5: {  	v35 =	vld.idx.msk [tilespmem:v54+s18+$0x0], $0xffff  }
0xc6: {  	v55 =	vor.u32 v24, v34;
	_ =	sdelay $0x3  }
0xc7: {  	[tilespmem:v23+s21+$0x0] =	vst.idx.msk $0xffff, v35  }
0xc8: {  	v35 =	vld.idx.msk [tilespmem:v55+s18+$0x0], $0xffff  }
0xc9: {  	v56 =	vor.u32 v25, v34;
	_ =	sdelay $0x3  }
0xca: {  	[tilespmem:v24+s21+$0x0] =	vst.idx.msk $0xffff, v35  }
0xcb: {  	v35 =	vld.idx.msk [tilespmem:v56+s18+$0x0], $0xffff  }
0xcc: {  	v57 =	vor.u32 v26, v34;
	_ =	sdelay $0x3  }
0xcd: {  	[tilespmem:v25+s21+$0x0] =	vst.idx.msk $0xffff, v35  }
0xce: {  	v35 =	vld.idx.msk [tilespmem:v57+s18+$0x0], $0xffff  }
0xcf: {  	v58 =	vor.u32 v27, v34;
	_ =	sdelay $0x3  }
0xd0: {  	[tilespmem:v26+s21+$0x0] =	vst.idx.msk $0xffff, v35  }
0xd1: {  	v35 =	vld.idx.msk [tilespmem:v58+s18+$0x0], $0xffff  }
0xd2: {  	v59 =	vor.u32 v28, v34;
	_ =	sdelay $0x3  }
0xd3: {  	[tilespmem:v27+s21+$0x0] =	vst.idx.msk $0xffff, v35  }
0xd4: {  	v35 =	vld.idx.msk [tilespmem:v59+s18+$0x0], $0xffff  }
0xd5: {  	v60 =	vor.u32 v29, v34;
	_ =	sdelay $0x3  }
0xd6: {  	[tilespmem:v28+s21+$0x0] =	vst.idx.msk $0xffff, v35  }
0xd7: {  	v35 =	vld.idx.msk [tilespmem:v60+s18+$0x0], $0xffff  }
0xd8: {  	v61 =	vor.u32 v30, v34;
	_ =	sdelay $0x3  }
0xd9: {  	[tilespmem:v29+s21+$0x0] =	vst.idx.msk $0xffff, v35  }
0xda: {  	v35 =	vld.idx.msk [tilespmem:v61+s18+$0x0], $0xffff  }
0xdb: {  	v62 =	vor.u32 v31, v34;
	_ =	sdelay $0x3  }
0xdc: {  	[tilespmem:v30+s21+$0x0] =	vst.idx.msk $0xffff, v35  }
0xdd: {  	v35 =	vld.idx.msk [tilespmem:v62+s18+$0x0], $0xffff  }
0xde: {  	v63 =	vor.u32 v32, v34;
	_ =	sdelay $0x3  }
0xdf: {  	[tilespmem:v31+s21+$0x0] =	vst.idx.msk $0xffff, v35  }
0xe0: {  	v35 =	vld.idx.msk [tilespmem:v63+s18+$0x0], $0xffff  }
0xe1: {  	v34 =	vor.u32 v33, v34;
	_ =	sdelay $0x3  }
0xe2: {  	[tilespmem:v32+s21+$0x0] =	vst.idx.msk $0xffff, v35  }
0xe3: {  	v34 =	vld.idx.msk [tilespmem:v34+s18+$0x0], $0xffff;
	_ =	sdelay $0x4  }
0xe4: {  	s28 =	simm.s32 $0x0;
	[tilespmem:v33+s21+$0x0] =	vst.idx.msk $0xffff, v34  }
.LBB2_4:
0xe5: {  	_ =	swait.ge [sflag:s22], $0x4000;
	s29 =	sand.u32 $0x3, s28  }
0xe6: {  	s30 =	sshll.u32 s28, $0x7;
	[sflag:s22] =	ssyncset.done $0x0;
	s29 =	sshll.u32 s29, $0xE  }
0xe7: {  	v34 =	vmov s30;
	[sflag:s22] =	ssyncadd.s32 $0xFFFFC000;
	v35 =	vmov s29;
	s29 =	simm.s32 $0xF  }
.LBB2_5:
0xe8: {  	s30 =	sadd.s32 $0xFFFFFFF1, s29  }
0xe9: {  	v36 =	vor.u32 s30, v34;
	_ =	sdelay $0x4  }
0xea: {  	v36 =	vld.idx.msk [tilespmem:v36+s23+$0x0], $0xffff;
	_ =	sdelay $0x3  }
0xeb: {  	v37 =	vmov s30  }
0xec: {  	v37 =	vshll.u32 v37, $0x7;
	v36 =	vadd.s32 v0, v36  }
0xed: {  	v37 =	vadd.s32 v35, v37;
	v38 =	vand.u32 $0xFFFFFF80, v36  }
0xee: {  	v36 =	vand.u32 $0x7F, v36;
	v37 =	vadd.s32 v38, v37  }
0xef: {  	v36 =	vor.u32 v36, v37;
	_ =	sdelay $0x3  }
0xf0: {  	s30 =	sadd.s32 s29, s26  }
0xf1: {  	s0 =	sadd.s32 $0xFFFFFFF2, s29;
	s31 =	sadd.s32 $0xFFFFFFF1, s30;
	v36 =	vld.idx.msk [tilespmem:v36+s12+$0x0], $0xffff  }
0xf2: {  	v43 =	vor.u32 s0, v34;
	s31 =	smulhi.u32 $0x51EB851F, s31;
	_ =	sdelay $0x1  }
0xf3: {  	s31 =	sshll.u32 s31, $0x1  }
0xf4: {  	s31 =	sand.u32 $0x3FFFFF80, s31  }
0xf5: {  	[tilespmem:s31+$0x15400] =	vst.add.f32.msk $0xffff, v36  }
0xf6: {  	v36 =	vld.idx.msk [tilespmem:v43+s23+$0x0], $0xffff;
	_ =	sdelay $0x3  }
0xf7: {  	v44 =	vmov s0  }
0xf8: {  	v37 =	vshll.u32 v44, $0x7;
	v36 =	vadd.s32 v0, v36  }
0xf9: {  	v37 =	vadd.s32 v35, v37;
	v45 =	vand.u32 $0xFFFFFF80, v36  }
0xfa: {  	v36 =	vand.u32 $0x7F, v36;
	v37 =	vadd.s32 v45, v37  }
0xfb: {  	v36 =	vor.u32 v36, v37;
	_ =	sdelay $0x4  }
0xfc: {  	s0 =	sadd.s32 $0xFFFFFFF3, s29;
	v36 =	vld.idx.msk [tilespmem:v36+s12+$0x0], $0xffff  }
0xfd: {  	v46 =	vor.u32 s0, v34;
	_ =	sdelay $0x3  }
0xfe: {  	[tilespmem:s31+$0x15400] =	vst.add.f32.msk $0xffff, v36  }
0xff: {  	v36 =	vld.idx.msk [tilespmem:v46+s23+$0x0], $0xffff;
	_ =	sdelay $0x3  }
0x100: {  	v47 =	vmov s0  }
0x101: {  	v37 =	vshll.u32 v47, $0x7;
	v36 =	vadd.s32 v0, v36  }
0x102: {  	v37 =	vadd.s32 v35, v37;
	v48 =	vand.u32 $0xFFFFFF80, v36  }
0x103: {  	v36 =	vand.u32 $0x7F, v36;
	v37 =	vadd.s32 v48, v37  }
0x104: {  	v36 =	vor.u32 v36, v37;
	_ =	sdelay $0x4  }
0x105: {  	s0 =	sadd.s32 $0xFFFFFFF4, s29;
	v36 =	vld.idx.msk [tilespmem:v36+s12+$0x0], $0xffff  }
0x106: {  	v49 =	vor.u32 s0, v34;
	_ =	sdelay $0x3  }
0x107: {  	[tilespmem:s31+$0x15400] =	vst.add.f32.msk $0xffff, v36  }
0x108: {  	v36 =	vld.idx.msk [tilespmem:v49+s23+$0x0], $0xffff;
	_ =	sdelay $0x3  }
0x109: {  	v50 =	vmov s0  }
0x10a: {  	v37 =	vshll.u32 v50, $0x7;
	v36 =	vadd.s32 v0, v36  }
0x10b: {  	v37 =	vadd.s32 v35, v37;
	v51 =	vand.u32 $0xFFFFFF80, v36  }
0x10c: {  	v36 =	vand.u32 $0x7F, v36;
	v37 =	vadd.s32 v51, v37  }
0x10d: {  	v36 =	vor.u32 v36, v37;
	_ =	sdelay $0x4  }
0x10e: {  	s0 =	sadd.s32 $0xFFFFFFF5, s29;
	v36 =	vld.idx.msk [tilespmem:v36+s12+$0x0], $0xffff  }
0x10f: {  	v52 =	vor.u32 s0, v34;
	_ =	sdelay $0x3  }
0x110: {  	[tilespmem:s31+$0x15400] =	vst.add.f32.msk $0xffff, v36  }
0x111: {  	v36 =	vld.idx.msk [tilespmem:v52+s23+$0x0], $0xffff;
	_ =	sdelay $0x3  }
0x112: {  	v53 =	vmov s0  }
0x113: {  	v37 =	vshll.u32 v53, $0x7;
	v36 =	vadd.s32 v0, v36  }
0x114: {  	v37 =	vadd.s32 v35, v37;
	v54 =	vand.u32 $0xFFFFFF80, v36  }
0x115: {  	v36 =	vand.u32 $0x7F, v36;
	v37 =	vadd.s32 v54, v37  }
0x116: {  	v36 =	vor.u32 v36, v37;
	_ =	sdelay $0x4  }
0x117: {  	s0 =	sadd.s32 $0xFFFFFFF6, s29;
	v36 =	vld.idx.msk [tilespmem:v36+s12+$0x0], $0xffff  }
0x118: {  	v55 =	vor.u32 s0, v34;
	_ =	sdelay $0x3  }
0x119: {  	[tilespmem:s31+$0x15400] =	vst.add.f32.msk $0xffff, v36  }
0x11a: {  	v36 =	vld.idx.msk [tilespmem:v55+s23+$0x0], $0xffff;
	_ =	sdelay $0x3  }
0x11b: {  	v56 =	vmov s0  }
0x11c: {  	v37 =	vshll.u32 v56, $0x7;
	v36 =	vadd.s32 v0, v36  }
0x11d: {  	v37 =	vadd.s32 v35, v37;
	v57 =	vand.u32 $0xFFFFFF80, v36  }
0x11e: {  	v36 =	vand.u32 $0x7F, v36;
	v37 =	vadd.s32 v57, v37  }
0x11f: {  	v36 =	vor.u32 v36, v37;
	_ =	sdelay $0x4  }
0x120: {  	s0 =	sadd.s32 $0xFFFFFFF7, s29;
	v36 =	vld.idx.msk [tilespmem:v36+s12+$0x0], $0xffff  }
0x121: {  	v58 =	vor.u32 s0, v34;
	_ =	sdelay $0x3  }
0x122: {  	[tilespmem:s31+$0x15400] =	vst.add.f32.msk $0xffff, v36  }
0x123: {  	v36 =	vld.idx.msk [tilespmem:v58+s23+$0x0], $0xffff;
	_ =	sdelay $0x3  }
0x124: {  	v59 =	vmov s0  }
0x125: {  	v37 =	vshll.u32 v59, $0x7;
	v36 =	vadd.s32 v0, v36  }
0x126: {  	v37 =	vadd.s32 v35, v37;
	v60 =	vand.u32 $0xFFFFFF80, v36  }
0x127: {  	v36 =	vand.u32 $0x7F, v36;
	v37 =	vadd.s32 v60, v37  }
0x128: {  	v36 =	vor.u32 v36, v37;
	_ =	sdelay $0x4  }
0x129: {  	s0 =	sadd.s32 $0xFFFFFFF8, s29;
	v36 =	vld.idx.msk [tilespmem:v36+s12+$0x0], $0xffff  }
0x12a: {  	v61 =	vor.u32 s0, v34;
	_ =	sdelay $0x3  }
0x12b: {  	[tilespmem:s31+$0x15400] =	vst.add.f32.msk $0xffff, v36  }
0x12c: {  	v36 =	vld.idx.msk [tilespmem:v61+s23+$0x0], $0xffff;
	_ =	sdelay $0x3  }
0x12d: {  	v62 =	vmov s0  }
0x12e: {  	v37 =	vshll.u32 v62, $0x7;
	v36 =	vadd.s32 v0, v36  }
0x12f: {  	v37 =	vadd.s32 v35, v37;
	v63 =	vand.u32 $0xFFFFFF80, v36  }
0x130: {  	v36 =	vand.u32 $0x7F, v36;
	v37 =	vadd.s32 v63, v37  }
0x131: {  	v36 =	vor.u32 v36, v37;
	_ =	sdelay $0x4  }
0x132: {  	s0 =	sadd.s32 $0xFFFFFFF9, s29;
	v36 =	vld.idx.msk [tilespmem:v36+s12+$0x0], $0xffff  }
0x133: {  	v40 =	vor.u32 s0, v34;
	_ =	sdelay $0x3  }
0x134: {  	[tilespmem:s31+$0x15400] =	vst.add.f32.msk $0xffff, v36  }
0x135: {  	v36 =	vld.idx.msk [tilespmem:v40+s23+$0x0], $0xffff;
	_ =	sdelay $0x3  }
0x136: {  	v41 =	vmov s0  }
0x137: {  	v37 =	vshll.u32 v41, $0x7;
	v36 =	vadd.s32 v0, v36  }
0x138: {  	v37 =	vadd.s32 v35, v37;
	v42 =	vand.u32 $0xFFFFFF80, v36  }
0x139: {  	v36 =	vand.u32 $0x7F, v36;
	v37 =	vadd.s32 v42, v37  }
0x13a: {  	v36 =	vor.u32 v36, v37;
	_ =	sdelay $0x4  }
0x13b: {  	s30 =	sadd.s32 $0xFFFFFFF9, s30;
	s31 =	sadd.s32 $0xFFFFFFFA, s29;
	v36 =	vld.idx.msk [tilespmem:v36+s12+$0x0], $0xffff  }
0x13c: {  	s0 =	smulhi.u32 $0x51EB851F, s30;
	v43 =	vor.u32 s31, v34;
	_ =	sdelay $0x1  }
0x13d: {  	s0 =	sshll.u32 s0, $0x1  }
0x13e: {  	s30 =	sand.u32 $0x3FFFFF80, s0  }
0x13f: {  	[tilespmem:s30+$0x15400] =	vst.add.f32.msk $0xffff, v36  }
0x140: {  	v36 =	vld.idx.msk [tilespmem:v43+s23+$0x0], $0xffff;
	_ =	sdelay $0x3  }
0x141: {  	v44 =	vmov s31  }
0x142: {  	v37 =	vshll.u32 v44, $0x7;
	v36 =	vadd.s32 v0, v36  }
0x143: {  	v37 =	vadd.s32 v35, v37;
	v45 =	vand.u32 $0xFFFFFF80, v36  }
0x144: {  	v36 =	vand.u32 $0x7F, v36;
	v37 =	vadd.s32 v45, v37  }
0x145: {  	v36 =	vor.u32 v36, v37;
	_ =	sdelay $0x4  }
0x146: {  	s31 =	sadd.s32 $0xFFFFFFFB, s29;
	v36 =	vld.idx.msk [tilespmem:v36+s12+$0x0], $0xffff  }
0x147: {  	v46 =	vor.u32 s31, v34;
	_ =	sdelay $0x3  }
0x148: {  	[tilespmem:s30+$0x15400] =	vst.add.f32.msk $0xffff, v36  }
0x149: {  	v36 =	vld.idx.msk [tilespmem:v46+s23+$0x0], $0xffff;
	_ =	sdelay $0x3  }
0x14a: {  	v47 =	vmov s31  }
0x14b: {  	v37 =	vshll.u32 v47, $0x7;
	v36 =	vadd.s32 v0, v36  }
0x14c: {  	v37 =	vadd.s32 v35, v37;
	v48 =	vand.u32 $0xFFFFFF80, v36  }
0x14d: {  	v36 =	vand.u32 $0x7F, v36;
	v37 =	vadd.s32 v48, v37  }
0x14e: {  	v36 =	vor.u32 v36, v37;
	_ =	sdelay $0x4  }
0x14f: {  	s31 =	sadd.s32 $0xFFFFFFFC, s29;
	v36 =	vld.idx.msk [tilespmem:v36+s12+$0x0], $0xffff  }
0x150: {  	v49 =	vor.u32 s31, v34;
	_ =	sdelay $0x3  }
0x151: {  	[tilespmem:s30+$0x15400] =	vst.add.f32.msk $0xffff, v36  }
0x152: {  	v36 =	vld.idx.msk [tilespmem:v49+s23+$0x0], $0xffff;
	_ =	sdelay $0x3  }
0x153: {  	v50 =	vmov s31  }
0x154: {  	v37 =	vshll.u32 v50, $0x7;
	v36 =	vadd.s32 v0, v36  }
0x155: {  	v37 =	vadd.s32 v35, v37;
	v51 =	vand.u32 $0xFFFFFF80, v36  }
0x156: {  	v36 =	vand.u32 $0x7F, v36;
	v37 =	vadd.s32 v51, v37  }
0x157: {  	v36 =	vor.u32 v36, v37;
	_ =	sdelay $0x4  }
0x158: {  	s31 =	sadd.s32 $0xFFFFFFFD, s29;
	v36 =	vld.idx.msk [tilespmem:v36+s12+$0x0], $0xffff  }
0x159: {  	v52 =	vor.u32 s31, v34;
	_ =	sdelay $0x3  }
0x15a: {  	[tilespmem:s30+$0x15400] =	vst.add.f32.msk $0xffff, v36  }
0x15b: {  	v36 =	vld.idx.msk [tilespmem:v52+s23+$0x0], $0xffff;
	_ =	sdelay $0x3  }
0x15c: {  	v53 =	vmov s31  }
0x15d: {  	v37 =	vshll.u32 v53, $0x7;
	v36 =	vadd.s32 v0, v36  }
0x15e: {  	v37 =	vadd.s32 v35, v37;
	v54 =	vand.u32 $0xFFFFFF80, v36  }
0x15f: {  	v36 =	vand.u32 $0x7F, v36;
	v37 =	vadd.s32 v54, v37  }
0x160: {  	v36 =	vor.u32 v36, v37;
	_ =	sdelay $0x4  }
0x161: {  	s31 =	sadd.s32 $0xFFFFFFFE, s29;
	v36 =	vld.idx.msk [tilespmem:v36+s12+$0x0], $0xffff  }
0x162: {  	v55 =	vor.u32 s31, v34;
	_ =	sdelay $0x3  }
0x163: {  	[tilespmem:s30+$0x15400] =	vst.add.f32.msk $0xffff, v36  }
0x164: {  	v36 =	vld.idx.msk [tilespmem:v55+s23+$0x0], $0xffff;
	_ =	sdelay $0x3  }
0x165: {  	v56 =	vmov s31  }
0x166: {  	v37 =	vshll.u32 v56, $0x7;
	v36 =	vadd.s32 v0, v36  }
0x167: {  	v37 =	vadd.s32 v35, v37;
	v57 =	vand.u32 $0xFFFFFF80, v36  }
0x168: {  	v36 =	vand.u32 $0x7F, v36;
	v37 =	vadd.s32 v57, v37  }
0x169: {  	v36 =	vor.u32 v36, v37;
	_ =	sdelay $0x4  }
0x16a: {  	s31 =	sadd.s32 $0xFFFFFFFF, s29;
	v36 =	vld.idx.msk [tilespmem:v36+s12+$0x0], $0xffff  }
0x16b: {  	v58 =	vor.u32 s31, v34;
	_ =	sdelay $0x3  }
0x16c: {  	[tilespmem:s30+$0x15400] =	vst.add.f32.msk $0xffff, v36  }
0x16d: {  	v36 =	vld.idx.msk [tilespmem:v58+s23+$0x0], $0xffff;
	_ =	sdelay $0x3  }
0x16e: {  	v59 =	vmov s31  }
0x16f: {  	v37 =	vshll.u32 v59, $0x7;
	v36 =	vadd.s32 v0, v36  }
0x170: {  	v37 =	vadd.s32 v35, v37;
	v60 =	vand.u32 $0xFFFFFF80, v36  }
0x171: {  	v36 =	vand.u32 $0x7F, v36;
	v37 =	vadd.s32 v60, v37  }
0x172: {  	v36 =	vor.u32 v36, v37;
	_ =	sdelay $0x4  }
0x173: {  	v36 =	vld.idx.msk [tilespmem:v36+s12+$0x0], $0xffff  }
0x174: {  	v61 =	vor.u32 s29, v34;
	_ =	sdelay $0x3  }
0x175: {  	[tilespmem:s30+$0x15400] =	vst.add.f32.msk $0xffff, v36  }
0x176: {  	v36 =	vld.idx.msk [tilespmem:v61+s23+$0x0], $0xffff;
	_ =	sdelay $0x3  }
0x177: {  	v62 =	vmov s29  }
0x178: {  	v37 =	vshll.u32 v62, $0x7;
	v36 =	vadd.s32 v0, v36  }
0x179: {  	v37 =	vadd.s32 v35, v37;
	v63 =	vand.u32 $0xFFFFFF80, v36  }
0x17a: {  	v36 =	vand.u32 $0x7F, v36;
	v37 =	vadd.s32 v63, v37  }
0x17b: {  	v36 =	vor.u32 v36, v37;
	_ =	sdelay $0x4  }
0x17c: {  	p0 =	sne.s32 s29, $0x7F;
	v36 =	vld.idx.msk [tilespmem:v36+s12+$0x0], $0xffff  }
.Ltmp1:
0x17d: {  	_ = 	snop;
	(pc) =	sbr.rel @p0 .LBB2_5-.Ltmp1, $2  }
0x17e: {  	_ =	sdelay $0x2  }
0x17f: {  	s29 =	sadd.s32 $0x10, s29;
	[tilespmem:s30+$0x15400] =	vst.add.f32.msk $0xffff, v36  }
0x180: {  	p0 =	sgt.u32 s28, $0x2E  }
0x181: {  	s0 =	sadd.s32 @!p0 $0x3, s28  }
0x182: {  	s29 =	sshll.u32 @!p0 s0, $0xE;
	s0 =	sshll.u32 @!p0 s0, $0x7  }
0x183: {  	s30 =	simm.s32 @!p0 $0x80;
	s29 =	sand.u32 @!p0 $0xC000, s29;
	s0 =	sand.u32 @!p0 $0x3FFFFF80, s0  }
0x184: {  	s28 =	sadd.s32 $0x1, s28;
	s29 =	sadd.s32 @!p0 $0x5400, s29;
	s0 =	sadd.s32 @!p0 $0x1C00, s0  }
0x185: {  	[tilespmem:s29], [sflag:$0x1] =	stream.indirect.gather @!p0 [hbm4b:s3+s30], $0x80, s0, s30, $0xb8;
	[tilespmem:$0x18480] =	vst v63  }
0x186: {  	p0 =	sne.s32 s28, $0x32  }
.Ltmp2:
0x187: {  	_ = 	snop;
	(pc) =	sbr.rel @p0 .LBB2_4-.Ltmp2, $2  }
0x188: {  	_ =	sdelay $0x2  }
0x189: {  	s26 =	sadd.s32 $0x80, s26  }
0x18a: {  	[hbm4b:s5+s2] =	stream.linear.scatter [tilespmem:s24], [sflag:$0x3], $0x1000, $0x38;
	[tilespmem:$0x18480] =	vst v63  }
0x18b: {  	s25 =	sadd.s32 $0x1, s25;
	_ =	swait.ge [sflag:s9], $0x1000  }
0x18c: {  	p0 =	sne.s32 s25, s8;
	[sflag:s9] =	ssyncset.done $0x0  }
.Ltmp3:
0x18d: {  	[sflag:s9] =	ssyncadd.s32 $0xFFFFF000;
	(pc) =	sbr.rel @p0 .LBB2_1-.Ltmp3, $4  }
0x18e: {  	[hbm4b:s7+s2] =	stream.linear.scatter [tilespmem:s21], [sflag:$0x3], $0x1000, $0x38;
	[tilespmem:$0x18480] =	vst v63  }
0x18f: {  	_ =	swait.ge [sflag:s9], $0x1000  }
0x190: {  	[sflag:s9] =	ssyncset.done $0x0  }
0x191: {  	[sflag:s9] =	ssyncadd.s32 $0xFFFFF000  }
0x192: {  	_ =	sfence.sel $0x180000  }
0x193: {  	[bflag:$0x0] =	sbarrier.arrive $0xFFFF  }
0x194: {  	_ =	strace $0x9000004A  }
0x195: {  	[bflag:$0x2] =	sbarrier.arrive $0xFFFF  }
0x196: {  	p0 =	sne.s32 s1, $0x0;
	s0 =	rddreg [dreg:$0x2]  }
0x197: {  	s0 =	sadd.s32 @!p0 $0x100000, s0  }
0x198: {  	[sflag:s0] =	ssyncadd.tile.s32 @!p0 $0x1;
	_ =	shalt  }
.Lfunc_end2:
_tile_overlayer_lowered:
.L_overlay_start_2:
0x199: {  	(tag) =	ssettag $0x2  }
0x19a: {  	s0 =	rddreg [dreg:$0x0];
	s2 =	stileid.u32  }
0x19b: {  	s1 =	rddreg [dreg:$0x1];
	p0 =	sne.s32 s2, $0x0  }
0x19c: {  	s3 =	rddreg [dreg:$0x2];
	[bflag:$0x3] =	sbarrier.arrive $0xFFFF;
	s2 =	simm.s32 @!p0 $0x1C03  }
0x19d: {  	[timem:s3], [sflag:s2] =	dma.local @!p0 [hbm:s0], s1  }
0x19e: {  	s0 =	simm.s32 @!p0 $0x3  }
0x19f: {  	_ =	swait.ge @!p0 [sflag:s0], s1  }
0x1a0: {  	s1 =	ssub.s32 @!p0 $0x0, s1;
	[sflag:s0] =	ssyncset.done @!p0 $0x0  }
0x1a1: {  	[sflag:s0] =	ssyncadd.s32 @!p0 s1  }
0x1a2: {  	[bflag:$0x3] =	sbarrier.arrive $0xFFFF  }
0x1a3: {  	_ =	shalt  }

</sc_bundles>
